<compile_context>
chip_gen: v7x
topology: tpu7x:2x2x1
jax: 0.10.2.dev20260603
libtpu: 0.0.44.dev20260713+nightly
codegen_flags: <defaults>
</compile_context>

<pallas_src>
import functools

import jax
import jax.numpy as jnp
from jax import lax
from jax.experimental import pallas as pl
from jax.experimental.pallas import tpu as pltpu
from jax.experimental.pallas import tpu_sc as plsc

N = 10000
E = 160000
D = 256
P = 128
TEMP = 0.1

NC = 2
NS = 16
CH = 128
CPT = 80
EPAD = NS * CH * CPT
RPT = 632
NPAD = NS * RPT
NPR = N + 8


def _deg_body(idx2_hbm, ones_hbm, zero8_hbm, out_hbm, idxv, onesv, hist):
    c = lax.axis_index("c")
    s = lax.axis_index("s")
    pltpu.sync_copy(ones_hbm, onesv)
    pltpu.sync_copy(idx2_hbm.at[c].at[s], idxv)
    pltpu.sync_copy(zero8_hbm, hist.at[pl.ds(s * RPT, RPT)])
    plsc.subcore_barrier()

    def body(j, carry):
        pltpu.sync_copy(onesv, hist.at[idxv.at[j]], add=True)
        return carry

    lax.fori_loop(0, CPT, body, 0)
    plsc.subcore_barrier()
    pltpu.sync_copy(hist.at[pl.ds(s * RPT, RPT)],
                    out_hbm.at[c].at[pl.ds(s * RPT, RPT)])


_HCPT = CPT // 2


def _scatter_body(rows_hbm, src_hbm, dst_hbm, zrow_hbm, out_hbm,
                  gidx_all, didx_all, rows0, rows1, acc,
                  gsem0, gsem1, ssem0, ssem1):
    c = lax.axis_index("c")
    s = lax.axis_index("s")
    rows_bufs = (rows0, rows1)
    gsems = (gsem0, gsem1)
    ssems = (ssem0, ssem1)

    def prep_half(h):
        pltpu.sync_copy(src_hbm.at[s].at[pl.ds(h * _HCPT, _HCPT)], gidx_all)
        pltpu.sync_copy(dst_hbm.at[s].at[pl.ds(h * _HCPT, _HCPT)], didx_all)

        def xform(r, carry):
            for i in range(CH // 16):
                v = gidx_all[r, pl.ds(i * 16, 16)]
                gidx_all[r, pl.ds(i * 16, 16)] = v * 2 + c
            return carry

        lax.fori_loop(0, _HCPT, xform, 0)

    def prime(h):
        pltpu.async_copy(rows_hbm.at[gidx_all.at[0]], rows0, gsems[0])
        pltpu.async_copy(rows_hbm.at[gidx_all.at[1]], rows1, gsems[1])

    def run_half():
        def body(g, carry):
            for b in range(2):
                j = 2 * g + b
                pltpu.make_async_copy(rows_hbm.at[gidx_all.at[0]],
                                      rows_bufs[b], gsems[b]).wait()
                pltpu.sync_copy(rows_bufs[b], acc.at[didx_all.at[j]],
                                add=True)

                @pl.when(j + 2 < _HCPT)
                def _():
                    pltpu.async_copy(rows_hbm.at[gidx_all.at[j + 2]],
                                     rows_bufs[b], gsems[b])
            return carry

        lax.fori_loop(0, _HCPT // 2, body, 0)

    pltpu.sync_copy(zrow_hbm, acc.at[pl.ds(s * RPT, RPT)])
    prep_half(0)
    prime(0)
    plsc.subcore_barrier()
    run_half()
    prep_half(1)
    prime(1)
    run_half()
    plsc.subcore_barrier()
    pltpu.sync_copy(acc.at[pl.ds(s * RPT, RPT)],
                    out_hbm.at[c].at[pl.ds(s * RPT, RPT)])


@functools.cache
def _sc_kernels():
    mesh = plsc.VectorSubcoreMesh(core_axis_name="c", subcore_axis_name="s",
                                  num_cores=NC, num_subcores=NS)
    deg = pl.kernel(
        _deg_body,
        out_type=jax.ShapeDtypeStruct((NC, NPAD, P), jnp.float32),
        mesh=mesh,
        scratch_types=[
            pltpu.VMEM((CPT, CH), jnp.int32),
            pltpu.VMEM((CH, P), jnp.float32),
            pltpu.VMEM_SHARED((NPAD, P), jnp.float32),
        ],
    )
    scat = pl.kernel(
        _scatter_body,
        out_type=jax.ShapeDtypeStruct((NC, NPAD, P), jnp.float32),
        mesh=mesh,
        scratch_types=[
            pltpu.VMEM((_HCPT, CH), jnp.int32),
            pltpu.VMEM((_HCPT, CH), jnp.int32),
            pltpu.VMEM((CH, P), jnp.float32),
            pltpu.VMEM((CH, P), jnp.float32),
            pltpu.VMEM_SHARED((NPAD, P), jnp.float32),
            pltpu.SemaphoreType.DMA,
            pltpu.SemaphoreType.DMA,
            pltpu.SemaphoreType.DMA,
            pltpu.SemaphoreType.DMA,
        ],
    )
    return deg, scat


def _sc_degrees(idx2, ones8, zrow):
    return _sc_kernels()[0](idx2, ones8, zrow)


def _sc_scatter(rows_il, srcp, dstp, zrow):
    return _sc_kernels()[1](rows_il, srcp, dstp, zrow)



def _hn_body(x_ref, dout_ref, hn_ref):
    sc = lax.rsqrt(jnp.maximum(dout_ref[...], 1.0))
    hn_ref[...] = jnp.concatenate(
        [x_ref[...] * sc, jnp.zeros((NPR - N, D), jnp.float32)], axis=0)


def _tc_hn(x, deg_out):
    return pl.pallas_call(
        _hn_body,
        out_shape=jax.ShapeDtypeStruct((NPR, D), jnp.float32),
    )(x, deg_out)


def _base_body(agg_ref, din_ref, dout_ref, w_ref, b_ref, base_ref, hsn_ref):
    s_in = lax.rsqrt(jnp.maximum(din_ref[...], 1.0))
    agg = jnp.concatenate([agg_ref[0, :N, :], agg_ref[1, :N, :]], axis=1)
    base = jnp.dot(agg * s_in, w_ref[...],
                   preferred_element_type=jnp.float32) + b_ref[...]
    base_ref[...] = base
    hsn = base * lax.rsqrt(dout_ref[...] + 1.0)
    hsn_ref[...] = jnp.concatenate(
        [hsn, jnp.zeros((NPR - N, D), jnp.float32)], axis=0)


def _tc_base(agg2c, deg_in, deg_out, w, b):
    return pl.pallas_call(
        _base_body,
        out_shape=(
            jax.ShapeDtypeStruct((N, D), jnp.float32),
            jax.ShapeDtypeStruct((NPR, D), jnp.float32),
        ),
    )(agg2c, deg_in, deg_out, w, b)


_RB = 2000
_NRB = N // _RB


def _final_body(base_ref, r_ref, hsn_ref, din_ref, k_ref, kcw_ref,
                w1a_ref, b1a_ref, w1b_ref, b1b_ref,
                w2a_ref, b2a_ref, w2b_ref, b2b_ref,
                fh_ref, z1_ref, z2_ref, dsum_ref):
    base = base_ref[...]
    r = jnp.concatenate([r_ref[0], r_ref[1]], axis=1)
    agg2 = r + hsn_ref[...]
    lap = base - agg2 * lax.rsqrt(din_ref[...] + 1.0)
    k = k_ref[0, 0]
    kcw = kcw_ref[...]
    fh_ref[...] = base - (0.5 * (k + kcw)) * lap
    h1 = base - k * lap
    h2 = base - kcw * lap
    z1 = jnp.dot(jnp.maximum(jnp.dot(h1, w1a_ref[...],
                                     preferred_element_type=jnp.float32)
                             + b1a_ref[...], 0.0),
                 w1b_ref[...], preferred_element_type=jnp.float32) + b1b_ref[...]
    z2 = jnp.dot(jnp.maximum(jnp.dot(h2, w2a_ref[...],
                                     preferred_element_type=jnp.float32)
                             + b2a_ref[...], 0.0),
                 w2b_ref[...], preferred_element_type=jnp.float32) + b2b_ref[...]
    n1 = jnp.maximum(jnp.sqrt(jnp.sum(z1 * z1, axis=1, keepdims=True)), 1e-12)
    n2 = jnp.maximum(jnp.sqrt(jnp.sum(z2 * z2, axis=1, keepdims=True)), 1e-12)
    z1n = z1 / n1
    z2n = z2 / n2
    z1_ref[...] = z1n.astype(jnp.bfloat16)
    z2_ref[...] = z2n.astype(jnp.bfloat16)
    i = pl.program_id(0)

    @pl.when(i == 0)
    def _():
        dsum_ref[0, 0] = 0.0

    dsum_ref[0, 0] += jnp.sum(z1n * z2n)


def _tc_final(base, r, hsn, deg_in, k1, kcw, w1a, b1a, w1b, b1b,
              w2a, b2a, w2b, b2b):
    rb = lambda i: (i, 0)
    whole = lambda i: (0, 0)
    return pl.pallas_call(
        _final_body,
        grid=(_NRB,),
        in_specs=[
            pl.BlockSpec((_RB, D), rb),
            pl.BlockSpec((2, _RB, P), lambda i: (0, i, 0)),
            pl.BlockSpec((_RB, D), rb),
            pl.BlockSpec((_RB, 1), rb),
            pl.BlockSpec(memory_space=pltpu.SMEM),
            pl.BlockSpec((1, D), whole),
            pl.BlockSpec((D, D), whole),
            pl.BlockSpec((1, D), whole),
            pl.BlockSpec((D, P), whole),
            pl.BlockSpec((1, P), whole),
            pl.BlockSpec((D, D), whole),
            pl.BlockSpec((1, D), whole),
            pl.BlockSpec((D, P), whole),
            pl.BlockSpec((1, P), whole),
        ],
        out_specs=(
            pl.BlockSpec((_RB, D), rb),
            pl.BlockSpec((_RB, P), rb),
            pl.BlockSpec((_RB, P), rb),
            pl.BlockSpec(memory_space=pltpu.SMEM),
        ),
        out_shape=(
            jax.ShapeDtypeStruct((N, D), jnp.float32),
            jax.ShapeDtypeStruct((N, P), jnp.bfloat16),
            jax.ShapeDtypeStruct((N, P), jnp.bfloat16),
            jax.ShapeDtypeStruct((1, 1), jnp.float32),
        ),
    )(base, r, hsn, deg_in, k1, kcw, w1a, b1a, w1b, b1b, w2a, b2a, w2b, b2b)


_LB = 400
_NLB = N // _LB


def _loss_body(z1_ref, z2_ref, dsum_ref, out_ref, colsum, racc):
    i = pl.program_id(0)
    s = lax.dot_general(z1_ref[...], z2_ref[...],
                        (((1,), (1,)), ((), ())),
                        preferred_element_type=jnp.float32) * (1.0 / TEMP)
    ex = jnp.exp(s)

    @pl.when(i == 0)
    def _():
        colsum[...] = jnp.zeros_like(colsum)
        racc[0] = 0.0

    colsum[...] += jnp.sum(ex, axis=0, keepdims=True)
    rs = jnp.sum(ex, axis=1)
    racc[0] += jnp.sum(jnp.log(rs))

    @pl.when(i == _NLB - 1)
    def _():
        closum = jnp.sum(jnp.log(colsum[...]))
        out_ref[0, 0] = (0.5 * (racc[0] + closum) / N
                         - dsum_ref[0, 0] * (1.0 / TEMP) / N)


def _tc_loss(z1n, z2n, dsum):
    return pl.pallas_call(
        _loss_body,
        grid=(_NLB,),
        in_specs=[
            pl.BlockSpec((_LB, P), lambda i: (i, 0)),
            pl.BlockSpec((N, P), lambda i: (0, 0)),
            pl.BlockSpec(memory_space=pltpu.SMEM),
        ],
        out_specs=pl.BlockSpec(memory_space=pltpu.SMEM),
        out_shape=jax.ShapeDtypeStruct((1, 1), jnp.float32),
        scratch_shapes=[
            pltpu.VMEM((1, N), jnp.float32),
            pltpu.SMEM((1,), jnp.float32),
        ],
    )(z1n, z2n, dsum)



def _interleave(h):
    return h.reshape(NPR * 2, P)


def kernel(x, edge_index, W_gnn, b_gnn, k_cross, K_cw,
           W1a, b1a, W1b, b1b, W2a, b2a, W2b, b2b):
    src = edge_index[0]
    dst = edge_index[1]
    pad = jnp.full((EPAD - E,), N, jnp.int32)
    srcp = jnp.concatenate([src, pad]).reshape(NS, CPT, CH)
    dstp = jnp.concatenate([dst, pad]).reshape(NS, CPT, CH)
    idx2 = jnp.stack([srcp, dstp])

    ones8 = jnp.ones((CH, P), jnp.float32)
    
    zrow = jnp.zeros((RPT, P), jnp.float32)

    degs = _sc_degrees(idx2, ones8, zrow)
    deg_out = degs[0, :N, 0:1]
    deg_in = degs[1, :N, 0:1]

    hn = _tc_hn(x, deg_out)
    agg2c = _sc_scatter(_interleave(hn), srcp, dstp, zrow)

    base_h, hsn = _tc_base(agg2c, deg_in, deg_out, W_gnn, b_gnn.reshape(1, D))

    r2c = _sc_scatter(_interleave(hsn), srcp, dstp, zrow)

    final_h, z1n, z2n, dsum = _tc_final(
        base_h, r2c, hsn[:N], deg_in, k_cross.reshape(1, 1), K_cw,
        W1a, b1a.reshape(1, D), W1b, b1b.reshape(1, P),
        W2a, b2a.reshape(1, D), W2b, b2b.reshape(1, P))

    loss = _tc_loss(z1n, z2n, dsum)[0, 0]
    return final_h, loss

# --- scband reference (transcript-rebuilt; emitter-appended) ---
"""Pipeline reference for scband-rhoencoder-65395172049048 (READ-ONLY COPY).

The authoritative reference and input builder live on the scoring server;
editing this copy changes nothing except your own understanding.
"""

import jax, jax.numpy as jnp
import numpy as np

N = 10000
E = 160000
D = 256
P = 128
TEMP = 0.1


def setup_inputs(seed: int = 0) -> dict:
    key = jax.random.key(seed)
    ks = jax.random.split(key, 12)
    sc = 1.0 / np.sqrt(D)
    inp = {}
    inp["x"] = jax.random.normal(ks[0], (N, D), dtype=jnp.float32)
    inp["edge_index"] = jax.random.randint(ks[1], (2, E), 0, N, dtype=jnp.int32)
    inp["W_gnn"] = jax.random.normal(ks[2], (D, D), dtype=jnp.float32) * sc
    inp["b_gnn"] = jnp.zeros((D,), jnp.float32)
    inp["k_cross"] = jax.random.normal(ks[3], (1,), dtype=jnp.float32)
    inp["K_cw"] = jax.random.normal(ks[4], (1, D), dtype=jnp.float32)
    inp["W1a"] = jax.random.normal(ks[5], (D, D), dtype=jnp.float32) * sc
    inp["b1a"] = jnp.zeros((D,), jnp.float32)
    inp["W1b"] = jax.random.normal(ks[6], (D, P), dtype=jnp.float32) * sc
    inp["b1b"] = jnp.zeros((P,), jnp.float32)
    inp["W2a"] = jax.random.normal(ks[7], (D, D), dtype=jnp.float32) * sc
    inp["b2a"] = jnp.zeros((D,), jnp.float32)
    inp["W2b"] = jax.random.normal(ks[8], (D, P), dtype=jnp.float32) * sc
    inp["b2b"] = jnp.zeros((P,), jnp.float32)
    return inp


def _forward(x, W_gnn, b_gnn, k_cross, K_cw, W1a, b1a, W1b, b1b, W2a, b2a, W2b, b2b, src, dst):
    # base_gnn: single GraphConv layer with symmetric ('both') normalization
    ones_e = jnp.ones((E,), jnp.float32)
    deg_out = jnp.clip(jax.ops.segment_sum(ones_e, src, num_segments=N), 1.0)
    deg_in = jnp.clip(jax.ops.segment_sum(ones_e, dst, num_segments=N), 1.0)
    hn = x * (deg_out ** -0.5)[:, None]
    agg = jax.ops.segment_sum(hn[src], dst, num_segments=N)
    base_h = (agg * (deg_in ** -0.5)[:, None]) @ W_gnn + b_gnn
    # AdaFreqFilter on graph with added self-loops: H - k * (H - D^-1/2 A D^-1/2 H)
    loop = jnp.arange(N, dtype=src.dtype)
    src2 = jnp.concatenate([src, loop])
    dst2 = jnp.concatenate([dst, loop])
    ones2 = jnp.ones((E + N,), jnp.float32)
    do2 = jnp.clip(jax.ops.segment_sum(ones2, src2, num_segments=N), 1.0)
    di2 = jnp.clip(jax.ops.segment_sum(ones2, dst2, num_segments=N), 1.0)
    hsn = base_h * (do2 ** -0.5)[:, None]
    agg2 = jax.ops.segment_sum(hsn[src2], dst2, num_segments=N)
    lap = base_h - agg2 * (di2 ** -0.5)[:, None]
    h_ccr = base_h - k_cross * lap
    h_cwr = base_h - K_cw * lap
    # GNA contrastive loss (module is in training mode by default)
    z1 = jnp.maximum(h_ccr @ W1a + b1a, 0.0) @ W1b + b1b
    z2 = jnp.maximum(h_cwr @ W2a + b2a, 0.0) @ W2b + b2b
    z1n = z1 / jnp.clip(jnp.linalg.norm(z1, axis=1, keepdims=True), 1e-12)
    z2n = z2 / jnp.clip(jnp.linalg.norm(z2, axis=1, keepdims=True), 1e-12)
    logits = (z1n @ z2n.T) / TEMP
    loss12 = jnp.mean(jax.nn.logsumexp(logits, axis=1) - jnp.diag(logits))
    logits_t = logits.T
    loss21 = jnp.mean(jax.nn.logsumexp(logits_t, axis=1) - jnp.diag(logits_t))
    loss_gna = (loss12 + loss21) / 2.0
    final_h = (h_ccr + h_cwr) / 2.0
    return final_h, loss_gna


def reference(x, edge_index, W_gnn, b_gnn, k_cross, K_cw, W1a, b1a, W1b, b1b, W2a, b2a, W2b, b2b):
    src = edge_index[0]
    dst = edge_index[1]
    return _forward(x, W_gnn, b_gnn, k_cross, K_cw, W1a, b1a, W1b, b1b, W2a, b2a, W2b, b2b, src, dst)

if __name__ == "__main__":
    import jax
    _d = setup_inputs()
    print(jax.jit(kernel)(*tuple(_d.values())))

</pallas_src>

<mosaic_0001>
#map = affine_map<(d0, d1) -> (0, 0)>
#map1 = affine_map<(d0, d1) -> (0, 0, 0)>
module attributes {stable_mosaic.version = 14 : i64} {
  func.func @_scatter_body(%arg0: i32, %arg1: i32, %arg2: memref<20016x128xf32, #tpu.memory_space<hbm>>, %arg3: memref<16x80x128xi32, #tpu.memory_space<hbm>>, %arg4: memref<16x80x128xi32, #tpu.memory_space<hbm>>, %arg5: memref<632x128xf32, #tpu.memory_space<hbm>>, %arg6: memref<2x10112x128xf32, #tpu.memory_space<hbm>>, %arg7: memref<40x128xi32, #tpu.memory_space<vmem>>, %arg8: memref<40x128xi32, #tpu.memory_space<vmem>>, %arg9: memref<128x128xf32, #tpu.memory_space<vmem>>, %arg10: memref<128x128xf32, #tpu.memory_space<vmem>>, %arg11: memref<10112x128xf32, #tpu.memory_space<vmem_shared>>, %arg12: memref<!tpu.dma_semaphore, #tpu.memory_space<semaphore_mem>>, %arg13: memref<!tpu.dma_semaphore, #tpu.memory_space<semaphore_mem>>, %arg14: memref<!tpu.dma_semaphore, #tpu.memory_space<semaphore_mem>>, %arg15: memref<!tpu.dma_semaphore, #tpu.memory_space<semaphore_mem>>) attributes {dimension_semantics = [#tpu.dimension_semantics<core_parallel>, #tpu.dimension_semantics<subcore_parallel>], iteration_bounds = array<i64: 2, 16>, scalar_prefetch = 0 : i64, scratch_operands = 9 : i64, tpu.core_type = #tpu.core_type<sc_vector_subcore>, window_params = [{transform_indices = #map}, {transform_indices = #map1}, {transform_indices = #map1}, {transform_indices = #map}, {transform_indices = #map1}]} {
    %mul3A = arith.constant 632 : i32
    %mul3A_0 = arith.muli %arg1, %mul3A : i32
    "tpu.region"() ({
      %run_scoped3A = tpu.sem_alloc : memref<!tpu.dma_semaphore, #tpu.memory_space<semaphore_mem>>
      %dma_start3A_56 = arith.constant 0 : i32
      %dma_start3A_57 = tpu.memref_slice %arg11[%mul3A_0, %dma_start3A_56] : memref<10112x128xf32, #tpu.memory_space<vmem_shared>> -> memref<632x128xf32, #tpu.memory_space<vmem_shared>>
      tpu.enqueue_dma source(%arg5 : memref<632x128xf32, #tpu.memory_space<hbm>>) target(%dma_start3A_57 : memref<632x128xf32, #tpu.memory_space<vmem_shared>>) target_semaphore(%run_scoped3A : memref<!tpu.dma_semaphore, #tpu.memory_space<semaphore_mem>>)
      %dma_wait3A = arith.constant 0 : i32
      %dma_wait3A_58 = tpu.memref_slice %arg11[%mul3A_0, %dma_wait3A] : memref<10112x128xf32, #tpu.memory_space<vmem_shared>> -> memref<632x128xf32, #tpu.memory_space<vmem_shared>>
      tpu.wait_dma2 semaphore(%run_scoped3A : memref<!tpu.dma_semaphore, #tpu.memory_space<semaphore_mem>>) src(%arg5 : memref<632x128xf32, #tpu.memory_space<hbm>>) dst(%dma_wait3A_58 : memref<632x128xf32, #tpu.memory_space<vmem_shared>>)
      tpu.yield
    }) : () -> ()
    "tpu.region"() ({
      %run_scoped3A = tpu.sem_alloc : memref<!tpu.dma_semaphore, #tpu.memory_space<semaphore_mem>>
      %dma_start3A_56 = arith.constant 0 : i32
      %dma_start3A_57 = arith.constant 0 : i32
      %dma_start3A_58 = tpu.memref_slice %arg3[%arg1, %dma_start3A_56, %dma_start3A_57] : memref<16x80x128xi32, #tpu.memory_space<hbm>> -> memref<1x80x128xi32, #tpu.memory_space<hbm>>
      %dma_start3A_59 = tpu.memref_squeeze %dma_start3A_58 : memref<1x80x128xi32, #tpu.memory_space<hbm>> -> memref<80x128xi32, #tpu.memory_space<hbm>>
      %dma_start3A_60 = arith.constant 0 : i32
      %dma_start3A_61 = arith.constant 0 : i32
      %dma_start3A_62 = tpu.memref_slice %dma_start3A_59[%dma_start3A_60, %dma_start3A_61] : memref<80x128xi32, #tpu.memory_space<hbm>> -> memref<40x128xi32, #tpu.memory_space<hbm>>
      %dma_start3A_63 = arith.constant 0 : i32
      %dma_start3A_64 = arith.constant 0 : i32
      %dma_start3A_65 = tpu.memref_slice %arg3[%arg1, %dma_start3A_63, %dma_start3A_64] : memref<16x80x128xi32, #tpu.memory_space<hbm>> -> memref<1x80x128xi32, #tpu.memory_space<hbm>>
      %dma_start3A_66 = tpu.memref_squeeze %dma_start3A_65 : memref<1x80x128xi32, #tpu.memory_space<hbm>> -> memref<80x128xi32, #tpu.memory_space<hbm>>
      %dma_start3A_67 = arith.constant 0 : i32
      %dma_start3A_68 = arith.constant 0 : i32
      %dma_start3A_69 = tpu.memref_slice %dma_start3A_66[%dma_start3A_67, %dma_start3A_68] : memref<80x128xi32, #tpu.memory_space<hbm>> -> memref<40x128xi32, #tpu.memory_space<hbm>>
      tpu.enqueue_dma source(%dma_start3A_69 : memref<40x128xi32, #tpu.memory_space<hbm>>) target(%arg7 : memref<40x128xi32, #tpu.memory_space<vmem>>) target_semaphore(%run_scoped3A : memref<!tpu.dma_semaphore, #tpu.memory_space<semaphore_mem>>)
      %dma_wait3A = arith.constant 0 : i32
      %dma_wait3A_70 = arith.constant 0 : i32
      %dma_wait3A_71 = tpu.memref_slice %arg3[%arg1, %dma_wait3A, %dma_wait3A_70] : memref<16x80x128xi32, #tpu.memory_space<hbm>> -> memref<1x80x128xi32, #tpu.memory_space<hbm>>
      %dma_wait3A_72 = tpu.memref_squeeze %dma_wait3A_71 : memref<1x80x128xi32, #tpu.memory_space<hbm>> -> memref<80x128xi32, #tpu.memory_space<hbm>>
      %dma_wait3A_73 = arith.constant 0 : i32
      %dma_wait3A_74 = arith.constant 0 : i32
      %dma_wait3A_75 = tpu.memref_slice %dma_wait3A_72[%dma_wait3A_73, %dma_wait3A_74] : memref<80x128xi32, #tpu.memory_space<hbm>> -> memref<40x128xi32, #tpu.memory_space<hbm>>
      %dma_wait3A_76 = arith.constant 0 : i32
      %dma_wait3A_77 = arith.constant 0 : i32
      %dma_wait3A_78 = tpu.memref_slice %arg3[%arg1, %dma_wait3A_76, %dma_wait3A_77] : memref<16x80x128xi32, #tpu.memory_space<hbm>> -> memref<1x80x128xi32, #tpu.memory_space<hbm>>
      %dma_wait3A_79 = tpu.memref_squeeze %dma_wait3A_78 : memref<1x80x128xi32, #tpu.memory_space<hbm>> -> memref<80x128xi32, #tpu.memory_space<hbm>>
      %dma_wait3A_80 = arith.constant 0 : i32
      %dma_wait3A_81 = arith.constant 0 : i32
      %dma_wait3A_82 = tpu.memref_slice %dma_wait3A_79[%dma_wait3A_80, %dma_wait3A_81] : memref<80x128xi32, #tpu.memory_space<hbm>> -> memref<40x128xi32, #tpu.memory_space<hbm>>
      tpu.wait_dma2 semaphore(%run_scoped3A : memref<!tpu.dma_semaphore, #tpu.memory_space<semaphore_mem>>) src(%dma_wait3A_82 : memref<40x128xi32, #tpu.memory_space<hbm>>) dst(%arg7 : memref<40x128xi32, #tpu.memory_space<vmem>>)
      tpu.yield
    }) : () -> ()
    "tpu.region"() ({
      %run_scoped3A = tpu.sem_alloc : memref<!tpu.dma_semaphore, #tpu.memory_space<semaphore_mem>>
      %dma_start3A_56 = arith.constant 0 : i32
      %dma_start3A_57 = arith.constant 0 : i32
      %dma_start3A_58 = tpu.memref_slice %arg4[%arg1, %dma_start3A_56, %dma_start3A_57] : memref<16x80x128xi32, #tpu.memory_space<hbm>> -> memref<1x80x128xi32, #tpu.memory_space<hbm>>
      %dma_start3A_59 = tpu.memref_squeeze %dma_start3A_58 : memref<1x80x128xi32, #tpu.memory_space<hbm>> -> memref<80x128xi32, #tpu.memory_space<hbm>>
      %dma_start3A_60 = arith.constant 0 : i32
      %dma_start3A_61 = arith.constant 0 : i32
      %dma_start3A_62 = tpu.memref_slice %dma_start3A_59[%dma_start3A_60, %dma_start3A_61] : memref<80x128xi32, #tpu.memory_space<hbm>> -> memref<40x128xi32, #tpu.memory_space<hbm>>
      %dma_start3A_63 = arith.constant 0 : i32
      %dma_start3A_64 = arith.constant 0 : i32
      %dma_start3A_65 = tpu.memref_slice %arg4[%arg1, %dma_start3A_63, %dma_start3A_64] : memref<16x80x128xi32, #tpu.memory_space<hbm>> -> memref<1x80x128xi32, #tpu.memory_space<hbm>>
      %dma_start3A_66 = tpu.memref_squeeze %dma_start3A_65 : memref<1x80x128xi32, #tpu.memory_space<hbm>> -> memref<80x128xi32, #tpu.memory_space<hbm>>
      %dma_start3A_67 = arith.constant 0 : i32
      %dma_start3A_68 = arith.constant 0 : i32
      %dma_start3A_69 = tpu.memref_slice %dma_start3A_66[%dma_start3A_67, %dma_start3A_68] : memref<80x128xi32, #tpu.memory_space<hbm>> -> memref<40x128xi32, #tpu.memory_space<hbm>>
      tpu.enqueue_dma source(%dma_start3A_69 : memref<40x128xi32, #tpu.memory_space<hbm>>) target(%arg8 : memref<40x128xi32, #tpu.memory_space<vmem>>) target_semaphore(%run_scoped3A : memref<!tpu.dma_semaphore, #tpu.memory_space<semaphore_mem>>)
      %dma_wait3A = arith.constant 0 : i32
      %dma_wait3A_70 = arith.constant 0 : i32
      %dma_wait3A_71 = tpu.memref_slice %arg4[%arg1, %dma_wait3A, %dma_wait3A_70] : memref<16x80x128xi32, #tpu.memory_space<hbm>> -> memref<1x80x128xi32, #tpu.memory_space<hbm>>
      %dma_wait3A_72 = tpu.memref_squeeze %dma_wait3A_71 : memref<1x80x128xi32, #tpu.memory_space<hbm>> -> memref<80x128xi32, #tpu.memory_space<hbm>>
      %dma_wait3A_73 = arith.constant 0 : i32
      %dma_wait3A_74 = arith.constant 0 : i32
      %dma_wait3A_75 = tpu.memref_slice %dma_wait3A_72[%dma_wait3A_73, %dma_wait3A_74] : memref<80x128xi32, #tpu.memory_space<hbm>> -> memref<40x128xi32, #tpu.memory_space<hbm>>
      %dma_wait3A_76 = arith.constant 0 : i32
      %dma_wait3A_77 = arith.constant 0 : i32
      %dma_wait3A_78 = tpu.memref_slice %arg4[%arg1, %dma_wait3A_76, %dma_wait3A_77] : memref<16x80x128xi32, #tpu.memory_space<hbm>> -> memref<1x80x128xi32, #tpu.memory_space<hbm>>
      %dma_wait3A_79 = tpu.memref_squeeze %dma_wait3A_78 : memref<1x80x128xi32, #tpu.memory_space<hbm>> -> memref<80x128xi32, #tpu.memory_space<hbm>>
      %dma_wait3A_80 = arith.constant 0 : i32
      %dma_wait3A_81 = arith.constant 0 : i32
      %dma_wait3A_82 = tpu.memref_slice %dma_wait3A_79[%dma_wait3A_80, %dma_wait3A_81] : memref<80x128xi32, #tpu.memory_space<hbm>> -> memref<40x128xi32, #tpu.memory_space<hbm>>
      tpu.wait_dma2 semaphore(%run_scoped3A : memref<!tpu.dma_semaphore, #tpu.memory_space<semaphore_mem>>) src(%dma_wait3A_82 : memref<40x128xi32, #tpu.memory_space<hbm>>) dst(%arg8 : memref<40x128xi32, #tpu.memory_space<vmem>>)
      tpu.yield
    }) : () -> ()
    %scan3A = arith.constant 0 : i32
    %scan3A_1 = arith.constant 0 : i32
    %scan3A_2 = arith.constant 40 : i32
    %scan3A_3 = arith.addi %scan3A_1, %scan3A_2 : i32
    %scan3A_4 = arith.constant 1 : i32
    scf.for %scan3A_56 = %scan3A_1 to %scan3A_3 step %scan3A_4  : i32 {
      %get3A = arith.index_cast %scan3A_56 : i32 to index
      %get3A_57 = arith.constant 0 : index
      %get3A_58 = tpu.vector_load %arg7[%get3A, %get3A_57] {strides = array<i32>} : memref<40x128xi32, #tpu.memory_space<vmem>>, vector<1x16xi32>,
      %get3A_59 = vector.shape_cast %get3A_58 : vector<1x16xi32> to vector<16xi32>
      %mul3A_60 = arith.constant 2 : i32
      %mul3A_61 = vector.broadcast %mul3A_60 : i32 to vector<16xi32>
      %mul3A_62 = arith.muli %get3A_59, %mul3A_61 : vector<16xi32>
      %add3A = vector.broadcast %arg0 : i32 to vector<16xi32>
      %add3A_63 = arith.addi %mul3A_62, %add3A : vector<16xi32>
      %swap3A = arith.index_cast %scan3A_56 : i32 to index
      %swap3A_64 = arith.constant 0 : index
      %swap3A_65 = tpu.vector_load %arg7[%swap3A, %swap3A_64] {strides = array<i32>} : memref<40x128xi32, #tpu.memory_space<vmem>>, vector<1x16xi32>,
      %swap3A_66 = vector.shape_cast %swap3A_65 : vector<1x16xi32> to vector<16xi32>
      %swap3A_67 = vector.shape_cast %add3A_63 : vector<16xi32> to vector<1x16xi32>
      tpu.vector_store %arg7[%swap3A, %swap3A_64], %swap3A_67 {strides = array<i32>} : memref<40x128xi32, #tpu.memory_space<vmem>>, vector<1x16xi32>,
      %get3A_68 = arith.index_cast %scan3A_56 : i32 to index
      %get3A_69 = arith.constant 16 : index
      %get3A_70 = tpu.vector_load %arg7[%get3A_68, %get3A_69] {strides = array<i32>} : memref<40x128xi32, #tpu.memory_space<vmem>>, vector<1x16xi32>,
      %get3A_71 = vector.shape_cast %get3A_70 : vector<1x16xi32> to vector<16xi32>
      %mul3A_72 = arith.constant 2 : i32
      %mul3A_73 = vector.broadcast %mul3A_72 : i32 to vector<16xi32>
      %mul3A_74 = arith.muli %get3A_71, %mul3A_73 : vector<16xi32>
      %add3A_75 = vector.broadcast %arg0 : i32 to vector<16xi32>
      %add3A_76 = arith.addi %mul3A_74, %add3A_75 : vector<16xi32>
      %swap3A_77 = arith.index_cast %scan3A_56 : i32 to index
      %swap3A_78 = arith.constant 16 : index
      %swap3A_79 = tpu.vector_load %arg7[%swap3A_77, %swap3A_78] {strides = array<i32>} : memref<40x128xi32, #tpu.memory_space<vmem>>, vector<1x16xi32>,
      %swap3A_80 = vector.shape_cast %swap3A_79 : vector<1x16xi32> to vector<16xi32>
      %swap3A_81 = vector.shape_cast %add3A_76 : vector<16xi32> to vector<1x16xi32>
      tpu.vector_store %arg7[%swap3A_77, %swap3A_78], %swap3A_81 {strides = array<i32>} : memref<40x128xi32, #tpu.memory_space<vmem>>, vector<1x16xi32>,
      %get3A_82 = arith.index_cast %scan3A_56 : i32 to index
      %get3A_83 = arith.constant 32 : index
      %get3A_84 = tpu.vector_load %arg7[%get3A_82, %get3A_83] {strides = array<i32>} : memref<40x128xi32, #tpu.memory_space<vmem>>, vector<1x16xi32>,
      %get3A_85 = vector.shape_cast %get3A_84 : vector<1x16xi32> to vector<16xi32>
      %mul3A_86 = arith.constant 2 : i32
      %mul3A_87 = vector.broadcast %mul3A_86 : i32 to vector<16xi32>
      %mul3A_88 = arith.muli %get3A_85, %mul3A_87 : vector<16xi32>
      %add3A_89 = vector.broadcast %arg0 : i32 to vector<16xi32>
      %add3A_90 = arith.addi %mul3A_88, %add3A_89 : vector<16xi32>
      %swap3A_91 = arith.index_cast %scan3A_56 : i32 to index
      %swap3A_92 = arith.constant 32 : index
      %swap3A_93 = tpu.vector_load %arg7[%swap3A_91, %swap3A_92] {strides = array<i32>} : memref<40x128xi32, #tpu.memory_space<vmem>>, vector<1x16xi32>,
      %swap3A_94 = vector.shape_cast %swap3A_93 : vector<1x16xi32> to vector<16xi32>
      %swap3A_95 = vector.shape_cast %add3A_90 : vector<16xi32> to vector<1x16xi32>
      tpu.vector_store %arg7[%swap3A_91, %swap3A_92], %swap3A_95 {strides = array<i32>} : memref<40x128xi32, #tpu.memory_space<vmem>>, vector<1x16xi32>,
      %get3A_96 = arith.index_cast %scan3A_56 : i32 to index
      %get3A_97 = arith.constant 48 : index
      %get3A_98 = tpu.vector_load %arg7[%get3A_96, %get3A_97] {strides = array<i32>} : memref<40x128xi32, #tpu.memory_space<vmem>>, vector<1x16xi32>,
      %get3A_99 = vector.shape_cast %get3A_98 : vector<1x16xi32> to vector<16xi32>
      %mul3A_100 = arith.constant 2 : i32
      %mul3A_101 = vector.broadcast %mul3A_100 : i32 to vector<16xi32>
      %mul3A_102 = arith.muli %get3A_99, %mul3A_101 : vector<16xi32>
      %add3A_103 = vector.broadcast %arg0 : i32 to vector<16xi32>
      %add3A_104 = arith.addi %mul3A_102, %add3A_103 : vector<16xi32>
      %swap3A_105 = arith.index_cast %scan3A_56 : i32 to index
      %swap3A_106 = arith.constant 48 : index
      %swap3A_107 = tpu.vector_load %arg7[%swap3A_105, %swap3A_106] {strides = array<i32>} : memref<40x128xi32, #tpu.memory_space<vmem>>, vector<1x16xi32>,
      %swap3A_108 = vector.shape_cast %swap3A_107 : vector<1x16xi32> to vector<16xi32>
      %swap3A_109 = vector.shape_cast %add3A_104 : vector<16xi32> to vector<1x16xi32>
      tpu.vector_store %arg7[%swap3A_105, %swap3A_106], %swap3A_109 {strides = array<i32>} : memref<40x128xi32, #tpu.memory_space<vmem>>, vector<1x16xi32>,
      %get3A_110 = arith.index_cast %scan3A_56 : i32 to index
      %get3A_111 = arith.constant 64 : index
      %get3A_112 = tpu.vector_load %arg7[%get3A_110, %get3A_111] {strides = array<i32>} : memref<40x128xi32, #tpu.memory_space<vmem>>, vector<1x16xi32>,
      %get3A_113 = vector.shape_cast %get3A_112 : vector<1x16xi32> to vector<16xi32>
      %mul3A_114 = arith.constant 2 : i32
      %mul3A_115 = vector.broadcast %mul3A_114 : i32 to vector<16xi32>
      %mul3A_116 = arith.muli %get3A_113, %mul3A_115 : vector<16xi32>
      %add3A_117 = vector.broadcast %arg0 : i32 to vector<16xi32>
      %add3A_118 = arith.addi %mul3A_116, %add3A_117 : vector<16xi32>
      %swap3A_119 = arith.index_cast %scan3A_56 : i32 to index
      %swap3A_120 = arith.constant 64 : index
      %swap3A_121 = tpu.vector_load %arg7[%swap3A_119, %swap3A_120] {strides = array<i32>} : memref<40x128xi32, #tpu.memory_space<vmem>>, vector<1x16xi32>,
      %swap3A_122 = vector.shape_cast %swap3A_121 : vector<1x16xi32> to vector<16xi32>
      %swap3A_123 = vector.shape_cast %add3A_118 : vector<16xi32> to vector<1x16xi32>
      tpu.vector_store %arg7[%swap3A_119, %swap3A_120], %swap3A_123 {strides = array<i32>} : memref<40x128xi32, #tpu.memory_space<vmem>>, vector<1x16xi32>,
      %get3A_124 = arith.index_cast %scan3A_56 : i32 to index
      %get3A_125 = arith.constant 80 : index
      %get3A_126 = tpu.vector_load %arg7[%get3A_124, %get3A_125] {strides = array<i32>} : memref<40x128xi32, #tpu.memory_space<vmem>>, vector<1x16xi32>,
      %get3A_127 = vector.shape_cast %get3A_126 : vector<1x16xi32> to vector<16xi32>
      %mul3A_128 = arith.constant 2 : i32
      %mul3A_129 = vector.broadcast %mul3A_128 : i32 to vector<16xi32>
      %mul3A_130 = arith.muli %get3A_127, %mul3A_129 : vector<16xi32>
      %add3A_131 = vector.broadcast %arg0 : i32 to vector<16xi32>
      %add3A_132 = arith.addi %mul3A_130, %add3A_131 : vector<16xi32>
      %swap3A_133 = arith.index_cast %scan3A_56 : i32 to index
      %swap3A_134 = arith.constant 80 : index
      %swap3A_135 = tpu.vector_load %arg7[%swap3A_133, %swap3A_134] {strides = array<i32>} : memref<40x128xi32, #tpu.memory_space<vmem>>, vector<1x16xi32>,
      %swap3A_136 = vector.shape_cast %swap3A_135 : vector<1x16xi32> to vector<16xi32>
      %swap3A_137 = vector.shape_cast %add3A_132 : vector<16xi32> to vector<1x16xi32>
      tpu.vector_store %arg7[%swap3A_133, %swap3A_134], %swap3A_137 {strides = array<i32>} : memref<40x128xi32, #tpu.memory_space<vmem>>, vector<1x16xi32>,
      %get3A_138 = arith.index_cast %scan3A_56 : i32 to index
      %get3A_139 = arith.constant 96 : index
      %get3A_140 = tpu.vector_load %arg7[%get3A_138, %get3A_139] {strides = array<i32>} : memref<40x128xi32, #tpu.memory_space<vmem>>, vector<1x16xi32>,
      %get3A_141 = vector.shape_cast %get3A_140 : vector<1x16xi32> to vector<16xi32>
      %mul3A_142 = arith.constant 2 : i32
      %mul3A_143 = vector.broadcast %mul3A_142 : i32 to vector<16xi32>
      %mul3A_144 = arith.muli %get3A_141, %mul3A_143 : vector<16xi32>
      %add3A_145 = vector.broadcast %arg0 : i32 to vector<16xi32>
      %add3A_146 = arith.addi %mul3A_144, %add3A_145 : vector<16xi32>
      %swap3A_147 = arith.index_cast %scan3A_56 : i32 to index
      %swap3A_148 = arith.constant 96 : index
      %swap3A_149 = tpu.vector_load %arg7[%swap3A_147, %swap3A_148] {strides = array<i32>} : memref<40x128xi32, #tpu.memory_space<vmem>>, vector<1x16xi32>,
      %swap3A_150 = vector.shape_cast %swap3A_149 : vector<1x16xi32> to vector<16xi32>
      %swap3A_151 = vector.shape_cast %add3A_146 : vector<16xi32> to vector<1x16xi32>
      tpu.vector_store %arg7[%swap3A_147, %swap3A_148], %swap3A_151 {strides = array<i32>} : memref<40x128xi32, #tpu.memory_space<vmem>>, vector<1x16xi32>,
      %get3A_152 = arith.index_cast %scan3A_56 : i32 to index
      %get3A_153 = arith.constant 112 : index
      %get3A_154 = tpu.vector_load %arg7[%get3A_152, %get3A_153] {strides = array<i32>} : memref<40x128xi32, #tpu.memory_space<vmem>>, vector<1x16xi32>,
      %get3A_155 = vector.shape_cast %get3A_154 : vector<1x16xi32> to vector<16xi32>
      %mul3A_156 = arith.constant 2 : i32
      %mul3A_157 = vector.broadcast %mul3A_156 : i32 to vector<16xi32>
      %mul3A_158 = arith.muli %get3A_155, %mul3A_157 : vector<16xi32>
      %add3A_159 = vector.broadcast %arg0 : i32 to vector<16xi32>
      %add3A_160 = arith.addi %mul3A_158, %add3A_159 : vector<16xi32>
      %swap3A_161 = arith.index_cast %scan3A_56 : i32 to index
      %swap3A_162 = arith.constant 112 : index
      %swap3A_163 = tpu.vector_load %arg7[%swap3A_161, %swap3A_162] {strides = array<i32>} : memref<40x128xi32, #tpu.memory_space<vmem>>, vector<1x16xi32>,
      %swap3A_164 = vector.shape_cast %swap3A_163 : vector<1x16xi32> to vector<16xi32>
      %swap3A_165 = vector.shape_cast %add3A_160 : vector<16xi32> to vector<1x16xi32>
      tpu.vector_store %arg7[%swap3A_161, %swap3A_162], %swap3A_165 {strides = array<i32>} : memref<40x128xi32, #tpu.memory_space<vmem>>, vector<1x16xi32>,
    }
    %scan3A_5 = arith.constant 40 : i32
    %dma_start3A = arith.constant 0 : i32
    %dma_start3A_6 = arith.constant 0 : i32
    %dma_start3A_7 = tpu.memref_slice %arg7[%dma_start3A, %dma_start3A_6] : memref<40x128xi32, #tpu.memory_space<vmem>> -> memref<1x128xi32, #tpu.memory_space<vmem>>
    %dma_start3A_8 = tpu.memref_squeeze %dma_start3A_7 : memref<1x128xi32, #tpu.memory_space<vmem>> -> memref<128xi32, #tpu.memory_space<vmem>>
    %dma_start3A_9 = arith.constant 0 : i32
    %dma_start3A_10 = arith.constant 0 : i32
    %dma_start3A_11 = tpu.memref_slice %arg2[%dma_start3A_9, %dma_start3A_10] : memref<20016x128xf32, #tpu.memory_space<hbm>> -> memref<20016x128xf32, #tpu.memory_space<hbm>>
    tpu.enqueue_indirect_dma source(%dma_start3A_11 : memref<20016x128xf32, #tpu.memory_space<hbm>>) target(%arg9 : memref<128x128xf32, #tpu.memory_space<vmem>>) offsets(%dma_start3A_8 : memref<128xi32, #tpu.memory_space<vmem>>) semaphore(%arg12 : memref<!tpu.dma_semaphore, #tpu.memory_space<semaphore_mem>>)
    %dma_start3A_12 = arith.constant 1 : i32
    %dma_start3A_13 = arith.constant 0 : i32
    %dma_start3A_14 = tpu.memref_slice %arg7[%dma_start3A_12, %dma_start3A_13] : memref<40x128xi32, #tpu.memory_space<vmem>> -> memref<1x128xi32, #tpu.memory_space<vmem>>
    %dma_start3A_15 = tpu.memref_squeeze %dma_start3A_14 : memref<1x128xi32, #tpu.memory_space<vmem>> -> memref<128xi32, #tpu.memory_space<vmem>>
    %dma_start3A_16 = arith.constant 0 : i32
    %dma_start3A_17 = arith.constant 0 : i32
    %dma_start3A_18 = tpu.memref_slice %arg2[%dma_start3A_16, %dma_start3A_17] : memref<20016x128xf32, #tpu.memory_space<hbm>> -> memref<20016x128xf32, #tpu.memory_space<hbm>>
    tpu.enqueue_indirect_dma source(%dma_start3A_18 : memref<20016x128xf32, #tpu.memory_space<hbm>>) target(%arg10 : memref<128x128xf32, #tpu.memory_space<vmem>>) offsets(%dma_start3A_15 : memref<128xi32, #tpu.memory_space<vmem>>) semaphore(%arg13 : memref<!tpu.dma_semaphore, #tpu.memory_space<semaphore_mem>>)
    %barrier3A = arith.constant 0 : index
    tpu.barrier barrier_id(%barrier3A)
    %scan3A_19 = arith.constant 0 : i32
    %scan3A_20 = arith.constant 0 : i32
    %scan3A_21 = arith.constant 20 : i32
    %scan3A_22 = arith.addi %scan3A_20, %scan3A_21 : i32
    %scan3A_23 = arith.constant 1 : i32
    scf.for %scan3A_56 = %scan3A_20 to %scan3A_22 step %scan3A_23  : i32 {
      %mul3A_57 = arith.constant 2 : i32
      %mul3A_58 = arith.muli %mul3A_57, %scan3A_56 : i32
      %add3A = arith.constant 0 : i32
      %add3A_59 = arith.addi %mul3A_58, %add3A : i32
      %dma_wait3A = arith.constant 0 : i32
      %dma_wait3A_60 = arith.constant 0 : i32
      %dma_wait3A_61 = tpu.memref_slice %arg7[%dma_wait3A, %dma_wait3A_60] : memref<40x128xi32, #tpu.memory_space<vmem>> -> memref<1x128xi32, #tpu.memory_space<vmem>>
      %dma_wait3A_62 = tpu.memref_squeeze %dma_wait3A_61 : memref<1x128xi32, #tpu.memory_space<vmem>> -> memref<128xi32, #tpu.memory_space<vmem>>
      %dma_wait3A_63 = arith.constant 0 : i32
      %dma_wait3A_64 = arith.constant 0 : i32
      %dma_wait3A_65 = tpu.memref_slice %arg2[%dma_wait3A_63, %dma_wait3A_64] : memref<20016x128xf32, #tpu.memory_space<hbm>> -> memref<20016x128xf32, #tpu.memory_space<hbm>>
      tpu.wait_indirect_dma semaphore(%arg12 : memref<!tpu.dma_semaphore, #tpu.memory_space<semaphore_mem>>) src(%dma_wait3A_65 : memref<20016x128xf32, #tpu.memory_space<hbm>>) dst(%arg9 : memref<128x128xf32, #tpu.memory_space<vmem>>)
      "tpu.region"() ({
        %run_scoped3A = tpu.sem_alloc : memref<!tpu.dma_semaphore, #tpu.memory_space<semaphore_mem>>
        %dma_start3A_88 = arith.constant 0 : i32
        %dma_start3A_89 = tpu.memref_slice %arg8[%add3A_59, %dma_start3A_88] : memref<40x128xi32, #tpu.memory_space<vmem>> -> memref<1x128xi32, #tpu.memory_space<vmem>>
        %dma_start3A_90 = tpu.memref_squeeze %dma_start3A_89 : memref<1x128xi32, #tpu.memory_space<vmem>> -> memref<128xi32, #tpu.memory_space<vmem>>
        %dma_start3A_91 = arith.constant 0 : i32
        %dma_start3A_92 = arith.constant 0 : i32
        %dma_start3A_93 = tpu.memref_slice %arg11[%dma_start3A_91, %dma_start3A_92] : memref<10112x128xf32, #tpu.memory_space<vmem_shared>> -> memref<10112x128xf32, #tpu.memory_space<vmem_shared>>
        tpu.enqueue_indirect_dma source(%arg9 : memref<128x128xf32, #tpu.memory_space<vmem>>) target(%dma_start3A_93 : memref<10112x128xf32, #tpu.memory_space<vmem_shared>>) offsets(%dma_start3A_90 : memref<128xi32, #tpu.memory_space<vmem>>) semaphore(%run_scoped3A : memref<!tpu.dma_semaphore, #tpu.memory_space<semaphore_mem>>) {add = true}
        %dma_wait3A_94 = arith.constant 0 : i32
        %dma_wait3A_95 = tpu.memref_slice %arg8[%add3A_59, %dma_wait3A_94] : memref<40x128xi32, #tpu.memory_space<vmem>> -> memref<1x128xi32, #tpu.memory_space<vmem>>
        %dma_wait3A_96 = tpu.memref_squeeze %dma_wait3A_95 : memref<1x128xi32, #tpu.memory_space<vmem>> -> memref<128xi32, #tpu.memory_space<vmem>>
        %dma_wait3A_97 = arith.constant 0 : i32
        %dma_wait3A_98 = arith.constant 0 : i32
        %dma_wait3A_99 = tpu.memref_slice %arg11[%dma_wait3A_97, %dma_wait3A_98] : memref<10112x128xf32, #tpu.memory_space<vmem_shared>> -> memref<10112x128xf32, #tpu.memory_space<vmem_shared>>
        tpu.wait_indirect_dma semaphore(%run_scoped3A : memref<!tpu.dma_semaphore, #tpu.memory_space<semaphore_mem>>) src(%arg9 : memref<128x128xf32, #tpu.memory_space<vmem>>) dst(%dma_wait3A_99 : memref<10112x128xf32, #tpu.memory_space<vmem_shared>>)
        tpu.yield
      }) : () -> ()
      %add3A_66 = arith.constant 2 : i32
      %add3A_67 = arith.addi %add3A_59, %add3A_66 : i32
      %lt3A = arith.constant 40 : i32
      %lt3A_68 = arith.cmpi slt, %add3A_67, %lt3A : i32
      %convert_element_type3A = arith.extui %lt3A_68 : i1 to i32
      %cond3A = arith.constant 0 : i32
      %cond3A_69 = arith.cmpi ne, %convert_element_type3A, %cond3A : i32
      scf.if %cond3A_69 {
        %add3A_88 = arith.constant 2 : i32
        %add3A_89 = arith.addi %add3A_59, %add3A_88 : i32
        %dma_start3A_90 = arith.constant 0 : i32
        %dma_start3A_91 = tpu.memref_slice %arg7[%add3A_89, %dma_start3A_90] : memref<40x128xi32, #tpu.memory_space<vmem>> -> memref<1x128xi32, #tpu.memory_space<vmem>>
        %dma_start3A_92 = tpu.memref_squeeze %dma_start3A_91 : memref<1x128xi32, #tpu.memory_space<vmem>> -> memref<128xi32, #tpu.memory_space<vmem>>
        %dma_start3A_93 = arith.constant 0 : i32
        %dma_start3A_94 = arith.constant 0 : i32
        %dma_start3A_95 = tpu.memref_slice %arg2[%dma_start3A_93, %dma_start3A_94] : memref<20016x128xf32, #tpu.memory_space<hbm>> -> memref<20016x128xf32, #tpu.memory_space<hbm>>
        tpu.enqueue_indirect_dma source(%dma_start3A_95 : memref<20016x128xf32, #tpu.memory_space<hbm>>) target(%arg9 : memref<128x128xf32, #tpu.memory_space<vmem>>) offsets(%dma_start3A_92 : memref<128xi32, #tpu.memory_space<vmem>>) semaphore(%arg12 : memref<!tpu.dma_semaphore, #tpu.memory_space<semaphore_mem>>)
      } else {
      }
      %mul3A_70 = arith.constant 2 : i32
      %mul3A_71 = arith.muli %mul3A_70, %scan3A_56 : i32
      %add3A_72 = arith.constant 1 : i32
      %add3A_73 = arith.addi %mul3A_71, %add3A_72 : i32
      %dma_wait3A_74 = arith.constant 0 : i32
      %dma_wait3A_75 = arith.constant 0 : i32
      %dma_wait3A_76 = tpu.memref_slice %arg7[%dma_wait3A_74, %dma_wait3A_75] : memref<40x128xi32, #tpu.memory_space<vmem>> -> memref<1x128xi32, #tpu.memory_space<vmem>>
      %dma_wait3A_77 = tpu.memref_squeeze %dma_wait3A_76 : memref<1x128xi32, #tpu.memory_space<vmem>> -> memref<128xi32, #tpu.memory_space<vmem>>
      %dma_wait3A_78 = arith.constant 0 : i32
      %dma_wait3A_79 = arith.constant 0 : i32
      %dma_wait3A_80 = tpu.memref_slice %arg2[%dma_wait3A_78, %dma_wait3A_79] : memref<20016x128xf32, #tpu.memory_space<hbm>> -> memref<20016x128xf32, #tpu.memory_space<hbm>>
      tpu.wait_indirect_dma semaphore(%arg13 : memref<!tpu.dma_semaphore, #tpu.memory_space<semaphore_mem>>) src(%dma_wait3A_80 : memref<20016x128xf32, #tpu.memory_space<hbm>>) dst(%arg10 : memref<128x128xf32, #tpu.memory_space<vmem>>)
      "tpu.region"() ({
        %run_scoped3A = tpu.sem_alloc : memref<!tpu.dma_semaphore, #tpu.memory_space<semaphore_mem>>
        %dma_start3A_88 = arith.constant 0 : i32
        %dma_start3A_89 = tpu.memref_slice %arg8[%add3A_73, %dma_start3A_88] : memref<40x128xi32, #tpu.memory_space<vmem>> -> memref<1x128xi32, #tpu.memory_space<vmem>>
        %dma_start3A_90 = tpu.memref_squeeze %dma_start3A_89 : memref<1x128xi32, #tpu.memory_space<vmem>> -> memref<128xi32, #tpu.memory_space<vmem>>
        %dma_start3A_91 = arith.constant 0 : i32
        %dma_start3A_92 = arith.constant 0 : i32
        %dma_start3A_93 = tpu.memref_slice %arg11[%dma_start3A_91, %dma_start3A_92] : memref<10112x128xf32, #tpu.memory_space<vmem_shared>> -> memref<10112x128xf32, #tpu.memory_space<vmem_shared>>
        tpu.enqueue_indirect_dma source(%arg10 : memref<128x128xf32, #tpu.memory_space<vmem>>) target(%dma_start3A_93 : memref<10112x128xf32, #tpu.memory_space<vmem_shared>>) offsets(%dma_start3A_90 : memref<128xi32, #tpu.memory_space<vmem>>) semaphore(%run_scoped3A : memref<!tpu.dma_semaphore, #tpu.memory_space<semaphore_mem>>) {add = true}
        %dma_wait3A_94 = arith.constant 0 : i32
        %dma_wait3A_95 = tpu.memref_slice %arg8[%add3A_73, %dma_wait3A_94] : memref<40x128xi32, #tpu.memory_space<vmem>> -> memref<1x128xi32, #tpu.memory_space<vmem>>
        %dma_wait3A_96 = tpu.memref_squeeze %dma_wait3A_95 : memref<1x128xi32, #tpu.memory_space<vmem>> -> memref<128xi32, #tpu.memory_space<vmem>>
        %dma_wait3A_97 = arith.constant 0 : i32
        %dma_wait3A_98 = arith.constant 0 : i32
        %dma_wait3A_99 = tpu.memref_slice %arg11[%dma_wait3A_97, %dma_wait3A_98] : memref<10112x128xf32, #tpu.memory_space<vmem_shared>> -> memref<10112x128xf32, #tpu.memory_space<vmem_shared>>
        tpu.wait_indirect_dma semaphore(%run_scoped3A : memref<!tpu.dma_semaphore, #tpu.memory_space<semaphore_mem>>) src(%arg10 : memref<128x128xf32, #tpu.memory_space<vmem>>) dst(%dma_wait3A_99 : memref<10112x128xf32, #tpu.memory_space<vmem_shared>>)
        tpu.yield
      }) : () -> ()
      %add3A_81 = arith.constant 2 : i32
      %add3A_82 = arith.addi %add3A_73, %add3A_81 : i32
      %lt3A_83 = arith.constant 40 : i32
      %lt3A_84 = arith.cmpi slt, %add3A_82, %lt3A_83 : i32
      %convert_element_type3A_85 = arith.extui %lt3A_84 : i1 to i32
      %cond3A_86 = arith.constant 0 : i32
      %cond3A_87 = arith.cmpi ne, %convert_element_type3A_85, %cond3A_86 : i32
      scf.if %cond3A_87 {
        %add3A_88 = arith.constant 2 : i32
        %add3A_89 = arith.addi %add3A_73, %add3A_88 : i32
        %dma_start3A_90 = arith.constant 0 : i32
        %dma_start3A_91 = tpu.memref_slice %arg7[%add3A_89, %dma_start3A_90] : memref<40x128xi32, #tpu.memory_space<vmem>> -> memref<1x128xi32, #tpu.memory_space<vmem>>
        %dma_start3A_92 = tpu.memref_squeeze %dma_start3A_91 : memref<1x128xi32, #tpu.memory_space<vmem>> -> memref<128xi32, #tpu.memory_space<vmem>>
        %dma_start3A_93 = arith.constant 0 : i32
        %dma_start3A_94 = arith.constant 0 : i32
        %dma_start3A_95 = tpu.memref_slice %arg2[%dma_start3A_93, %dma_start3A_94] : memref<20016x128xf32, #tpu.memory_space<hbm>> -> memref<20016x128xf32, #tpu.memory_space<hbm>>
        tpu.enqueue_indirect_dma source(%dma_start3A_95 : memref<20016x128xf32, #tpu.memory_space<hbm>>) target(%arg10 : memref<128x128xf32, #tpu.memory_space<vmem>>) offsets(%dma_start3A_92 : memref<128xi32, #tpu.memory_space<vmem>>) semaphore(%arg13 : memref<!tpu.dma_semaphore, #tpu.memory_space<semaphore_mem>>)
      } else {
      }
    }
    %scan3A_24 = arith.constant 20 : i32
    "tpu.region"() ({
      %run_scoped3A = tpu.sem_alloc : memref<!tpu.dma_semaphore, #tpu.memory_space<semaphore_mem>>
      %dma_start3A_56 = arith.constant 0 : i32
      %dma_start3A_57 = arith.constant 0 : i32
      %dma_start3A_58 = tpu.memref_slice %arg3[%arg1, %dma_start3A_56, %dma_start3A_57] : memref<16x80x128xi32, #tpu.memory_space<hbm>> -> memref<1x80x128xi32, #tpu.memory_space<hbm>>
      %dma_start3A_59 = tpu.memref_squeeze %dma_start3A_58 : memref<1x80x128xi32, #tpu.memory_space<hbm>> -> memref<80x128xi32, #tpu.memory_space<hbm>>
      %dma_start3A_60 = arith.constant 40 : i32
      %dma_start3A_61 = arith.constant 0 : i32
      %dma_start3A_62 = tpu.memref_slice %dma_start3A_59[%dma_start3A_60, %dma_start3A_61] : memref<80x128xi32, #tpu.memory_space<hbm>> -> memref<40x128xi32, #tpu.memory_space<hbm>>
      %dma_start3A_63 = arith.constant 0 : i32
      %dma_start3A_64 = arith.constant 0 : i32
      %dma_start3A_65 = tpu.memref_slice %arg3[%arg1, %dma_start3A_63, %dma_start3A_64] : memref<16x80x128xi32, #tpu.memory_space<hbm>> -> memref<1x80x128xi32, #tpu.memory_space<hbm>>
      %dma_start3A_66 = tpu.memref_squeeze %dma_start3A_65 : memref<1x80x128xi32, #tpu.memory_space<hbm>> -> memref<80x128xi32, #tpu.memory_space<hbm>>
      %dma_start3A_67 = arith.constant 40 : i32
      %dma_start3A_68 = arith.constant 0 : i32
      %dma_start3A_69 = tpu.memref_slice %dma_start3A_66[%dma_start3A_67, %dma_start3A_68] : memref<80x128xi32, #tpu.memory_space<hbm>> -> memref<40x128xi32, #tpu.memory_space<hbm>>
      tpu.enqueue_dma source(%dma_start3A_69 : memref<40x128xi32, #tpu.memory_space<hbm>>) target(%arg7 : memref<40x128xi32, #tpu.memory_space<vmem>>) target_semaphore(%run_scoped3A : memref<!tpu.dma_semaphore, #tpu.memory_space<semaphore_mem>>)
      %dma_wait3A = arith.constant 0 : i32
      %dma_wait3A_70 = arith.constant 0 : i32
      %dma_wait3A_71 = tpu.memref_slice %arg3[%arg1, %dma_wait3A, %dma_wait3A_70] : memref<16x80x128xi32, #tpu.memory_space<hbm>> -> memref<1x80x128xi32, #tpu.memory_space<hbm>>
      %dma_wait3A_72 = tpu.memref_squeeze %dma_wait3A_71 : memref<1x80x128xi32, #tpu.memory_space<hbm>> -> memref<80x128xi32, #tpu.memory_space<hbm>>
      %dma_wait3A_73 = arith.constant 40 : i32
      %dma_wait3A_74 = arith.constant 0 : i32
      %dma_wait3A_75 = tpu.memref_slice %dma_wait3A_72[%dma_wait3A_73, %dma_wait3A_74] : memref<80x128xi32, #tpu.memory_space<hbm>> -> memref<40x128xi32, #tpu.memory_space<hbm>>
      %dma_wait3A_76 = arith.constant 0 : i32
      %dma_wait3A_77 = arith.constant 0 : i32
      %dma_wait3A_78 = tpu.memref_slice %arg3[%arg1, %dma_wait3A_76, %dma_wait3A_77] : memref<16x80x128xi32, #tpu.memory_space<hbm>> -> memref<1x80x128xi32, #tpu.memory_space<hbm>>
      %dma_wait3A_79 = tpu.memref_squeeze %dma_wait3A_78 : memref<1x80x128xi32, #tpu.memory_space<hbm>> -> memref<80x128xi32, #tpu.memory_space<hbm>>
      %dma_wait3A_80 = arith.constant 40 : i32
      %dma_wait3A_81 = arith.constant 0 : i32
      %dma_wait3A_82 = tpu.memref_slice %dma_wait3A_79[%dma_wait3A_80, %dma_wait3A_81] : memref<80x128xi32, #tpu.memory_space<hbm>> -> memref<40x128xi32, #tpu.memory_space<hbm>>
      tpu.wait_dma2 semaphore(%run_scoped3A : memref<!tpu.dma_semaphore, #tpu.memory_space<semaphore_mem>>) src(%dma_wait3A_82 : memref<40x128xi32, #tpu.memory_space<hbm>>) dst(%arg7 : memref<40x128xi32, #tpu.memory_space<vmem>>)
      tpu.yield
    }) : () -> ()
    "tpu.region"() ({
      %run_scoped3A = tpu.sem_alloc : memref<!tpu.dma_semaphore, #tpu.memory_space<semaphore_mem>>
      %dma_start3A_56 = arith.constant 0 : i32
      %dma_start3A_57 = arith.constant 0 : i32
      %dma_start3A_58 = tpu.memref_slice %arg4[%arg1, %dma_start3A_56, %dma_start3A_57] : memref<16x80x128xi32, #tpu.memory_space<hbm>> -> memref<1x80x128xi32, #tpu.memory_space<hbm>>
      %dma_start3A_59 = tpu.memref_squeeze %dma_start3A_58 : memref<1x80x128xi32, #tpu.memory_space<hbm>> -> memref<80x128xi32, #tpu.memory_space<hbm>>
      %dma_start3A_60 = arith.constant 40 : i32
      %dma_start3A_61 = arith.constant 0 : i32
      %dma_start3A_62 = tpu.memref_slice %dma_start3A_59[%dma_start3A_60, %dma_start3A_61] : memref<80x128xi32, #tpu.memory_space<hbm>> -> memref<40x128xi32, #tpu.memory_space<hbm>>
      %dma_start3A_63 = arith.constant 0 : i32
      %dma_start3A_64 = arith.constant 0 : i32
      %dma_start3A_65 = tpu.memref_slice %arg4[%arg1, %dma_start3A_63, %dma_start3A_64] : memref<16x80x128xi32, #tpu.memory_space<hbm>> -> memref<1x80x128xi32, #tpu.memory_space<hbm>>
      %dma_start3A_66 = tpu.memref_squeeze %dma_start3A_65 : memref<1x80x128xi32, #tpu.memory_space<hbm>> -> memref<80x128xi32, #tpu.memory_space<hbm>>
      %dma_start3A_67 = arith.constant 40 : i32
      %dma_start3A_68 = arith.constant 0 : i32
      %dma_start3A_69 = tpu.memref_slice %dma_start3A_66[%dma_start3A_67, %dma_start3A_68] : memref<80x128xi32, #tpu.memory_space<hbm>> -> memref<40x128xi32, #tpu.memory_space<hbm>>
      tpu.enqueue_dma source(%dma_start3A_69 : memref<40x128xi32, #tpu.memory_space<hbm>>) target(%arg8 : memref<40x128xi32, #tpu.memory_space<vmem>>) target_semaphore(%run_scoped3A : memref<!tpu.dma_semaphore, #tpu.memory_space<semaphore_mem>>)
      %dma_wait3A = arith.constant 0 : i32
      %dma_wait3A_70 = arith.constant 0 : i32
      %dma_wait3A_71 = tpu.memref_slice %arg4[%arg1, %dma_wait3A, %dma_wait3A_70] : memref<16x80x128xi32, #tpu.memory_space<hbm>> -> memref<1x80x128xi32, #tpu.memory_space<hbm>>
      %dma_wait3A_72 = tpu.memref_squeeze %dma_wait3A_71 : memref<1x80x128xi32, #tpu.memory_space<hbm>> -> memref<80x128xi32, #tpu.memory_space<hbm>>
      %dma_wait3A_73 = arith.constant 40 : i32
      %dma_wait3A_74 = arith.constant 0 : i32
      %dma_wait3A_75 = tpu.memref_slice %dma_wait3A_72[%dma_wait3A_73, %dma_wait3A_74] : memref<80x128xi32, #tpu.memory_space<hbm>> -> memref<40x128xi32, #tpu.memory_space<hbm>>
      %dma_wait3A_76 = arith.constant 0 : i32
      %dma_wait3A_77 = arith.constant 0 : i32
      %dma_wait3A_78 = tpu.memref_slice %arg4[%arg1, %dma_wait3A_76, %dma_wait3A_77] : memref<16x80x128xi32, #tpu.memory_space<hbm>> -> memref<1x80x128xi32, #tpu.memory_space<hbm>>
      %dma_wait3A_79 = tpu.memref_squeeze %dma_wait3A_78 : memref<1x80x128xi32, #tpu.memory_space<hbm>> -> memref<80x128xi32, #tpu.memory_space<hbm>>
      %dma_wait3A_80 = arith.constant 40 : i32
      %dma_wait3A_81 = arith.constant 0 : i32
      %dma_wait3A_82 = tpu.memref_slice %dma_wait3A_79[%dma_wait3A_80, %dma_wait3A_81] : memref<80x128xi32, #tpu.memory_space<hbm>> -> memref<40x128xi32, #tpu.memory_space<hbm>>
      tpu.wait_dma2 semaphore(%run_scoped3A : memref<!tpu.dma_semaphore, #tpu.memory_space<semaphore_mem>>) src(%dma_wait3A_82 : memref<40x128xi32, #tpu.memory_space<hbm>>) dst(%arg8 : memref<40x128xi32, #tpu.memory_space<vmem>>)
      tpu.yield
    }) : () -> ()
    %scan3A_25 = arith.constant 0 : i32
    %scan3A_26 = arith.constant 0 : i32
    %scan3A_27 = arith.constant 40 : i32
    %scan3A_28 = arith.addi %scan3A_26, %scan3A_27 : i32
    %scan3A_29 = arith.constant 1 : i32
    scf.for %scan3A_56 = %scan3A_26 to %scan3A_28 step %scan3A_29  : i32 {
      %get3A = arith.index_cast %scan3A_56 : i32 to index
      %get3A_57 = arith.constant 0 : index
      %get3A_58 = tpu.vector_load %arg7[%get3A, %get3A_57] {strides = array<i32>} : memref<40x128xi32, #tpu.memory_space<vmem>>, vector<1x16xi32>,
      %get3A_59 = vector.shape_cast %get3A_58 : vector<1x16xi32> to vector<16xi32>
      %mul3A_60 = arith.constant 2 : i32
      %mul3A_61 = vector.broadcast %mul3A_60 : i32 to vector<16xi32>
      %mul3A_62 = arith.muli %get3A_59, %mul3A_61 : vector<16xi32>
      %add3A = vector.broadcast %arg0 : i32 to vector<16xi32>
      %add3A_63 = arith.addi %mul3A_62, %add3A : vector<16xi32>
      %swap3A = arith.index_cast %scan3A_56 : i32 to index
      %swap3A_64 = arith.constant 0 : index
      %swap3A_65 = tpu.vector_load %arg7[%swap3A, %swap3A_64] {strides = array<i32>} : memref<40x128xi32, #tpu.memory_space<vmem>>, vector<1x16xi32>,
      %swap3A_66 = vector.shape_cast %swap3A_65 : vector<1x16xi32> to vector<16xi32>
      %swap3A_67 = vector.shape_cast %add3A_63 : vector<16xi32> to vector<1x16xi32>
      tpu.vector_store %arg7[%swap3A, %swap3A_64], %swap3A_67 {strides = array<i32>} : memref<40x128xi32, #tpu.memory_space<vmem>>, vector<1x16xi32>,
      %get3A_68 = arith.index_cast %scan3A_56 : i32 to index
      %get3A_69 = arith.constant 16 : index
      %get3A_70 = tpu.vector_load %arg7[%get3A_68, %get3A_69] {strides = array<i32>} : memref<40x128xi32, #tpu.memory_space<vmem>>, vector<1x16xi32>,
      %get3A_71 = vector.shape_cast %get3A_70 : vector<1x16xi32> to vector<16xi32>
      %mul3A_72 = arith.constant 2 : i32
      %mul3A_73 = vector.broadcast %mul3A_72 : i32 to vector<16xi32>
      %mul3A_74 = arith.muli %get3A_71, %mul3A_73 : vector<16xi32>
      %add3A_75 = vector.broadcast %arg0 : i32 to vector<16xi32>
      %add3A_76 = arith.addi %mul3A_74, %add3A_75 : vector<16xi32>
      %swap3A_77 = arith.index_cast %scan3A_56 : i32 to index
      %swap3A_78 = arith.constant 16 : index
      %swap3A_79 = tpu.vector_load %arg7[%swap3A_77, %swap3A_78] {strides = array<i32>} : memref<40x128xi32, #tpu.memory_space<vmem>>, vector<1x16xi32>,
      %swap3A_80 = vector.shape_cast %swap3A_79 : vector<1x16xi32> to vector<16xi32>
      %swap3A_81 = vector.shape_cast %add3A_76 : vector<16xi32> to vector<1x16xi32>
      tpu.vector_store %arg7[%swap3A_77, %swap3A_78], %swap3A_81 {strides = array<i32>} : memref<40x128xi32, #tpu.memory_space<vmem>>, vector<1x16xi32>,
      %get3A_82 = arith.index_cast %scan3A_56 : i32 to index
      %get3A_83 = arith.constant 32 : index
      %get3A_84 = tpu.vector_load %arg7[%get3A_82, %get3A_83] {strides = array<i32>} : memref<40x128xi32, #tpu.memory_space<vmem>>, vector<1x16xi32>,
      %get3A_85 = vector.shape_cast %get3A_84 : vector<1x16xi32> to vector<16xi32>
      %mul3A_86 = arith.constant 2 : i32
      %mul3A_87 = vector.broadcast %mul3A_86 : i32 to vector<16xi32>
      %mul3A_88 = arith.muli %get3A_85, %mul3A_87 : vector<16xi32>
      %add3A_89 = vector.broadcast %arg0 : i32 to vector<16xi32>
      %add3A_90 = arith.addi %mul3A_88, %add3A_89 : vector<16xi32>
      %swap3A_91 = arith.index_cast %scan3A_56 : i32 to index
      %swap3A_92 = arith.constant 32 : index
      %swap3A_93 = tpu.vector_load %arg7[%swap3A_91, %swap3A_92] {strides = array<i32>} : memref<40x128xi32, #tpu.memory_space<vmem>>, vector<1x16xi32>,
      %swap3A_94 = vector.shape_cast %swap3A_93 : vector<1x16xi32> to vector<16xi32>
      %swap3A_95 = vector.shape_cast %add3A_90 : vector<16xi32> to vector<1x16xi32>
      tpu.vector_store %arg7[%swap3A_91, %swap3A_92], %swap3A_95 {strides = array<i32>} : memref<40x128xi32, #tpu.memory_space<vmem>>, vector<1x16xi32>,
      %get3A_96 = arith.index_cast %scan3A_56 : i32 to index
      %get3A_97 = arith.constant 48 : index
      %get3A_98 = tpu.vector_load %arg7[%get3A_96, %get3A_97] {strides = array<i32>} : memref<40x128xi32, #tpu.memory_space<vmem>>, vector<1x16xi32>,
      %get3A_99 = vector.shape_cast %get3A_98 : vector<1x16xi32> to vector<16xi32>
      %mul3A_100 = arith.constant 2 : i32
      %mul3A_101 = vector.broadcast %mul3A_100 : i32 to vector<16xi32>
      %mul3A_102 = arith.muli %get3A_99, %mul3A_101 : vector<16xi32>
      %add3A_103 = vector.broadcast %arg0 : i32 to vector<16xi32>
      %add3A_104 = arith.addi %mul3A_102, %add3A_103 : vector<16xi32>
      %swap3A_105 = arith.index_cast %scan3A_56 : i32 to index
      %swap3A_106 = arith.constant 48 : index
      %swap3A_107 = tpu.vector_load %arg7[%swap3A_105, %swap3A_106] {strides = array<i32>} : memref<40x128xi32, #tpu.memory_space<vmem>>, vector<1x16xi32>,
      %swap3A_108 = vector.shape_cast %swap3A_107 : vector<1x16xi32> to vector<16xi32>
      %swap3A_109 = vector.shape_cast %add3A_104 : vector<16xi32> to vector<1x16xi32>
      tpu.vector_store %arg7[%swap3A_105, %swap3A_106], %swap3A_109 {strides = array<i32>} : memref<40x128xi32, #tpu.memory_space<vmem>>, vector<1x16xi32>,
      %get3A_110 = arith.index_cast %scan3A_56 : i32 to index
      %get3A_111 = arith.constant 64 : index
      %get3A_112 = tpu.vector_load %arg7[%get3A_110, %get3A_111] {strides = array<i32>} : memref<40x128xi32, #tpu.memory_space<vmem>>, vector<1x16xi32>,
      %get3A_113 = vector.shape_cast %get3A_112 : vector<1x16xi32> to vector<16xi32>
      %mul3A_114 = arith.constant 2 : i32
      %mul3A_115 = vector.broadcast %mul3A_114 : i32 to vector<16xi32>
      %mul3A_116 = arith.muli %get3A_113, %mul3A_115 : vector<16xi32>
      %add3A_117 = vector.broadcast %arg0 : i32 to vector<16xi32>
      %add3A_118 = arith.addi %mul3A_116, %add3A_117 : vector<16xi32>
      %swap3A_119 = arith.index_cast %scan3A_56 : i32 to index
      %swap3A_120 = arith.constant 64 : index
      %swap3A_121 = tpu.vector_load %arg7[%swap3A_119, %swap3A_120] {strides = array<i32>} : memref<40x128xi32, #tpu.memory_space<vmem>>, vector<1x16xi32>,
      %swap3A_122 = vector.shape_cast %swap3A_121 : vector<1x16xi32> to vector<16xi32>
      %swap3A_123 = vector.shape_cast %add3A_118 : vector<16xi32> to vector<1x16xi32>
      tpu.vector_store %arg7[%swap3A_119, %swap3A_120], %swap3A_123 {strides = array<i32>} : memref<40x128xi32, #tpu.memory_space<vmem>>, vector<1x16xi32>,
      %get3A_124 = arith.index_cast %scan3A_56 : i32 to index
      %get3A_125 = arith.constant 80 : index
      %get3A_126 = tpu.vector_load %arg7[%get3A_124, %get3A_125] {strides = array<i32>} : memref<40x128xi32, #tpu.memory_space<vmem>>, vector<1x16xi32>,
      %get3A_127 = vector.shape_cast %get3A_126 : vector<1x16xi32> to vector<16xi32>
      %mul3A_128 = arith.constant 2 : i32
      %mul3A_129 = vector.broadcast %mul3A_128 : i32 to vector<16xi32>
      %mul3A_130 = arith.muli %get3A_127, %mul3A_129 : vector<16xi32>
      %add3A_131 = vector.broadcast %arg0 : i32 to vector<16xi32>
      %add3A_132 = arith.addi %mul3A_130, %add3A_131 : vector<16xi32>
      %swap3A_133 = arith.index_cast %scan3A_56 : i32 to index
      %swap3A_134 = arith.constant 80 : index
      %swap3A_135 = tpu.vector_load %arg7[%swap3A_133, %swap3A_134] {strides = array<i32>} : memref<40x128xi32, #tpu.memory_space<vmem>>, vector<1x16xi32>,
      %swap3A_136 = vector.shape_cast %swap3A_135 : vector<1x16xi32> to vector<16xi32>
      %swap3A_137 = vector.shape_cast %add3A_132 : vector<16xi32> to vector<1x16xi32>
      tpu.vector_store %arg7[%swap3A_133, %swap3A_134], %swap3A_137 {strides = array<i32>} : memref<40x128xi32, #tpu.memory_space<vmem>>, vector<1x16xi32>,
      %get3A_138 = arith.index_cast %scan3A_56 : i32 to index
      %get3A_139 = arith.constant 96 : index
      %get3A_140 = tpu.vector_load %arg7[%get3A_138, %get3A_139] {strides = array<i32>} : memref<40x128xi32, #tpu.memory_space<vmem>>, vector<1x16xi32>,
      %get3A_141 = vector.shape_cast %get3A_140 : vector<1x16xi32> to vector<16xi32>
      %mul3A_142 = arith.constant 2 : i32
      %mul3A_143 = vector.broadcast %mul3A_142 : i32 to vector<16xi32>
      %mul3A_144 = arith.muli %get3A_141, %mul3A_143 : vector<16xi32>
      %add3A_145 = vector.broadcast %arg0 : i32 to vector<16xi32>
      %add3A_146 = arith.addi %mul3A_144, %add3A_145 : vector<16xi32>
      %swap3A_147 = arith.index_cast %scan3A_56 : i32 to index
      %swap3A_148 = arith.constant 96 : index
      %swap3A_149 = tpu.vector_load %arg7[%swap3A_147, %swap3A_148] {strides = array<i32>} : memref<40x128xi32, #tpu.memory_space<vmem>>, vector<1x16xi32>,
      %swap3A_150 = vector.shape_cast %swap3A_149 : vector<1x16xi32> to vector<16xi32>
      %swap3A_151 = vector.shape_cast %add3A_146 : vector<16xi32> to vector<1x16xi32>
      tpu.vector_store %arg7[%swap3A_147, %swap3A_148], %swap3A_151 {strides = array<i32>} : memref<40x128xi32, #tpu.memory_space<vmem>>, vector<1x16xi32>,
      %get3A_152 = arith.index_cast %scan3A_56 : i32 to index
      %get3A_153 = arith.constant 112 : index
      %get3A_154 = tpu.vector_load %arg7[%get3A_152, %get3A_153] {strides = array<i32>} : memref<40x128xi32, #tpu.memory_space<vmem>>, vector<1x16xi32>,
      %get3A_155 = vector.shape_cast %get3A_154 : vector<1x16xi32> to vector<16xi32>
      %mul3A_156 = arith.constant 2 : i32
      %mul3A_157 = vector.broadcast %mul3A_156 : i32 to vector<16xi32>
      %mul3A_158 = arith.muli %get3A_155, %mul3A_157 : vector<16xi32>
      %add3A_159 = vector.broadcast %arg0 : i32 to vector<16xi32>
      %add3A_160 = arith.addi %mul3A_158, %add3A_159 : vector<16xi32>
      %swap3A_161 = arith.index_cast %scan3A_56 : i32 to index
      %swap3A_162 = arith.constant 112 : index
      %swap3A_163 = tpu.vector_load %arg7[%swap3A_161, %swap3A_162] {strides = array<i32>} : memref<40x128xi32, #tpu.memory_space<vmem>>, vector<1x16xi32>,
      %swap3A_164 = vector.shape_cast %swap3A_163 : vector<1x16xi32> to vector<16xi32>
      %swap3A_165 = vector.shape_cast %add3A_160 : vector<16xi32> to vector<1x16xi32>
      tpu.vector_store %arg7[%swap3A_161, %swap3A_162], %swap3A_165 {strides = array<i32>} : memref<40x128xi32, #tpu.memory_space<vmem>>, vector<1x16xi32>,
    }
    %scan3A_30 = arith.constant 40 : i32
    %dma_start3A_31 = arith.constant 0 : i32
    %dma_start3A_32 = arith.constant 0 : i32
    %dma_start3A_33 = tpu.memref_slice %arg7[%dma_start3A_31, %dma_start3A_32] : memref<40x128xi32, #tpu.memory_space<vmem>> -> memref<1x128xi32, #tpu.memory_space<vmem>>
    %dma_start3A_34 = tpu.memref_squeeze %dma_start3A_33 : memref<1x128xi32, #tpu.memory_space<vmem>> -> memref<128xi32, #tpu.memory_space<vmem>>
    %dma_start3A_35 = arith.constant 0 : i32
    %dma_start3A_36 = arith.constant 0 : i32
    %dma_start3A_37 = tpu.memref_slice %arg2[%dma_start3A_35, %dma_start3A_36] : memref<20016x128xf32, #tpu.memory_space<hbm>> -> memref<20016x128xf32, #tpu.memory_space<hbm>>
    tpu.enqueue_indirect_dma source(%dma_start3A_37 : memref<20016x128xf32, #tpu.memory_space<hbm>>) target(%arg9 : memref<128x128xf32, #tpu.memory_space<vmem>>) offsets(%dma_start3A_34 : memref<128xi32, #tpu.memory_space<vmem>>) semaphore(%arg12 : memref<!tpu.dma_semaphore, #tpu.memory_space<semaphore_mem>>)
    %dma_start3A_38 = arith.constant 1 : i32
    %dma_start3A_39 = arith.constant 0 : i32
    %dma_start3A_40 = tpu.memref_slice %arg7[%dma_start3A_38, %dma_start3A_39] : memref<40x128xi32, #tpu.memory_space<vmem>> -> memref<1x128xi32, #tpu.memory_space<vmem>>
    %dma_start3A_41 = tpu.memref_squeeze %dma_start3A_40 : memref<1x128xi32, #tpu.memory_space<vmem>> -> memref<128xi32, #tpu.memory_space<vmem>>
    %dma_start3A_42 = arith.constant 0 : i32
    %dma_start3A_43 = arith.constant 0 : i32
    %dma_start3A_44 = tpu.memref_slice %arg2[%dma_start3A_42, %dma_start3A_43] : memref<20016x128xf32, #tpu.memory_space<hbm>> -> memref<20016x128xf32, #tpu.memory_space<hbm>>
    tpu.enqueue_indirect_dma source(%dma_start3A_44 : memref<20016x128xf32, #tpu.memory_space<hbm>>) target(%arg10 : memref<128x128xf32, #tpu.memory_space<vmem>>) offsets(%dma_start3A_41 : memref<128xi32, #tpu.memory_space<vmem>>) semaphore(%arg13 : memref<!tpu.dma_semaphore, #tpu.memory_space<semaphore_mem>>)
    %scan3A_45 = arith.constant 0 : i32
    %scan3A_46 = arith.constant 0 : i32
    %scan3A_47 = arith.constant 20 : i32
    %scan3A_48 = arith.addi %scan3A_46, %scan3A_47 : i32
    %scan3A_49 = arith.constant 1 : i32
    scf.for %scan3A_56 = %scan3A_46 to %scan3A_48 step %scan3A_49  : i32 {
      %mul3A_57 = arith.constant 2 : i32
      %mul3A_58 = arith.muli %mul3A_57, %scan3A_56 : i32
      %add3A = arith.constant 0 : i32
      %add3A_59 = arith.addi %mul3A_58, %add3A : i32
      %dma_wait3A = arith.constant 0 : i32
      %dma_wait3A_60 = arith.constant 0 : i32
      %dma_wait3A_61 = tpu.memref_slice %arg7[%dma_wait3A, %dma_wait3A_60] : memref<40x128xi32, #tpu.memory_space<vmem>> -> memref<1x128xi32, #tpu.memory_space<vmem>>
      %dma_wait3A_62 = tpu.memref_squeeze %dma_wait3A_61 : memref<1x128xi32, #tpu.memory_space<vmem>> -> memref<128xi32, #tpu.memory_space<vmem>>
      %dma_wait3A_63 = arith.constant 0 : i32
      %dma_wait3A_64 = arith.constant 0 : i32
      %dma_wait3A_65 = tpu.memref_slice %arg2[%dma_wait3A_63, %dma_wait3A_64] : memref<20016x128xf32, #tpu.memory_space<hbm>> -> memref<20016x128xf32, #tpu.memory_space<hbm>>
      tpu.wait_indirect_dma semaphore(%arg12 : memref<!tpu.dma_semaphore, #tpu.memory_space<semaphore_mem>>) src(%dma_wait3A_65 : memref<20016x128xf32, #tpu.memory_space<hbm>>) dst(%arg9 : memref<128x128xf32, #tpu.memory_space<vmem>>)
      "tpu.region"() ({
        %run_scoped3A = tpu.sem_alloc : memref<!tpu.dma_semaphore, #tpu.memory_space<semaphore_mem>>
        %dma_start3A_88 = arith.constant 0 : i32
        %dma_start3A_89 = tpu.memref_slice %arg8[%add3A_59, %dma_start3A_88] : memref<40x128xi32, #tpu.memory_space<vmem>> -> memref<1x128xi32, #tpu.memory_space<vmem>>
        %dma_start3A_90 = tpu.memref_squeeze %dma_start3A_89 : memref<1x128xi32, #tpu.memory_space<vmem>> -> memref<128xi32, #tpu.memory_space<vmem>>
        %dma_start3A_91 = arith.constant 0 : i32
        %dma_start3A_92 = arith.constant 0 : i32
        %dma_start3A_93 = tpu.memref_slice %arg11[%dma_start3A_91, %dma_start3A_92] : memref<10112x128xf32, #tpu.memory_space<vmem_shared>> -> memref<10112x128xf32, #tpu.memory_space<vmem_shared>>
        tpu.enqueue_indirect_dma source(%arg9 : memref<128x128xf32, #tpu.memory_space<vmem>>) target(%dma_start3A_93 : memref<10112x128xf32, #tpu.memory_space<vmem_shared>>) offsets(%dma_start3A_90 : memref<128xi32, #tpu.memory_space<vmem>>) semaphore(%run_scoped3A : memref<!tpu.dma_semaphore, #tpu.memory_space<semaphore_mem>>) {add = true}
        %dma_wait3A_94 = arith.constant 0 : i32
        %dma_wait3A_95 = tpu.memref_slice %arg8[%add3A_59, %dma_wait3A_94] : memref<40x128xi32, #tpu.memory_space<vmem>> -> memref<1x128xi32, #tpu.memory_space<vmem>>
        %dma_wait3A_96 = tpu.memref_squeeze %dma_wait3A_95 : memref<1x128xi32, #tpu.memory_space<vmem>> -> memref<128xi32, #tpu.memory_space<vmem>>
        %dma_wait3A_97 = arith.constant 0 : i32
        %dma_wait3A_98 = arith.constant 0 : i32
        %dma_wait3A_99 = tpu.memref_slice %arg11[%dma_wait3A_97, %dma_wait3A_98] : memref<10112x128xf32, #tpu.memory_space<vmem_shared>> -> memref<10112x128xf32, #tpu.memory_space<vmem_shared>>
        tpu.wait_indirect_dma semaphore(%run_scoped3A : memref<!tpu.dma_semaphore, #tpu.memory_space<semaphore_mem>>) src(%arg9 : memref<128x128xf32, #tpu.memory_space<vmem>>) dst(%dma_wait3A_99 : memref<10112x128xf32, #tpu.memory_space<vmem_shared>>)
        tpu.yield
      }) : () -> ()
      %add3A_66 = arith.constant 2 : i32
      %add3A_67 = arith.addi %add3A_59, %add3A_66 : i32
      %lt3A = arith.constant 40 : i32
      %lt3A_68 = arith.cmpi slt, %add3A_67, %lt3A : i32
      %convert_element_type3A = arith.extui %lt3A_68 : i1 to i32
      %cond3A = arith.constant 0 : i32
      %cond3A_69 = arith.cmpi ne, %convert_element_type3A, %cond3A : i32
      scf.if %cond3A_69 {
        %add3A_88 = arith.constant 2 : i32
        %add3A_89 = arith.addi %add3A_59, %add3A_88 : i32
        %dma_start3A_90 = arith.constant 0 : i32
        %dma_start3A_91 = tpu.memref_slice %arg7[%add3A_89, %dma_start3A_90] : memref<40x128xi32, #tpu.memory_space<vmem>> -> memref<1x128xi32, #tpu.memory_space<vmem>>
        %dma_start3A_92 = tpu.memref_squeeze %dma_start3A_91 : memref<1x128xi32, #tpu.memory_space<vmem>> -> memref<128xi32, #tpu.memory_space<vmem>>
        %dma_start3A_93 = arith.constant 0 : i32
        %dma_start3A_94 = arith.constant 0 : i32
        %dma_start3A_95 = tpu.memref_slice %arg2[%dma_start3A_93, %dma_start3A_94] : memref<20016x128xf32, #tpu.memory_space<hbm>> -> memref<20016x128xf32, #tpu.memory_space<hbm>>
        tpu.enqueue_indirect_dma source(%dma_start3A_95 : memref<20016x128xf32, #tpu.memory_space<hbm>>) target(%arg9 : memref<128x128xf32, #tpu.memory_space<vmem>>) offsets(%dma_start3A_92 : memref<128xi32, #tpu.memory_space<vmem>>) semaphore(%arg12 : memref<!tpu.dma_semaphore, #tpu.memory_space<semaphore_mem>>)
      } else {
      }
      %mul3A_70 = arith.constant 2 : i32
      %mul3A_71 = arith.muli %mul3A_70, %scan3A_56 : i32
      %add3A_72 = arith.constant 1 : i32
      %add3A_73 = arith.addi %mul3A_71, %add3A_72 : i32
      %dma_wait3A_74 = arith.constant 0 : i32
      %dma_wait3A_75 = arith.constant 0 : i32
      %dma_wait3A_76 = tpu.memref_slice %arg7[%dma_wait3A_74, %dma_wait3A_75] : memref<40x128xi32, #tpu.memory_space<vmem>> -> memref<1x128xi32, #tpu.memory_space<vmem>>
      %dma_wait3A_77 = tpu.memref_squeeze %dma_wait3A_76 : memref<1x128xi32, #tpu.memory_space<vmem>> -> memref<128xi32, #tpu.memory_space<vmem>>
      %dma_wait3A_78 = arith.constant 0 : i32
      %dma_wait3A_79 = arith.constant 0 : i32
      %dma_wait3A_80 = tpu.memref_slice %arg2[%dma_wait3A_78, %dma_wait3A_79] : memref<20016x128xf32, #tpu.memory_space<hbm>> -> memref<20016x128xf32, #tpu.memory_space<hbm>>
      tpu.wait_indirect_dma semaphore(%arg13 : memref<!tpu.dma_semaphore, #tpu.memory_space<semaphore_mem>>) src(%dma_wait3A_80 : memref<20016x128xf32, #tpu.memory_space<hbm>>) dst(%arg10 : memref<128x128xf32, #tpu.memory_space<vmem>>)
      "tpu.region"() ({
        %run_scoped3A = tpu.sem_alloc : memref<!tpu.dma_semaphore, #tpu.memory_space<semaphore_mem>>
        %dma_start3A_88 = arith.constant 0 : i32
        %dma_start3A_89 = tpu.memref_slice %arg8[%add3A_73, %dma_start3A_88] : memref<40x128xi32, #tpu.memory_space<vmem>> -> memref<1x128xi32, #tpu.memory_space<vmem>>
        %dma_start3A_90 = tpu.memref_squeeze %dma_start3A_89 : memref<1x128xi32, #tpu.memory_space<vmem>> -> memref<128xi32, #tpu.memory_space<vmem>>
        %dma_start3A_91 = arith.constant 0 : i32
        %dma_start3A_92 = arith.constant 0 : i32
        %dma_start3A_93 = tpu.memref_slice %arg11[%dma_start3A_91, %dma_start3A_92] : memref<10112x128xf32, #tpu.memory_space<vmem_shared>> -> memref<10112x128xf32, #tpu.memory_space<vmem_shared>>
        tpu.enqueue_indirect_dma source(%arg10 : memref<128x128xf32, #tpu.memory_space<vmem>>) target(%dma_start3A_93 : memref<10112x128xf32, #tpu.memory_space<vmem_shared>>) offsets(%dma_start3A_90 : memref<128xi32, #tpu.memory_space<vmem>>) semaphore(%run_scoped3A : memref<!tpu.dma_semaphore, #tpu.memory_space<semaphore_mem>>) {add = true}
        %dma_wait3A_94 = arith.constant 0 : i32
        %dma_wait3A_95 = tpu.memref_slice %arg8[%add3A_73, %dma_wait3A_94] : memref<40x128xi32, #tpu.memory_space<vmem>> -> memref<1x128xi32, #tpu.memory_space<vmem>>
        %dma_wait3A_96 = tpu.memref_squeeze %dma_wait3A_95 : memref<1x128xi32, #tpu.memory_space<vmem>> -> memref<128xi32, #tpu.memory_space<vmem>>
        %dma_wait3A_97 = arith.constant 0 : i32
        %dma_wait3A_98 = arith.constant 0 : i32
        %dma_wait3A_99 = tpu.memref_slice %arg11[%dma_wait3A_97, %dma_wait3A_98] : memref<10112x128xf32, #tpu.memory_space<vmem_shared>> -> memref<10112x128xf32, #tpu.memory_space<vmem_shared>>
        tpu.wait_indirect_dma semaphore(%run_scoped3A : memref<!tpu.dma_semaphore, #tpu.memory_space<semaphore_mem>>) src(%arg10 : memref<128x128xf32, #tpu.memory_space<vmem>>) dst(%dma_wait3A_99 : memref<10112x128xf32, #tpu.memory_space<vmem_shared>>)
        tpu.yield
      }) : () -> ()
      %add3A_81 = arith.constant 2 : i32
      %add3A_82 = arith.addi %add3A_73, %add3A_81 : i32
      %lt3A_83 = arith.constant 40 : i32
      %lt3A_84 = arith.cmpi slt, %add3A_82, %lt3A_83 : i32
      %convert_element_type3A_85 = arith.extui %lt3A_84 : i1 to i32
      %cond3A_86 = arith.constant 0 : i32
      %cond3A_87 = arith.cmpi ne, %convert_element_type3A_85, %cond3A_86 : i32
      scf.if %cond3A_87 {
        %add3A_88 = arith.constant 2 : i32
        %add3A_89 = arith.addi %add3A_73, %add3A_88 : i32
        %dma_start3A_90 = arith.constant 0 : i32
        %dma_start3A_91 = tpu.memref_slice %arg7[%add3A_89, %dma_start3A_90] : memref<40x128xi32, #tpu.memory_space<vmem>> -> memref<1x128xi32, #tpu.memory_space<vmem>>
        %dma_start3A_92 = tpu.memref_squeeze %dma_start3A_91 : memref<1x128xi32, #tpu.memory_space<vmem>> -> memref<128xi32, #tpu.memory_space<vmem>>
        %dma_start3A_93 = arith.constant 0 : i32
        %dma_start3A_94 = arith.constant 0 : i32
        %dma_start3A_95 = tpu.memref_slice %arg2[%dma_start3A_93, %dma_start3A_94] : memref<20016x128xf32, #tpu.memory_space<hbm>> -> memref<20016x128xf32, #tpu.memory_space<hbm>>
        tpu.enqueue_indirect_dma source(%dma_start3A_95 : memref<20016x128xf32, #tpu.memory_space<hbm>>) target(%arg10 : memref<128x128xf32, #tpu.memory_space<vmem>>) offsets(%dma_start3A_92 : memref<128xi32, #tpu.memory_space<vmem>>) semaphore(%arg13 : memref<!tpu.dma_semaphore, #tpu.memory_space<semaphore_mem>>)
      } else {
      }
    }
    %scan3A_50 = arith.constant 20 : i32
    %barrier3A_51 = arith.constant 0 : index
    tpu.barrier barrier_id(%barrier3A_51)
    %mul3A_52 = arith.constant 632 : i32
    %mul3A_53 = arith.muli %arg1, %mul3A_52 : i32
    %mul3A_54 = arith.constant 632 : i32
    %mul3A_55 = arith.muli %arg1, %mul3A_54 : i32
    "tpu.region"() ({
      %run_scoped3A = tpu.sem_alloc : memref<!tpu.dma_semaphore, #tpu.memory_space<semaphore_mem>>
      %dma_start3A_56 = arith.constant 0 : i32
      %dma_start3A_57 = arith.constant 0 : i32
      %dma_start3A_58 = tpu.memref_slice %arg6[%arg0, %dma_start3A_56, %dma_start3A_57] : memref<2x10112x128xf32, #tpu.memory_space<hbm>> -> memref<1x10112x128xf32, #tpu.memory_space<hbm>>
      %dma_start3A_59 = tpu.memref_squeeze %dma_start3A_58 : memref<1x10112x128xf32, #tpu.memory_space<hbm>> -> memref<10112x128xf32, #tpu.memory_space<hbm>>
      %dma_start3A_60 = arith.constant 0 : i32
      %dma_start3A_61 = tpu.memref_slice %dma_start3A_59[%mul3A_55, %dma_start3A_60] : memref<10112x128xf32, #tpu.memory_space<hbm>> -> memref<632x128xf32, #tpu.memory_space<hbm>>
      %dma_start3A_62 = arith.constant 0 : i32
      %dma_start3A_63 = tpu.memref_slice %arg11[%mul3A_53, %dma_start3A_62] : memref<10112x128xf32, #tpu.memory_space<vmem_shared>> -> memref<632x128xf32, #tpu.memory_space<vmem_shared>>
      tpu.enqueue_dma source(%dma_start3A_63 : memref<632x128xf32, #tpu.memory_space<vmem_shared>>) target(%dma_start3A_61 : memref<632x128xf32, #tpu.memory_space<hbm>>) target_semaphore(%run_scoped3A : memref<!tpu.dma_semaphore, #tpu.memory_space<semaphore_mem>>)
      %dma_wait3A = arith.constant 0 : i32
      %dma_wait3A_64 = arith.constant 0 : i32
      %dma_wait3A_65 = tpu.memref_slice %arg6[%arg0, %dma_wait3A, %dma_wait3A_64] : memref<2x10112x128xf32, #tpu.memory_space<hbm>> -> memref<1x10112x128xf32, #tpu.memory_space<hbm>>
      %dma_wait3A_66 = tpu.memref_squeeze %dma_wait3A_65 : memref<1x10112x128xf32, #tpu.memory_space<hbm>> -> memref<10112x128xf32, #tpu.memory_space<hbm>>
      %dma_wait3A_67 = arith.constant 0 : i32
      %dma_wait3A_68 = tpu.memref_slice %dma_wait3A_66[%mul3A_55, %dma_wait3A_67] : memref<10112x128xf32, #tpu.memory_space<hbm>> -> memref<632x128xf32, #tpu.memory_space<hbm>>
      %dma_wait3A_69 = arith.constant 0 : i32
      %dma_wait3A_70 = tpu.memref_slice %arg11[%mul3A_53, %dma_wait3A_69] : memref<10112x128xf32, #tpu.memory_space<vmem_shared>> -> memref<632x128xf32, #tpu.memory_space<vmem_shared>>
      tpu.wait_dma2 semaphore(%run_scoped3A : memref<!tpu.dma_semaphore, #tpu.memory_space<semaphore_mem>>) src(%dma_wait3A_70 : memref<632x128xf32, #tpu.memory_space<vmem_shared>>) dst(%dma_wait3A_68 : memref<632x128xf32, #tpu.memory_space<hbm>>)
      tpu.yield
    }) : () -> ()
    return
  }
}

#map = affine_map<(d0, d1) -> (0, 0, 0, 0)>
#map1 = affine_map<(d0, d1) -> (0, 0)>
#map2 = affine_map<(d0, d1) -> (0, 0, 0)>
module attributes {stable_mosaic.version = 14 : i64} {
  func.func @_deg_body(%arg0: i32, %arg1: i32, %arg2: memref<2x16x80x128xi32, #tpu.memory_space<hbm>>, %arg3: memref<128x128xf32, #tpu.memory_space<hbm>>, %arg4: memref<632x128xf32, #tpu.memory_space<hbm>>, %arg5: memref<2x10112x128xf32, #tpu.memory_space<hbm>>, %arg6: memref<80x128xi32, #tpu.memory_space<vmem>>, %arg7: memref<128x128xf32, #tpu.memory_space<vmem>>, %arg8: memref<10112x128xf32, #tpu.memory_space<vmem_shared>>) attributes {dimension_semantics = [#tpu.dimension_semantics<core_parallel>, #tpu.dimension_semantics<subcore_parallel>], iteration_bounds = array<i64: 2, 16>, scalar_prefetch = 0 : i64, scratch_operands = 3 : i64, tpu.core_type = #tpu.core_type<sc_vector_subcore>, window_params = [{transform_indices = #map}, {transform_indices = #map1}, {transform_indices = #map1}, {transform_indices = #map2}]} {
    "tpu.region"() ({
      %run_scoped3A = tpu.sem_alloc : memref<!tpu.dma_semaphore, #tpu.memory_space<semaphore_mem>>
      tpu.enqueue_dma source(%arg3 : memref<128x128xf32, #tpu.memory_space<hbm>>) target(%arg7 : memref<128x128xf32, #tpu.memory_space<vmem>>) target_semaphore(%run_scoped3A : memref<!tpu.dma_semaphore, #tpu.memory_space<semaphore_mem>>)
      tpu.wait_dma2 semaphore(%run_scoped3A : memref<!tpu.dma_semaphore, #tpu.memory_space<semaphore_mem>>) src(%arg3 : memref<128x128xf32, #tpu.memory_space<hbm>>) dst(%arg7 : memref<128x128xf32, #tpu.memory_space<vmem>>)
      tpu.yield
    }) : () -> ()
    "tpu.region"() ({
      %run_scoped3A = tpu.sem_alloc : memref<!tpu.dma_semaphore, #tpu.memory_space<semaphore_mem>>
      %dma_start3A = arith.constant 0 : i32
      %dma_start3A_11 = arith.constant 0 : i32
      %dma_start3A_12 = arith.constant 0 : i32
      %dma_start3A_13 = tpu.memref_slice %arg2[%arg0, %dma_start3A, %dma_start3A_11, %dma_start3A_12] : memref<2x16x80x128xi32, #tpu.memory_space<hbm>> -> memref<1x16x80x128xi32, #tpu.memory_space<hbm>>
      %dma_start3A_14 = tpu.memref_squeeze %dma_start3A_13 : memref<1x16x80x128xi32, #tpu.memory_space<hbm>> -> memref<16x80x128xi32, #tpu.memory_space<hbm>>
      %dma_start3A_15 = arith.constant 0 : i32
      %dma_start3A_16 = arith.constant 0 : i32
      %dma_start3A_17 = tpu.memref_slice %dma_start3A_14[%arg1, %dma_start3A_15, %dma_start3A_16] : memref<16x80x128xi32, #tpu.memory_space<hbm>> -> memref<1x80x128xi32, #tpu.memory_space<hbm>>
      %dma_start3A_18 = tpu.memref_squeeze %dma_start3A_17 : memref<1x80x128xi32, #tpu.memory_space<hbm>> -> memref<80x128xi32, #tpu.memory_space<hbm>>
      %dma_start3A_19 = arith.constant 0 : i32
      %dma_start3A_20 = arith.constant 0 : i32
      %dma_start3A_21 = arith.constant 0 : i32
      %dma_start3A_22 = tpu.memref_slice %arg2[%arg0, %dma_start3A_19, %dma_start3A_20, %dma_start3A_21] : memref<2x16x80x128xi32, #tpu.memory_space<hbm>> -> memref<1x16x80x128xi32, #tpu.memory_space<hbm>>
      %dma_start3A_23 = tpu.memref_squeeze %dma_start3A_22 : memref<1x16x80x128xi32, #tpu.memory_space<hbm>> -> memref<16x80x128xi32, #tpu.memory_space<hbm>>
      %dma_start3A_24 = arith.constant 0 : i32
      %dma_start3A_25 = arith.constant 0 : i32
      %dma_start3A_26 = tpu.memref_slice %dma_start3A_23[%arg1, %dma_start3A_24, %dma_start3A_25] : memref<16x80x128xi32, #tpu.memory_space<hbm>> -> memref<1x80x128xi32, #tpu.memory_space<hbm>>
      %dma_start3A_27 = tpu.memref_squeeze %dma_start3A_26 : memref<1x80x128xi32, #tpu.memory_space<hbm>> -> memref<80x128xi32, #tpu.memory_space<hbm>>
      tpu.enqueue_dma source(%dma_start3A_27 : memref<80x128xi32, #tpu.memory_space<hbm>>) target(%arg6 : memref<80x128xi32, #tpu.memory_space<vmem>>) target_semaphore(%run_scoped3A : memref<!tpu.dma_semaphore, #tpu.memory_space<semaphore_mem>>)
      %dma_wait3A = arith.constant 0 : i32
      %dma_wait3A_28 = arith.constant 0 : i32
      %dma_wait3A_29 = arith.constant 0 : i32
      %dma_wait3A_30 = tpu.memref_slice %arg2[%arg0, %dma_wait3A, %dma_wait3A_28, %dma_wait3A_29] : memref<2x16x80x128xi32, #tpu.memory_space<hbm>> -> memref<1x16x80x128xi32, #tpu.memory_space<hbm>>
      %dma_wait3A_31 = tpu.memref_squeeze %dma_wait3A_30 : memref<1x16x80x128xi32, #tpu.memory_space<hbm>> -> memref<16x80x128xi32, #tpu.memory_space<hbm>>
      %dma_wait3A_32 = arith.constant 0 : i32
      %dma_wait3A_33 = arith.constant 0 : i32
      %dma_wait3A_34 = tpu.memref_slice %dma_wait3A_31[%arg1, %dma_wait3A_32, %dma_wait3A_33] : memref<16x80x128xi32, #tpu.memory_space<hbm>> -> memref<1x80x128xi32, #tpu.memory_space<hbm>>
      %dma_wait3A_35 = tpu.memref_squeeze %dma_wait3A_34 : memref<1x80x128xi32, #tpu.memory_space<hbm>> -> memref<80x128xi32, #tpu.memory_space<hbm>>
      %dma_wait3A_36 = arith.constant 0 : i32
      %dma_wait3A_37 = arith.constant 0 : i32
      %dma_wait3A_38 = arith.constant 0 : i32
      %dma_wait3A_39 = tpu.memref_slice %arg2[%arg0, %dma_wait3A_36, %dma_wait3A_37, %dma_wait3A_38] : memref<2x16x80x128xi32, #tpu.memory_space<hbm>> -> memref<1x16x80x128xi32, #tpu.memory_space<hbm>>
      %dma_wait3A_40 = tpu.memref_squeeze %dma_wait3A_39 : memref<1x16x80x128xi32, #tpu.memory_space<hbm>> -> memref<16x80x128xi32, #tpu.memory_space<hbm>>
      %dma_wait3A_41 = arith.constant 0 : i32
      %dma_wait3A_42 = arith.constant 0 : i32
      %dma_wait3A_43 = tpu.memref_slice %dma_wait3A_40[%arg1, %dma_wait3A_41, %dma_wait3A_42] : memref<16x80x128xi32, #tpu.memory_space<hbm>> -> memref<1x80x128xi32, #tpu.memory_space<hbm>>
      %dma_wait3A_44 = tpu.memref_squeeze %dma_wait3A_43 : memref<1x80x128xi32, #tpu.memory_space<hbm>> -> memref<80x128xi32, #tpu.memory_space<hbm>>
      tpu.wait_dma2 semaphore(%run_scoped3A : memref<!tpu.dma_semaphore, #tpu.memory_space<semaphore_mem>>) src(%dma_wait3A_44 : memref<80x128xi32, #tpu.memory_space<hbm>>) dst(%arg6 : memref<80x128xi32, #tpu.memory_space<vmem>>)
      tpu.yield
    }) : () -> ()
    %mul3A = arith.constant 632 : i32
    %mul3A_0 = arith.muli %arg1, %mul3A : i32
    "tpu.region"() ({
      %run_scoped3A = tpu.sem_alloc : memref<!tpu.dma_semaphore, #tpu.memory_space<semaphore_mem>>
      %dma_start3A = arith.constant 0 : i32
      %dma_start3A_11 = tpu.memref_slice %arg8[%mul3A_0, %dma_start3A] : memref<10112x128xf32, #tpu.memory_space<vmem_shared>> -> memref<632x128xf32, #tpu.memory_space<vmem_shared>>
      tpu.enqueue_dma source(%arg4 : memref<632x128xf32, #tpu.memory_space<hbm>>) target(%dma_start3A_11 : memref<632x128xf32, #tpu.memory_space<vmem_shared>>) target_semaphore(%run_scoped3A : memref<!tpu.dma_semaphore, #tpu.memory_space<semaphore_mem>>)
      %dma_wait3A = arith.constant 0 : i32
      %dma_wait3A_12 = tpu.memref_slice %arg8[%mul3A_0, %dma_wait3A] : memref<10112x128xf32, #tpu.memory_space<vmem_shared>> -> memref<632x128xf32, #tpu.memory_space<vmem_shared>>
      tpu.wait_dma2 semaphore(%run_scoped3A : memref<!tpu.dma_semaphore, #tpu.memory_space<semaphore_mem>>) src(%arg4 : memref<632x128xf32, #tpu.memory_space<hbm>>) dst(%dma_wait3A_12 : memref<632x128xf32, #tpu.memory_space<vmem_shared>>)
      tpu.yield
    }) : () -> ()
    %barrier3A = arith.constant 0 : index
    tpu.barrier barrier_id(%barrier3A)
    %scan3A = arith.constant 0 : i32
    %scan3A_1 = arith.constant 0 : i32
    %scan3A_2 = arith.constant 80 : i32
    %scan3A_3 = arith.addi %scan3A_1, %scan3A_2 : i32
    %scan3A_4 = arith.constant 1 : i32
    scf.for %scan3A_11 = %scan3A_1 to %scan3A_3 step %scan3A_4  : i32 {
      "tpu.region"() ({
        %run_scoped3A = tpu.sem_alloc : memref<!tpu.dma_semaphore, #tpu.memory_space<semaphore_mem>>
        %dma_start3A = arith.constant 0 : i32
        %dma_start3A_12 = tpu.memref_slice %arg6[%scan3A_11, %dma_start3A] : memref<80x128xi32, #tpu.memory_space<vmem>> -> memref<1x128xi32, #tpu.memory_space<vmem>>
        %dma_start3A_13 = tpu.memref_squeeze %dma_start3A_12 : memref<1x128xi32, #tpu.memory_space<vmem>> -> memref<128xi32, #tpu.memory_space<vmem>>
        %dma_start3A_14 = arith.constant 0 : i32
        %dma_start3A_15 = arith.constant 0 : i32
        %dma_start3A_16 = tpu.memref_slice %arg8[%dma_start3A_14, %dma_start3A_15] : memref<10112x128xf32, #tpu.memory_space<vmem_shared>> -> memref<10112x128xf32, #tpu.memory_space<vmem_shared>>
        tpu.enqueue_indirect_dma source(%arg7 : memref<128x128xf32, #tpu.memory_space<vmem>>) target(%dma_start3A_16 : memref<10112x128xf32, #tpu.memory_space<vmem_shared>>) offsets(%dma_start3A_13 : memref<128xi32, #tpu.memory_space<vmem>>) semaphore(%run_scoped3A : memref<!tpu.dma_semaphore, #tpu.memory_space<semaphore_mem>>) {add = true}
        %dma_wait3A = arith.constant 0 : i32
        %dma_wait3A_17 = tpu.memref_slice %arg6[%scan3A_11, %dma_wait3A] : memref<80x128xi32, #tpu.memory_space<vmem>> -> memref<1x128xi32, #tpu.memory_space<vmem>>
        %dma_wait3A_18 = tpu.memref_squeeze %dma_wait3A_17 : memref<1x128xi32, #tpu.memory_space<vmem>> -> memref<128xi32, #tpu.memory_space<vmem>>
        %dma_wait3A_19 = arith.constant 0 : i32
        %dma_wait3A_20 = arith.constant 0 : i32
        %dma_wait3A_21 = tpu.memref_slice %arg8[%dma_wait3A_19, %dma_wait3A_20] : memref<10112x128xf32, #tpu.memory_space<vmem_shared>> -> memref<10112x128xf32, #tpu.memory_space<vmem_shared>>
        tpu.wait_indirect_dma semaphore(%run_scoped3A : memref<!tpu.dma_semaphore, #tpu.memory_space<semaphore_mem>>) src(%arg7 : memref<128x128xf32, #tpu.memory_space<vmem>>) dst(%dma_wait3A_21 : memref<10112x128xf32, #tpu.memory_space<vmem_shared>>)
        tpu.yield
      }) : () -> ()
    }
    %scan3A_5 = arith.constant 80 : i32
    %barrier3A_6 = arith.constant 0 : index
    tpu.barrier barrier_id(%barrier3A_6)
    %mul3A_7 = arith.constant 632 : i32
    %mul3A_8 = arith.muli %arg1, %mul3A_7 : i32
    %mul3A_9 = arith.constant 632 : i32
    %mul3A_10 = arith.muli %arg1, %mul3A_9 : i32
    "tpu.region"() ({
      %run_scoped3A = tpu.sem_alloc : memref<!tpu.dma_semaphore, #tpu.memory_space<semaphore_mem>>
      %dma_start3A = arith.constant 0 : i32
      %dma_start3A_11 = arith.constant 0 : i32
      %dma_start3A_12 = tpu.memref_slice %arg5[%arg0, %dma_start3A, %dma_start3A_11] : memref<2x10112x128xf32, #tpu.memory_space<hbm>> -> memref<1x10112x128xf32, #tpu.memory_space<hbm>>
      %dma_start3A_13 = tpu.memref_squeeze %dma_start3A_12 : memref<1x10112x128xf32, #tpu.memory_space<hbm>> -> memref<10112x128xf32, #tpu.memory_space<hbm>>
      %dma_start3A_14 = arith.constant 0 : i32
      %dma_start3A_15 = tpu.memref_slice %dma_start3A_13[%mul3A_10, %dma_start3A_14] : memref<10112x128xf32, #tpu.memory_space<hbm>> -> memref<632x128xf32, #tpu.memory_space<hbm>>
      %dma_start3A_16 = arith.constant 0 : i32
      %dma_start3A_17 = tpu.memref_slice %arg8[%mul3A_8, %dma_start3A_16] : memref<10112x128xf32, #tpu.memory_space<vmem_shared>> -> memref<632x128xf32, #tpu.memory_space<vmem_shared>>
      tpu.enqueue_dma source(%dma_start3A_17 : memref<632x128xf32, #tpu.memory_space<vmem_shared>>) target(%dma_start3A_15 : memref<632x128xf32, #tpu.memory_space<hbm>>) target_semaphore(%run_scoped3A : memref<!tpu.dma_semaphore, #tpu.memory_space<semaphore_mem>>)
      %dma_wait3A = arith.constant 0 : i32
      %dma_wait3A_18 = arith.constant 0 : i32
      %dma_wait3A_19 = tpu.memref_slice %arg5[%arg0, %dma_wait3A, %dma_wait3A_18] : memref<2x10112x128xf32, #tpu.memory_space<hbm>> -> memref<1x10112x128xf32, #tpu.memory_space<hbm>>
      %dma_wait3A_20 = tpu.memref_squeeze %dma_wait3A_19 : memref<1x10112x128xf32, #tpu.memory_space<hbm>> -> memref<10112x128xf32, #tpu.memory_space<hbm>>
      %dma_wait3A_21 = arith.constant 0 : i32
      %dma_wait3A_22 = tpu.memref_slice %dma_wait3A_20[%mul3A_10, %dma_wait3A_21] : memref<10112x128xf32, #tpu.memory_space<hbm>> -> memref<632x128xf32, #tpu.memory_space<hbm>>
      %dma_wait3A_23 = arith.constant 0 : i32
      %dma_wait3A_24 = tpu.memref_slice %arg8[%mul3A_8, %dma_wait3A_23] : memref<10112x128xf32, #tpu.memory_space<vmem_shared>> -> memref<632x128xf32, #tpu.memory_space<vmem_shared>>
      tpu.wait_dma2 semaphore(%run_scoped3A : memref<!tpu.dma_semaphore, #tpu.memory_space<semaphore_mem>>) src(%dma_wait3A_24 : memref<632x128xf32, #tpu.memory_space<vmem_shared>>) dst(%dma_wait3A_22 : memref<632x128xf32, #tpu.memory_space<hbm>>)
      tpu.yield
    }) : () -> ()
    return
  }
}

#map = affine_map<(d0, d1) -> (0, 0)>
#map1 = affine_map<(d0, d1) -> (0, 0, 0)>
module attributes {stable_mosaic.version = 14 : i64} {
  func.func @_scatter_body(%arg0: i32, %arg1: i32, %arg2: memref<20016x128xf32, #tpu.memory_space<hbm>>, %arg3: memref<16x80x128xi32, #tpu.memory_space<hbm>>, %arg4: memref<16x80x128xi32, #tpu.memory_space<hbm>>, %arg5: memref<632x128xf32, #tpu.memory_space<hbm>>, %arg6: memref<2x10112x128xf32, #tpu.memory_space<hbm>>, %arg7: memref<40x128xi32, #tpu.memory_space<vmem>>, %arg8: memref<40x128xi32, #tpu.memory_space<vmem>>, %arg9: memref<128x128xf32, #tpu.memory_space<vmem>>, %arg10: memref<128x128xf32, #tpu.memory_space<vmem>>, %arg11: memref<10112x128xf32, #tpu.memory_space<vmem_shared>>, %arg12: memref<!tpu.dma_semaphore, #tpu.memory_space<semaphore_mem>>, %arg13: memref<!tpu.dma_semaphore, #tpu.memory_space<semaphore_mem>>, %arg14: memref<!tpu.dma_semaphore, #tpu.memory_space<semaphore_mem>>, %arg15: memref<!tpu.dma_semaphore, #tpu.memory_space<semaphore_mem>>) attributes {dimension_semantics = [#tpu.dimension_semantics<core_parallel>, #tpu.dimension_semantics<subcore_parallel>], iteration_bounds = array<i64: 2, 16>, scalar_prefetch = 0 : i64, scratch_operands = 9 : i64, tpu.core_type = #tpu.core_type<sc_vector_subcore>, window_params = [{transform_indices = #map}, {transform_indices = #map1}, {transform_indices = #map1}, {transform_indices = #map}, {transform_indices = #map1}]} {
    %mul3A = arith.constant 632 : i32
    %mul3A_0 = arith.muli %arg1, %mul3A : i32
    "tpu.region"() ({
      %run_scoped3A = tpu.sem_alloc : memref<!tpu.dma_semaphore, #tpu.memory_space<semaphore_mem>>
      %dma_start3A_56 = arith.constant 0 : i32
      %dma_start3A_57 = tpu.memref_slice %arg11[%mul3A_0, %dma_start3A_56] : memref<10112x128xf32, #tpu.memory_space<vmem_shared>> -> memref<632x128xf32, #tpu.memory_space<vmem_shared>>
      tpu.enqueue_dma source(%arg5 : memref<632x128xf32, #tpu.memory_space<hbm>>) target(%dma_start3A_57 : memref<632x128xf32, #tpu.memory_space<vmem_shared>>) target_semaphore(%run_scoped3A : memref<!tpu.dma_semaphore, #tpu.memory_space<semaphore_mem>>)
      %dma_wait3A = arith.constant 0 : i32
      %dma_wait3A_58 = tpu.memref_slice %arg11[%mul3A_0, %dma_wait3A] : memref<10112x128xf32, #tpu.memory_space<vmem_shared>> -> memref<632x128xf32, #tpu.memory_space<vmem_shared>>
      tpu.wait_dma2 semaphore(%run_scoped3A : memref<!tpu.dma_semaphore, #tpu.memory_space<semaphore_mem>>) src(%arg5 : memref<632x128xf32, #tpu.memory_space<hbm>>) dst(%dma_wait3A_58 : memref<632x128xf32, #tpu.memory_space<vmem_shared>>)
      tpu.yield
    }) : () -> ()
    "tpu.region"() ({
      %run_scoped3A = tpu.sem_alloc : memref<!tpu.dma_semaphore, #tpu.memory_space<semaphore_mem>>
      %dma_start3A_56 = arith.constant 0 : i32
      %dma_start3A_57 = arith.constant 0 : i32
      %dma_start3A_58 = tpu.memref_slice %arg3[%arg1, %dma_start3A_56, %dma_start3A_57] : memref<16x80x128xi32, #tpu.memory_space<hbm>> -> memref<1x80x128xi32, #tpu.memory_space<hbm>>
      %dma_start3A_59 = tpu.memref_squeeze %dma_start3A_58 : memref<1x80x128xi32, #tpu.memory_space<hbm>> -> memref<80x128xi32, #tpu.memory_space<hbm>>
      %dma_start3A_60 = arith.constant 0 : i32
      %dma_start3A_61 = arith.constant 0 : i32
      %dma_start3A_62 = tpu.memref_slice %dma_start3A_59[%dma_start3A_60, %dma_start3A_61] : memref<80x128xi32, #tpu.memory_space<hbm>> -> memref<40x128xi32, #tpu.memory_space<hbm>>
      %dma_start3A_63 = arith.constant 0 : i32
      %dma_start3A_64 = arith.constant 0 : i32
      %dma_start3A_65 = tpu.memref_slice %arg3[%arg1, %dma_start3A_63, %dma_start3A_64] : memref<16x80x128xi32, #tpu.memory_space<hbm>> -> memref<1x80x128xi32, #tpu.memory_space<hbm>>
      %dma_start3A_66 = tpu.memref_squeeze %dma_start3A_65 : memref<1x80x128xi32, #tpu.memory_space<hbm>> -> memref<80x128xi32, #tpu.memory_space<hbm>>
      %dma_start3A_67 = arith.constant 0 : i32
      %dma_start3A_68 = arith.constant 0 : i32
      %dma_start3A_69 = tpu.memref_slice %dma_start3A_66[%dma_start3A_67, %dma_start3A_68] : memref<80x128xi32, #tpu.memory_space<hbm>> -> memref<40x128xi32, #tpu.memory_space<hbm>>
      tpu.enqueue_dma source(%dma_start3A_69 : memref<40x128xi32, #tpu.memory_space<hbm>>) target(%arg7 : memref<40x128xi32, #tpu.memory_space<vmem>>) target_semaphore(%run_scoped3A : memref<!tpu.dma_semaphore, #tpu.memory_space<semaphore_mem>>)
      %dma_wait3A = arith.constant 0 : i32
      %dma_wait3A_70 = arith.constant 0 : i32
      %dma_wait3A_71 = tpu.memref_slice %arg3[%arg1, %dma_wait3A, %dma_wait3A_70] : memref<16x80x128xi32, #tpu.memory_space<hbm>> -> memref<1x80x128xi32, #tpu.memory_space<hbm>>
      %dma_wait3A_72 = tpu.memref_squeeze %dma_wait3A_71 : memref<1x80x128xi32, #tpu.memory_space<hbm>> -> memref<80x128xi32, #tpu.memory_space<hbm>>
      %dma_wait3A_73 = arith.constant 0 : i32
      %dma_wait3A_74 = arith.constant 0 : i32
      %dma_wait3A_75 = tpu.memref_slice %dma_wait3A_72[%dma_wait3A_73, %dma_wait3A_74] : memref<80x128xi32, #tpu.memory_space<hbm>> -> memref<40x128xi32, #tpu.memory_space<hbm>>
      %dma_wait3A_76 = arith.constant 0 : i32
      %dma_wait3A_77 = arith.constant 0 : i32
      %dma_wait3A_78 = tpu.memref_slice %arg3[%arg1, %dma_wait3A_76, %dma_wait3A_77] : memref<16x80x128xi32, #tpu.memory_space<hbm>> -> memref<1x80x128xi32, #tpu.memory_space<hbm>>
      %dma_wait3A_79 = tpu.memref_squeeze %dma_wait3A_78 : memref<1x80x128xi32, #tpu.memory_space<hbm>> -> memref<80x128xi32, #tpu.memory_space<hbm>>
      %dma_wait3A_80 = arith.constant 0 : i32
      %dma_wait3A_81 = arith.constant 0 : i32
      %dma_wait3A_82 = tpu.memref_slice %dma_wait3A_79[%dma_wait3A_80, %dma_wait3A_81] : memref<80x128xi32, #tpu.memory_space<hbm>> -> memref<40x128xi32, #tpu.memory_space<hbm>>
      tpu.wait_dma2 semaphore(%run_scoped3A : memref<!tpu.dma_semaphore, #tpu.memory_space<semaphore_mem>>) src(%dma_wait3A_82 : memref<40x128xi32, #tpu.memory_space<hbm>>) dst(%arg7 : memref<40x128xi32, #tpu.memory_space<vmem>>)
      tpu.yield
    }) : () -> ()
    "tpu.region"() ({
      %run_scoped3A = tpu.sem_alloc : memref<!tpu.dma_semaphore, #tpu.memory_space<semaphore_mem>>
      %dma_start3A_56 = arith.constant 0 : i32
      %dma_start3A_57 = arith.constant 0 : i32
      %dma_start3A_58 = tpu.memref_slice %arg4[%arg1, %dma_start3A_56, %dma_start3A_57] : memref<16x80x128xi32, #tpu.memory_space<hbm>> -> memref<1x80x128xi32, #tpu.memory_space<hbm>>
      %dma_start3A_59 = tpu.memref_squeeze %dma_start3A_58 : memref<1x80x128xi32, #tpu.memory_space<hbm>> -> memref<80x128xi32, #tpu.memory_space<hbm>>
      %dma_start3A_60 = arith.constant 0 : i32
      %dma_start3A_61 = arith.constant 0 : i32
      %dma_start3A_62 = tpu.memref_slice %dma_start3A_59[%dma_start3A_60, %dma_start3A_61] : memref<80x128xi32, #tpu.memory_space<hbm>> -> memref<40x128xi32, #tpu.memory_space<hbm>>
      %dma_start3A_63 = arith.constant 0 : i32
      %dma_start3A_64 = arith.constant 0 : i32
      %dma_start3A_65 = tpu.memref_slice %arg4[%arg1, %dma_start3A_63, %dma_start3A_64] : memref<16x80x128xi32, #tpu.memory_space<hbm>> -> memref<1x80x128xi32, #tpu.memory_space<hbm>>
      %dma_start3A_66 = tpu.memref_squeeze %dma_start3A_65 : memref<1x80x128xi32, #tpu.memory_space<hbm>> -> memref<80x128xi32, #tpu.memory_space<hbm>>
      %dma_start3A_67 = arith.constant 0 : i32
      %dma_start3A_68 = arith.constant 0 : i32
      %dma_start3A_69 = tpu.memref_slice %dma_start3A_66[%dma_start3A_67, %dma_start3A_68] : memref<80x128xi32, #tpu.memory_space<hbm>> -> memref<40x128xi32, #tpu.memory_space<hbm>>
      tpu.enqueue_dma source(%dma_start3A_69 : memref<40x128xi32, #tpu.memory_space<hbm>>) target(%arg8 : memref<40x128xi32, #tpu.memory_space<vmem>>) target_semaphore(%run_scoped3A : memref<!tpu.dma_semaphore, #tpu.memory_space<semaphore_mem>>)
      %dma_wait3A = arith.constant 0 : i32
      %dma_wait3A_70 = arith.constant 0 : i32
      %dma_wait3A_71 = tpu.memref_slice %arg4[%arg1, %dma_wait3A, %dma_wait3A_70] : memref<16x80x128xi32, #tpu.memory_space<hbm>> -> memref<1x80x128xi32, #tpu.memory_space<hbm>>
      %dma_wait3A_72 = tpu.memref_squeeze %dma_wait3A_71 : memref<1x80x128xi32, #tpu.memory_space<hbm>> -> memref<80x128xi32, #tpu.memory_space<hbm>>
      %dma_wait3A_73 = arith.constant 0 : i32
      %dma_wait3A_74 = arith.constant 0 : i32
      %dma_wait3A_75 = tpu.memref_slice %dma_wait3A_72[%dma_wait3A_73, %dma_wait3A_74] : memref<80x128xi32, #tpu.memory_space<hbm>> -> memref<40x128xi32, #tpu.memory_space<hbm>>
      %dma_wait3A_76 = arith.constant 0 : i32
      %dma_wait3A_77 = arith.constant 0 : i32
      %dma_wait3A_78 = tpu.memref_slice %arg4[%arg1, %dma_wait3A_76, %dma_wait3A_77] : memref<16x80x128xi32, #tpu.memory_space<hbm>> -> memref<1x80x128xi32, #tpu.memory_space<hbm>>
      %dma_wait3A_79 = tpu.memref_squeeze %dma_wait3A_78 : memref<1x80x128xi32, #tpu.memory_space<hbm>> -> memref<80x128xi32, #tpu.memory_space<hbm>>
      %dma_wait3A_80 = arith.constant 0 : i32
      %dma_wait3A_81 = arith.constant 0 : i32
      %dma_wait3A_82 = tpu.memref_slice %dma_wait3A_79[%dma_wait3A_80, %dma_wait3A_81] : memref<80x128xi32, #tpu.memory_space<hbm>> -> memref<40x128xi32, #tpu.memory_space<hbm>>
      tpu.wait_dma2 semaphore(%run_scoped3A : memref<!tpu.dma_semaphore, #tpu.memory_space<semaphore_mem>>) src(%dma_wait3A_82 : memref<40x128xi32, #tpu.memory_space<hbm>>) dst(%arg8 : memref<40x128xi32, #tpu.memory_space<vmem>>)
      tpu.yield
    }) : () -> ()
    %scan3A = arith.constant 0 : i32
    %scan3A_1 = arith.constant 0 : i32
    %scan3A_2 = arith.constant 40 : i32
    %scan3A_3 = arith.addi %scan3A_1, %scan3A_2 : i32
    %scan3A_4 = arith.constant 1 : i32
    scf.for %scan3A_56 = %scan3A_1 to %scan3A_3 step %scan3A_4  : i32 {
      %get3A = arith.index_cast %scan3A_56 : i32 to index
      %get3A_57 = arith.constant 0 : index
      %get3A_58 = tpu.vector_load %arg7[%get3A, %get3A_57] {strides = array<i32>} : memref<40x128xi32, #tpu.memory_space<vmem>>, vector<1x16xi32>,
      %get3A_59 = vector.shape_cast %get3A_58 : vector<1x16xi32> to vector<16xi32>
      %mul3A_60 = arith.constant 2 : i32
      %mul3A_61 = vector.broadcast %mul3A_60 : i32 to vector<16xi32>
      %mul3A_62 = arith.muli %get3A_59, %mul3A_61 : vector<16xi32>
      %add3A = vector.broadcast %arg0 : i32 to vector<16xi32>
      %add3A_63 = arith.addi %mul3A_62, %add3A : vector<16xi32>
      %swap3A = arith.index_cast %scan3A_56 : i32 to index
      %swap3A_64 = arith.constant 0 : index
      %swap3A_65 = tpu.vector_load %arg7[%swap3A, %swap3A_64] {strides = array<i32>} : memref<40x128xi32, #tpu.memory_space<vmem>>, vector<1x16xi32>,
      %swap3A_66 = vector.shape_cast %swap3A_65 : vector<1x16xi32> to vector<16xi32>
      %swap3A_67 = vector.shape_cast %add3A_63 : vector<16xi32> to vector<1x16xi32>
      tpu.vector_store %arg7[%swap3A, %swap3A_64], %swap3A_67 {strides = array<i32>} : memref<40x128xi32, #tpu.memory_space<vmem>>, vector<1x16xi32>,
      %get3A_68 = arith.index_cast %scan3A_56 : i32 to index
      %get3A_69 = arith.constant 16 : index
      %get3A_70 = tpu.vector_load %arg7[%get3A_68, %get3A_69] {strides = array<i32>} : memref<40x128xi32, #tpu.memory_space<vmem>>, vector<1x16xi32>,
      %get3A_71 = vector.shape_cast %get3A_70 : vector<1x16xi32> to vector<16xi32>
      %mul3A_72 = arith.constant 2 : i32
      %mul3A_73 = vector.broadcast %mul3A_72 : i32 to vector<16xi32>
      %mul3A_74 = arith.muli %get3A_71, %mul3A_73 : vector<16xi32>
      %add3A_75 = vector.broadcast %arg0 : i32 to vector<16xi32>
      %add3A_76 = arith.addi %mul3A_74, %add3A_75 : vector<16xi32>
      %swap3A_77 = arith.index_cast %scan3A_56 : i32 to index
      %swap3A_78 = arith.constant 16 : index
      %swap3A_79 = tpu.vector_load %arg7[%swap3A_77, %swap3A_78] {strides = array<i32>} : memref<40x128xi32, #tpu.memory_space<vmem>>, vector<1x16xi32>,
      %swap3A_80 = vector.shape_cast %swap3A_79 : vector<1x16xi32> to vector<16xi32>
      %swap3A_81 = vector.shape_cast %add3A_76 : vector<16xi32> to vector<1x16xi32>
      tpu.vector_store %arg7[%swap3A_77, %swap3A_78], %swap3A_81 {strides = array<i32>} : memref<40x128xi32, #tpu.memory_space<vmem>>, vector<1x16xi32>,
      %get3A_82 = arith.index_cast %scan3A_56 : i32 to index
      %get3A_83 = arith.constant 32 : index
      %get3A_84 = tpu.vector_load %arg7[%get3A_82, %get3A_83] {strides = array<i32>} : memref<40x128xi32, #tpu.memory_space<vmem>>, vector<1x16xi32>,
      %get3A_85 = vector.shape_cast %get3A_84 : vector<1x16xi32> to vector<16xi32>
      %mul3A_86 = arith.constant 2 : i32
      %mul3A_87 = vector.broadcast %mul3A_86 : i32 to vector<16xi32>
      %mul3A_88 = arith.muli %get3A_85, %mul3A_87 : vector<16xi32>
      %add3A_89 = vector.broadcast %arg0 : i32 to vector<16xi32>
      %add3A_90 = arith.addi %mul3A_88, %add3A_89 : vector<16xi32>
      %swap3A_91 = arith.index_cast %scan3A_56 : i32 to index
      %swap3A_92 = arith.constant 32 : index
      %swap3A_93 = tpu.vector_load %arg7[%swap3A_91, %swap3A_92] {strides = array<i32>} : memref<40x128xi32, #tpu.memory_space<vmem>>, vector<1x16xi32>,
      %swap3A_94 = vector.shape_cast %swap3A_93 : vector<1x16xi32> to vector<16xi32>
      %swap3A_95 = vector.shape_cast %add3A_90 : vector<16xi32> to vector<1x16xi32>
      tpu.vector_store %arg7[%swap3A_91, %swap3A_92], %swap3A_95 {strides = array<i32>} : memref<40x128xi32, #tpu.memory_space<vmem>>, vector<1x16xi32>,
      %get3A_96 = arith.index_cast %scan3A_56 : i32 to index
      %get3A_97 = arith.constant 48 : index
      %get3A_98 = tpu.vector_load %arg7[%get3A_96, %get3A_97] {strides = array<i32>} : memref<40x128xi32, #tpu.memory_space<vmem>>, vector<1x16xi32>,
      %get3A_99 = vector.shape_cast %get3A_98 : vector<1x16xi32> to vector<16xi32>
      %mul3A_100 = arith.constant 2 : i32
      %mul3A_101 = vector.broadcast %mul3A_100 : i32 to vector<16xi32>
      %mul3A_102 = arith.muli %get3A_99, %mul3A_101 : vector<16xi32>
      %add3A_103 = vector.broadcast %arg0 : i32 to vector<16xi32>
      %add3A_104 = arith.addi %mul3A_102, %add3A_103 : vector<16xi32>
      %swap3A_105 = arith.index_cast %scan3A_56 : i32 to index
      %swap3A_106 = arith.constant 48 : index
      %swap3A_107 = tpu.vector_load %arg7[%swap3A_105, %swap3A_106] {strides = array<i32>} : memref<40x128xi32, #tpu.memory_space<vmem>>, vector<1x16xi32>,
      %swap3A_108 = vector.shape_cast %swap3A_107 : vector<1x16xi32> to vector<16xi32>
      %swap3A_109 = vector.shape_cast %add3A_104 : vector<16xi32> to vector<1x16xi32>
      tpu.vector_store %arg7[%swap3A_105, %swap3A_106], %swap3A_109 {strides = array<i32>} : memref<40x128xi32, #tpu.memory_space<vmem>>, vector<1x16xi32>,
      %get3A_110 = arith.index_cast %scan3A_56 : i32 to index
      %get3A_111 = arith.constant 64 : index
      %get3A_112 = tpu.vector_load %arg7[%get3A_110, %get3A_111] {strides = array<i32>} : memref<40x128xi32, #tpu.memory_space<vmem>>, vector<1x16xi32>,
      %get3A_113 = vector.shape_cast %get3A_112 : vector<1x16xi32> to vector<16xi32>
      %mul3A_114 = arith.constant 2 : i32
      %mul3A_115 = vector.broadcast %mul3A_114 : i32 to vector<16xi32>
      %mul3A_116 = arith.muli %get3A_113, %mul3A_115 : vector<16xi32>
      %add3A_117 = vector.broadcast %arg0 : i32 to vector<16xi32>
      %add3A_118 = arith.addi %mul3A_116, %add3A_117 : vector<16xi32>
      %swap3A_119 = arith.index_cast %scan3A_56 : i32 to index
      %swap3A_120 = arith.constant 64 : index
      %swap3A_121 = tpu.vector_load %arg7[%swap3A_119, %swap3A_120] {strides = array<i32>} : memref<40x128xi32, #tpu.memory_space<vmem>>, vector<1x16xi32>,
      %swap3A_122 = vector.shape_cast %swap3A_121 : vector<1x16xi32> to vector<16xi32>
      %swap3A_123 = vector.shape_cast %add3A_118 : vector<16xi32> to vector<1x16xi32>
      tpu.vector_store %arg7[%swap3A_119, %swap3A_120], %swap3A_123 {strides = array<i32>} : memref<40x128xi32, #tpu.memory_space<vmem>>, vector<1x16xi32>,
      %get3A_124 = arith.index_cast %scan3A_56 : i32 to index
      %get3A_125 = arith.constant 80 : index
      %get3A_126 = tpu.vector_load %arg7[%get3A_124, %get3A_125] {strides = array<i32>} : memref<40x128xi32, #tpu.memory_space<vmem>>, vector<1x16xi32>,
      %get3A_127 = vector.shape_cast %get3A_126 : vector<1x16xi32> to vector<16xi32>
      %mul3A_128 = arith.constant 2 : i32
      %mul3A_129 = vector.broadcast %mul3A_128 : i32 to vector<16xi32>
      %mul3A_130 = arith.muli %get3A_127, %mul3A_129 : vector<16xi32>
      %add3A_131 = vector.broadcast %arg0 : i32 to vector<16xi32>
      %add3A_132 = arith.addi %mul3A_130, %add3A_131 : vector<16xi32>
      %swap3A_133 = arith.index_cast %scan3A_56 : i32 to index
      %swap3A_134 = arith.constant 80 : index
      %swap3A_135 = tpu.vector_load %arg7[%swap3A_133, %swap3A_134] {strides = array<i32>} : memref<40x128xi32, #tpu.memory_space<vmem>>, vector<1x16xi32>,
      %swap3A_136 = vector.shape_cast %swap3A_135 : vector<1x16xi32> to vector<16xi32>
      %swap3A_137 = vector.shape_cast %add3A_132 : vector<16xi32> to vector<1x16xi32>
      tpu.vector_store %arg7[%swap3A_133, %swap3A_134], %swap3A_137 {strides = array<i32>} : memref<40x128xi32, #tpu.memory_space<vmem>>, vector<1x16xi32>,
      %get3A_138 = arith.index_cast %scan3A_56 : i32 to index
      %get3A_139 = arith.constant 96 : index
      %get3A_140 = tpu.vector_load %arg7[%get3A_138, %get3A_139] {strides = array<i32>} : memref<40x128xi32, #tpu.memory_space<vmem>>, vector<1x16xi32>,
      %get3A_141 = vector.shape_cast %get3A_140 : vector<1x16xi32> to vector<16xi32>
      %mul3A_142 = arith.constant 2 : i32
      %mul3A_143 = vector.broadcast %mul3A_142 : i32 to vector<16xi32>
      %mul3A_144 = arith.muli %get3A_141, %mul3A_143 : vector<16xi32>
      %add3A_145 = vector.broadcast %arg0 : i32 to vector<16xi32>
      %add3A_146 = arith.addi %mul3A_144, %add3A_145 : vector<16xi32>
      %swap3A_147 = arith.index_cast %scan3A_56 : i32 to index
      %swap3A_148 = arith.constant 96 : index
      %swap3A_149 = tpu.vector_load %arg7[%swap3A_147, %swap3A_148] {strides = array<i32>} : memref<40x128xi32, #tpu.memory_space<vmem>>, vector<1x16xi32>,
      %swap3A_150 = vector.shape_cast %swap3A_149 : vector<1x16xi32> to vector<16xi32>
      %swap3A_151 = vector.shape_cast %add3A_146 : vector<16xi32> to vector<1x16xi32>
      tpu.vector_store %arg7[%swap3A_147, %swap3A_148], %swap3A_151 {strides = array<i32>} : memref<40x128xi32, #tpu.memory_space<vmem>>, vector<1x16xi32>,
      %get3A_152 = arith.index_cast %scan3A_56 : i32 to index
      %get3A_153 = arith.constant 112 : index
      %get3A_154 = tpu.vector_load %arg7[%get3A_152, %get3A_153] {strides = array<i32>} : memref<40x128xi32, #tpu.memory_space<vmem>>, vector<1x16xi32>,
      %get3A_155 = vector.shape_cast %get3A_154 : vector<1x16xi32> to vector<16xi32>
      %mul3A_156 = arith.constant 2 : i32
      %mul3A_157 = vector.broadcast %mul3A_156 : i32 to vector<16xi32>
      %mul3A_158 = arith.muli %get3A_155, %mul3A_157 : vector<16xi32>
      %add3A_159 = vector.broadcast %arg0 : i32 to vector<16xi32>
      %add3A_160 = arith.addi %mul3A_158, %add3A_159 : vector<16xi32>
      %swap3A_161 = arith.index_cast %scan3A_56 : i32 to index
      %swap3A_162 = arith.constant 112 : index
      %swap3A_163 = tpu.vector_load %arg7[%swap3A_161, %swap3A_162] {strides = array<i32>} : memref<40x128xi32, #tpu.memory_space<vmem>>, vector<1x16xi32>,
      %swap3A_164 = vector.shape_cast %swap3A_163 : vector<1x16xi32> to vector<16xi32>
      %swap3A_165 = vector.shape_cast %add3A_160 : vector<16xi32> to vector<1x16xi32>
      tpu.vector_store %arg7[%swap3A_161, %swap3A_162], %swap3A_165 {strides = array<i32>} : memref<40x128xi32, #tpu.memory_space<vmem>>, vector<1x16xi32>,
    }
    %scan3A_5 = arith.constant 40 : i32
    %dma_start3A = arith.constant 0 : i32
    %dma_start3A_6 = arith.constant 0 : i32
    %dma_start3A_7 = tpu.memref_slice %arg7[%dma_start3A, %dma_start3A_6] : memref<40x128xi32, #tpu.memory_space<vmem>> -> memref<1x128xi32, #tpu.memory_space<vmem>>
    %dma_start3A_8 = tpu.memref_squeeze %dma_start3A_7 : memref<1x128xi32, #tpu.memory_space<vmem>> -> memref<128xi32, #tpu.memory_space<vmem>>
    %dma_start3A_9 = arith.constant 0 : i32
    %dma_start3A_10 = arith.constant 0 : i32
    %dma_start3A_11 = tpu.memref_slice %arg2[%dma_start3A_9, %dma_start3A_10] : memref<20016x128xf32, #tpu.memory_space<hbm>> -> memref<20016x128xf32, #tpu.memory_space<hbm>>
    tpu.enqueue_indirect_dma source(%dma_start3A_11 : memref<20016x128xf32, #tpu.memory_space<hbm>>) target(%arg9 : memref<128x128xf32, #tpu.memory_space<vmem>>) offsets(%dma_start3A_8 : memref<128xi32, #tpu.memory_space<vmem>>) semaphore(%arg12 : memref<!tpu.dma_semaphore, #tpu.memory_space<semaphore_mem>>)
    %dma_start3A_12 = arith.constant 1 : i32
    %dma_start3A_13 = arith.constant 0 : i32
    %dma_start3A_14 = tpu.memref_slice %arg7[%dma_start3A_12, %dma_start3A_13] : memref<40x128xi32, #tpu.memory_space<vmem>> -> memref<1x128xi32, #tpu.memory_space<vmem>>
    %dma_start3A_15 = tpu.memref_squeeze %dma_start3A_14 : memref<1x128xi32, #tpu.memory_space<vmem>> -> memref<128xi32, #tpu.memory_space<vmem>>
    %dma_start3A_16 = arith.constant 0 : i32
    %dma_start3A_17 = arith.constant 0 : i32
    %dma_start3A_18 = tpu.memref_slice %arg2[%dma_start3A_16, %dma_start3A_17] : memref<20016x128xf32, #tpu.memory_space<hbm>> -> memref<20016x128xf32, #tpu.memory_space<hbm>>
    tpu.enqueue_indirect_dma source(%dma_start3A_18 : memref<20016x128xf32, #tpu.memory_space<hbm>>) target(%arg10 : memref<128x128xf32, #tpu.memory_space<vmem>>) offsets(%dma_start3A_15 : memref<128xi32, #tpu.memory_space<vmem>>) semaphore(%arg13 : memref<!tpu.dma_semaphore, #tpu.memory_space<semaphore_mem>>)
    %barrier3A = arith.constant 0 : index
    tpu.barrier barrier_id(%barrier3A)
    %scan3A_19 = arith.constant 0 : i32
    %scan3A_20 = arith.constant 0 : i32
    %scan3A_21 = arith.constant 20 : i32
    %scan3A_22 = arith.addi %scan3A_20, %scan3A_21 : i32
    %scan3A_23 = arith.constant 1 : i32
    scf.for %scan3A_56 = %scan3A_20 to %scan3A_22 step %scan3A_23  : i32 {
      %mul3A_57 = arith.constant 2 : i32
      %mul3A_58 = arith.muli %mul3A_57, %scan3A_56 : i32
      %add3A = arith.constant 0 : i32
      %add3A_59 = arith.addi %mul3A_58, %add3A : i32
      %dma_wait3A = arith.constant 0 : i32
      %dma_wait3A_60 = arith.constant 0 : i32
      %dma_wait3A_61 = tpu.memref_slice %arg7[%dma_wait3A, %dma_wait3A_60] : memref<40x128xi32, #tpu.memory_space<vmem>> -> memref<1x128xi32, #tpu.memory_space<vmem>>
      %dma_wait3A_62 = tpu.memref_squeeze %dma_wait3A_61 : memref<1x128xi32, #tpu.memory_space<vmem>> -> memref<128xi32, #tpu.memory_space<vmem>>
      %dma_wait3A_63 = arith.constant 0 : i32
      %dma_wait3A_64 = arith.constant 0 : i32
      %dma_wait3A_65 = tpu.memref_slice %arg2[%dma_wait3A_63, %dma_wait3A_64] : memref<20016x128xf32, #tpu.memory_space<hbm>> -> memref<20016x128xf32, #tpu.memory_space<hbm>>
      tpu.wait_indirect_dma semaphore(%arg12 : memref<!tpu.dma_semaphore, #tpu.memory_space<semaphore_mem>>) src(%dma_wait3A_65 : memref<20016x128xf32, #tpu.memory_space<hbm>>) dst(%arg9 : memref<128x128xf32, #tpu.memory_space<vmem>>)
      "tpu.region"() ({
        %run_scoped3A = tpu.sem_alloc : memref<!tpu.dma_semaphore, #tpu.memory_space<semaphore_mem>>
        %dma_start3A_88 = arith.constant 0 : i32
        %dma_start3A_89 = tpu.memref_slice %arg8[%add3A_59, %dma_start3A_88] : memref<40x128xi32, #tpu.memory_space<vmem>> -> memref<1x128xi32, #tpu.memory_space<vmem>>
        %dma_start3A_90 = tpu.memref_squeeze %dma_start3A_89 : memref<1x128xi32, #tpu.memory_space<vmem>> -> memref<128xi32, #tpu.memory_space<vmem>>
        %dma_start3A_91 = arith.constant 0 : i32
        %dma_start3A_92 = arith.constant 0 : i32
        %dma_start3A_93 = tpu.memref_slice %arg11[%dma_start3A_91, %dma_start3A_92] : memref<10112x128xf32, #tpu.memory_space<vmem_shared>> -> memref<10112x128xf32, #tpu.memory_space<vmem_shared>>
        tpu.enqueue_indirect_dma source(%arg9 : memref<128x128xf32, #tpu.memory_space<vmem>>) target(%dma_start3A_93 : memref<10112x128xf32, #tpu.memory_space<vmem_shared>>) offsets(%dma_start3A_90 : memref<128xi32, #tpu.memory_space<vmem>>) semaphore(%run_scoped3A : memref<!tpu.dma_semaphore, #tpu.memory_space<semaphore_mem>>) {add = true}
        %dma_wait3A_94 = arith.constant 0 : i32
        %dma_wait3A_95 = tpu.memref_slice %arg8[%add3A_59, %dma_wait3A_94] : memref<40x128xi32, #tpu.memory_space<vmem>> -> memref<1x128xi32, #tpu.memory_space<vmem>>
        %dma_wait3A_96 = tpu.memref_squeeze %dma_wait3A_95 : memref<1x128xi32, #tpu.memory_space<vmem>> -> memref<128xi32, #tpu.memory_space<vmem>>
        %dma_wait3A_97 = arith.constant 0 : i32
        %dma_wait3A_98 = arith.constant 0 : i32
        %dma_wait3A_99 = tpu.memref_slice %arg11[%dma_wait3A_97, %dma_wait3A_98] : memref<10112x128xf32, #tpu.memory_space<vmem_shared>> -> memref<10112x128xf32, #tpu.memory_space<vmem_shared>>
        tpu.wait_indirect_dma semaphore(%run_scoped3A : memref<!tpu.dma_semaphore, #tpu.memory_space<semaphore_mem>>) src(%arg9 : memref<128x128xf32, #tpu.memory_space<vmem>>) dst(%dma_wait3A_99 : memref<10112x128xf32, #tpu.memory_space<vmem_shared>>)
        tpu.yield
      }) : () -> ()
      %add3A_66 = arith.constant 2 : i32
      %add3A_67 = arith.addi %add3A_59, %add3A_66 : i32
      %lt3A = arith.constant 40 : i32
      %lt3A_68 = arith.cmpi slt, %add3A_67, %lt3A : i32
      %convert_element_type3A = arith.extui %lt3A_68 : i1 to i32
      %cond3A = arith.constant 0 : i32
      %cond3A_69 = arith.cmpi ne, %convert_element_type3A, %cond3A : i32
      scf.if %cond3A_69 {
        %add3A_88 = arith.constant 2 : i32
        %add3A_89 = arith.addi %add3A_59, %add3A_88 : i32
        %dma_start3A_90 = arith.constant 0 : i32
        %dma_start3A_91 = tpu.memref_slice %arg7[%add3A_89, %dma_start3A_90] : memref<40x128xi32, #tpu.memory_space<vmem>> -> memref<1x128xi32, #tpu.memory_space<vmem>>
        %dma_start3A_92 = tpu.memref_squeeze %dma_start3A_91 : memref<1x128xi32, #tpu.memory_space<vmem>> -> memref<128xi32, #tpu.memory_space<vmem>>
        %dma_start3A_93 = arith.constant 0 : i32
        %dma_start3A_94 = arith.constant 0 : i32
        %dma_start3A_95 = tpu.memref_slice %arg2[%dma_start3A_93, %dma_start3A_94] : memref<20016x128xf32, #tpu.memory_space<hbm>> -> memref<20016x128xf32, #tpu.memory_space<hbm>>
        tpu.enqueue_indirect_dma source(%dma_start3A_95 : memref<20016x128xf32, #tpu.memory_space<hbm>>) target(%arg9 : memref<128x128xf32, #tpu.memory_space<vmem>>) offsets(%dma_start3A_92 : memref<128xi32, #tpu.memory_space<vmem>>) semaphore(%arg12 : memref<!tpu.dma_semaphore, #tpu.memory_space<semaphore_mem>>)
      } else {
      }
      %mul3A_70 = arith.constant 2 : i32
      %mul3A_71 = arith.muli %mul3A_70, %scan3A_56 : i32
      %add3A_72 = arith.constant 1 : i32
      %add3A_73 = arith.addi %mul3A_71, %add3A_72 : i32
      %dma_wait3A_74 = arith.constant 0 : i32
      %dma_wait3A_75 = arith.constant 0 : i32
      %dma_wait3A_76 = tpu.memref_slice %arg7[%dma_wait3A_74, %dma_wait3A_75] : memref<40x128xi32, #tpu.memory_space<vmem>> -> memref<1x128xi32, #tpu.memory_space<vmem>>
      %dma_wait3A_77 = tpu.memref_squeeze %dma_wait3A_76 : memref<1x128xi32, #tpu.memory_space<vmem>> -> memref<128xi32, #tpu.memory_space<vmem>>
      %dma_wait3A_78 = arith.constant 0 : i32
      %dma_wait3A_79 = arith.constant 0 : i32
      %dma_wait3A_80 = tpu.memref_slice %arg2[%dma_wait3A_78, %dma_wait3A_79] : memref<20016x128xf32, #tpu.memory_space<hbm>> -> memref<20016x128xf32, #tpu.memory_space<hbm>>
      tpu.wait_indirect_dma semaphore(%arg13 : memref<!tpu.dma_semaphore, #tpu.memory_space<semaphore_mem>>) src(%dma_wait3A_80 : memref<20016x128xf32, #tpu.memory_space<hbm>>) dst(%arg10 : memref<128x128xf32, #tpu.memory_space<vmem>>)
      "tpu.region"() ({
        %run_scoped3A = tpu.sem_alloc : memref<!tpu.dma_semaphore, #tpu.memory_space<semaphore_mem>>
        %dma_start3A_88 = arith.constant 0 : i32
        %dma_start3A_89 = tpu.memref_slice %arg8[%add3A_73, %dma_start3A_88] : memref<40x128xi32, #tpu.memory_space<vmem>> -> memref<1x128xi32, #tpu.memory_space<vmem>>
        %dma_start3A_90 = tpu.memref_squeeze %dma_start3A_89 : memref<1x128xi32, #tpu.memory_space<vmem>> -> memref<128xi32, #tpu.memory_space<vmem>>
        %dma_start3A_91 = arith.constant 0 : i32
        %dma_start3A_92 = arith.constant 0 : i32
        %dma_start3A_93 = tpu.memref_slice %arg11[%dma_start3A_91, %dma_start3A_92] : memref<10112x128xf32, #tpu.memory_space<vmem_shared>> -> memref<10112x128xf32, #tpu.memory_space<vmem_shared>>
        tpu.enqueue_indirect_dma source(%arg10 : memref<128x128xf32, #tpu.memory_space<vmem>>) target(%dma_start3A_93 : memref<10112x128xf32, #tpu.memory_space<vmem_shared>>) offsets(%dma_start3A_90 : memref<128xi32, #tpu.memory_space<vmem>>) semaphore(%run_scoped3A : memref<!tpu.dma_semaphore, #tpu.memory_space<semaphore_mem>>) {add = true}
        %dma_wait3A_94 = arith.constant 0 : i32
        %dma_wait3A_95 = tpu.memref_slice %arg8[%add3A_73, %dma_wait3A_94] : memref<40x128xi32, #tpu.memory_space<vmem>> -> memref<1x128xi32, #tpu.memory_space<vmem>>
        %dma_wait3A_96 = tpu.memref_squeeze %dma_wait3A_95 : memref<1x128xi32, #tpu.memory_space<vmem>> -> memref<128xi32, #tpu.memory_space<vmem>>
        %dma_wait3A_97 = arith.constant 0 : i32
        %dma_wait3A_98 = arith.constant 0 : i32
        %dma_wait3A_99 = tpu.memref_slice %arg11[%dma_wait3A_97, %dma_wait3A_98] : memref<10112x128xf32, #tpu.memory_space<vmem_shared>> -> memref<10112x128xf32, #tpu.memory_space<vmem_shared>>
        tpu.wait_indirect_dma semaphore(%run_scoped3A : memref<!tpu.dma_semaphore, #tpu.memory_space<semaphore_mem>>) src(%arg10 : memref<128x128xf32, #tpu.memory_space<vmem>>) dst(%dma_wait3A_99 : memref<10112x128xf32, #tpu.memory_space<vmem_shared>>)
        tpu.yield
      }) : () -> ()
      %add3A_81 = arith.constant 2 : i32
      %add3A_82 = arith.addi %add3A_73, %add3A_81 : i32
      %lt3A_83 = arith.constant 40 : i32
      %lt3A_84 = arith.cmpi slt, %add3A_82, %lt3A_83 : i32
      %convert_element_type3A_85 = arith.extui %lt3A_84 : i1 to i32
      %cond3A_86 = arith.constant 0 : i32
      %cond3A_87 = arith.cmpi ne, %convert_element_type3A_85, %cond3A_86 : i32
      scf.if %cond3A_87 {
        %add3A_88 = arith.constant 2 : i32
        %add3A_89 = arith.addi %add3A_73, %add3A_88 : i32
        %dma_start3A_90 = arith.constant 0 : i32
        %dma_start3A_91 = tpu.memref_slice %arg7[%add3A_89, %dma_start3A_90] : memref<40x128xi32, #tpu.memory_space<vmem>> -> memref<1x128xi32, #tpu.memory_space<vmem>>
        %dma_start3A_92 = tpu.memref_squeeze %dma_start3A_91 : memref<1x128xi32, #tpu.memory_space<vmem>> -> memref<128xi32, #tpu.memory_space<vmem>>
        %dma_start3A_93 = arith.constant 0 : i32
        %dma_start3A_94 = arith.constant 0 : i32
        %dma_start3A_95 = tpu.memref_slice %arg2[%dma_start3A_93, %dma_start3A_94] : memref<20016x128xf32, #tpu.memory_space<hbm>> -> memref<20016x128xf32, #tpu.memory_space<hbm>>
        tpu.enqueue_indirect_dma source(%dma_start3A_95 : memref<20016x128xf32, #tpu.memory_space<hbm>>) target(%arg10 : memref<128x128xf32, #tpu.memory_space<vmem>>) offsets(%dma_start3A_92 : memref<128xi32, #tpu.memory_space<vmem>>) semaphore(%arg13 : memref<!tpu.dma_semaphore, #tpu.memory_space<semaphore_mem>>)
      } else {
      }
    }
    %scan3A_24 = arith.constant 20 : i32
    "tpu.region"() ({
      %run_scoped3A = tpu.sem_alloc : memref<!tpu.dma_semaphore, #tpu.memory_space<semaphore_mem>>
      %dma_start3A_56 = arith.constant 0 : i32
      %dma_start3A_57 = arith.constant 0 : i32
      %dma_start3A_58 = tpu.memref_slice %arg3[%arg1, %dma_start3A_56, %dma_start3A_57] : memref<16x80x128xi32, #tpu.memory_space<hbm>> -> memref<1x80x128xi32, #tpu.memory_space<hbm>>
      %dma_start3A_59 = tpu.memref_squeeze %dma_start3A_58 : memref<1x80x128xi32, #tpu.memory_space<hbm>> -> memref<80x128xi32, #tpu.memory_space<hbm>>
      %dma_start3A_60 = arith.constant 40 : i32
      %dma_start3A_61 = arith.constant 0 : i32
      %dma_start3A_62 = tpu.memref_slice %dma_start3A_59[%dma_start3A_60, %dma_start3A_61] : memref<80x128xi32, #tpu.memory_space<hbm>> -> memref<40x128xi32, #tpu.memory_space<hbm>>
      %dma_start3A_63 = arith.constant 0 : i32
      %dma_start3A_64 = arith.constant 0 : i32
      %dma_start3A_65 = tpu.memref_slice %arg3[%arg1, %dma_start3A_63, %dma_start3A_64] : memref<16x80x128xi32, #tpu.memory_space<hbm>> -> memref<1x80x128xi32, #tpu.memory_space<hbm>>
      %dma_start3A_66 = tpu.memref_squeeze %dma_start3A_65 : memref<1x80x128xi32, #tpu.memory_space<hbm>> -> memref<80x128xi32, #tpu.memory_space<hbm>>
      %dma_start3A_67 = arith.constant 40 : i32
      %dma_start3A_68 = arith.constant 0 : i32
      %dma_start3A_69 = tpu.memref_slice %dma_start3A_66[%dma_start3A_67, %dma_start3A_68] : memref<80x128xi32, #tpu.memory_space<hbm>> -> memref<40x128xi32, #tpu.memory_space<hbm>>
      tpu.enqueue_dma source(%dma_start3A_69 : memref<40x128xi32, #tpu.memory_space<hbm>>) target(%arg7 : memref<40x128xi32, #tpu.memory_space<vmem>>) target_semaphore(%run_scoped3A : memref<!tpu.dma_semaphore, #tpu.memory_space<semaphore_mem>>)
      %dma_wait3A = arith.constant 0 : i32
      %dma_wait3A_70 = arith.constant 0 : i32
      %dma_wait3A_71 = tpu.memref_slice %arg3[%arg1, %dma_wait3A, %dma_wait3A_70] : memref<16x80x128xi32, #tpu.memory_space<hbm>> -> memref<1x80x128xi32, #tpu.memory_space<hbm>>
      %dma_wait3A_72 = tpu.memref_squeeze %dma_wait3A_71 : memref<1x80x128xi32, #tpu.memory_space<hbm>> -> memref<80x128xi32, #tpu.memory_space<hbm>>
      %dma_wait3A_73 = arith.constant 40 : i32
      %dma_wait3A_74 = arith.constant 0 : i32
      %dma_wait3A_75 = tpu.memref_slice %dma_wait3A_72[%dma_wait3A_73, %dma_wait3A_74] : memref<80x128xi32, #tpu.memory_space<hbm>> -> memref<40x128xi32, #tpu.memory_space<hbm>>
      %dma_wait3A_76 = arith.constant 0 : i32
      %dma_wait3A_77 = arith.constant 0 : i32
      %dma_wait3A_78 = tpu.memref_slice %arg3[%arg1, %dma_wait3A_76, %dma_wait3A_77] : memref<16x80x128xi32, #tpu.memory_space<hbm>> -> memref<1x80x128xi32, #tpu.memory_space<hbm>>
      %dma_wait3A_79 = tpu.memref_squeeze %dma_wait3A_78 : memref<1x80x128xi32, #tpu.memory_space<hbm>> -> memref<80x128xi32, #tpu.memory_space<hbm>>
      %dma_wait3A_80 = arith.constant 40 : i32
      %dma_wait3A_81 = arith.constant 0 : i32
      %dma_wait3A_82 = tpu.memref_slice %dma_wait3A_79[%dma_wait3A_80, %dma_wait3A_81] : memref<80x128xi32, #tpu.memory_space<hbm>> -> memref<40x128xi32, #tpu.memory_space<hbm>>
      tpu.wait_dma2 semaphore(%run_scoped3A : memref<!tpu.dma_semaphore, #tpu.memory_space<semaphore_mem>>) src(%dma_wait3A_82 : memref<40x128xi32, #tpu.memory_space<hbm>>) dst(%arg7 : memref<40x128xi32, #tpu.memory_space<vmem>>)
      tpu.yield
    }) : () -> ()
    "tpu.region"() ({
      %run_scoped3A = tpu.sem_alloc : memref<!tpu.dma_semaphore, #tpu.memory_space<semaphore_mem>>
      %dma_start3A_56 = arith.constant 0 : i32
      %dma_start3A_57 = arith.constant 0 : i32
      %dma_start3A_58 = tpu.memref_slice %arg4[%arg1, %dma_start3A_56, %dma_start3A_57] : memref<16x80x128xi32, #tpu.memory_space<hbm>> -> memref<1x80x128xi32, #tpu.memory_space<hbm>>
      %dma_start3A_59 = tpu.memref_squeeze %dma_start3A_58 : memref<1x80x128xi32, #tpu.memory_space<hbm>> -> memref<80x128xi32, #tpu.memory_space<hbm>>
      %dma_start3A_60 = arith.constant 40 : i32
      %dma_start3A_61 = arith.constant 0 : i32
      %dma_start3A_62 = tpu.memref_slice %dma_start3A_59[%dma_start3A_60, %dma_start3A_61] : memref<80x128xi32, #tpu.memory_space<hbm>> -> memref<40x128xi32, #tpu.memory_space<hbm>>
      %dma_start3A_63 = arith.constant 0 : i32
      %dma_start3A_64 = arith.constant 0 : i32
      %dma_start3A_65 = tpu.memref_slice %arg4[%arg1, %dma_start3A_63, %dma_start3A_64] : memref<16x80x128xi32, #tpu.memory_space<hbm>> -> memref<1x80x128xi32, #tpu.memory_space<hbm>>
      %dma_start3A_66 = tpu.memref_squeeze %dma_start3A_65 : memref<1x80x128xi32, #tpu.memory_space<hbm>> -> memref<80x128xi32, #tpu.memory_space<hbm>>
      %dma_start3A_67 = arith.constant 40 : i32
      %dma_start3A_68 = arith.constant 0 : i32
      %dma_start3A_69 = tpu.memref_slice %dma_start3A_66[%dma_start3A_67, %dma_start3A_68] : memref<80x128xi32, #tpu.memory_space<hbm>> -> memref<40x128xi32, #tpu.memory_space<hbm>>
      tpu.enqueue_dma source(%dma_start3A_69 : memref<40x128xi32, #tpu.memory_space<hbm>>) target(%arg8 : memref<40x128xi32, #tpu.memory_space<vmem>>) target_semaphore(%run_scoped3A : memref<!tpu.dma_semaphore, #tpu.memory_space<semaphore_mem>>)
      %dma_wait3A = arith.constant 0 : i32
      %dma_wait3A_70 = arith.constant 0 : i32
      %dma_wait3A_71 = tpu.memref_slice %arg4[%arg1, %dma_wait3A, %dma_wait3A_70] : memref<16x80x128xi32, #tpu.memory_space<hbm>> -> memref<1x80x128xi32, #tpu.memory_space<hbm>>
      %dma_wait3A_72 = tpu.memref_squeeze %dma_wait3A_71 : memref<1x80x128xi32, #tpu.memory_space<hbm>> -> memref<80x128xi32, #tpu.memory_space<hbm>>
      %dma_wait3A_73 = arith.constant 40 : i32
      %dma_wait3A_74 = arith.constant 0 : i32
      %dma_wait3A_75 = tpu.memref_slice %dma_wait3A_72[%dma_wait3A_73, %dma_wait3A_74] : memref<80x128xi32, #tpu.memory_space<hbm>> -> memref<40x128xi32, #tpu.memory_space<hbm>>
      %dma_wait3A_76 = arith.constant 0 : i32
      %dma_wait3A_77 = arith.constant 0 : i32
      %dma_wait3A_78 = tpu.memref_slice %arg4[%arg1, %dma_wait3A_76, %dma_wait3A_77] : memref<16x80x128xi32, #tpu.memory_space<hbm>> -> memref<1x80x128xi32, #tpu.memory_space<hbm>>
      %dma_wait3A_79 = tpu.memref_squeeze %dma_wait3A_78 : memref<1x80x128xi32, #tpu.memory_space<hbm>> -> memref<80x128xi32, #tpu.memory_space<hbm>>
      %dma_wait3A_80 = arith.constant 40 : i32
      %dma_wait3A_81 = arith.constant 0 : i32
      %dma_wait3A_82 = tpu.memref_slice %dma_wait3A_79[%dma_wait3A_80, %dma_wait3A_81] : memref<80x128xi32, #tpu.memory_space<hbm>> -> memref<40x128xi32, #tpu.memory_space<hbm>>
      tpu.wait_dma2 semaphore(%run_scoped3A : memref<!tpu.dma_semaphore, #tpu.memory_space<semaphore_mem>>) src(%dma_wait3A_82 : memref<40x128xi32, #tpu.memory_space<hbm>>) dst(%arg8 : memref<40x128xi32, #tpu.memory_space<vmem>>)
      tpu.yield
    }) : () -> ()
    %scan3A_25 = arith.constant 0 : i32
    %scan3A_26 = arith.constant 0 : i32
    %scan3A_27 = arith.constant 40 : i32
    %scan3A_28 = arith.addi %scan3A_26, %scan3A_27 : i32
    %scan3A_29 = arith.constant 1 : i32
    scf.for %scan3A_56 = %scan3A_26 to %scan3A_28 step %scan3A_29  : i32 {
      %get3A = arith.index_cast %scan3A_56 : i32 to index
      %get3A_57 = arith.constant 0 : index
      %get3A_58 = tpu.vector_load %arg7[%get3A, %get3A_57] {strides = array<i32>} : memref<40x128xi32, #tpu.memory_space<vmem>>, vector<1x16xi32>,
      %get3A_59 = vector.shape_cast %get3A_58 : vector<1x16xi32> to vector<16xi32>
      %mul3A_60 = arith.constant 2 : i32
      %mul3A_61 = vector.broadcast %mul3A_60 : i32 to vector<16xi32>
      %mul3A_62 = arith.muli %get3A_59, %mul3A_61 : vector<16xi32>
      %add3A = vector.broadcast %arg0 : i32 to vector<16xi32>
      %add3A_63 = arith.addi %mul3A_62, %add3A : vector<16xi32>
      %swap3A = arith.index_cast %scan3A_56 : i32 to index
      %swap3A_64 = arith.constant 0 : index
      %swap3A_65 = tpu.vector_load %arg7[%swap3A, %swap3A_64] {strides = array<i32>} : memref<40x128xi32, #tpu.memory_space<vmem>>, vector<1x16xi32>,
      %swap3A_66 = vector.shape_cast %swap3A_65 : vector<1x16xi32> to vector<16xi32>
      %swap3A_67 = vector.shape_cast %add3A_63 : vector<16xi32> to vector<1x16xi32>
      tpu.vector_store %arg7[%swap3A, %swap3A_64], %swap3A_67 {strides = array<i32>} : memref<40x128xi32, #tpu.memory_space<vmem>>, vector<1x16xi32>,
      %get3A_68 = arith.index_cast %scan3A_56 : i32 to index
      %get3A_69 = arith.constant 16 : index
      %get3A_70 = tpu.vector_load %arg7[%get3A_68, %get3A_69] {strides = array<i32>} : memref<40x128xi32, #tpu.memory_space<vmem>>, vector<1x16xi32>,
      %get3A_71 = vector.shape_cast %get3A_70 : vector<1x16xi32> to vector<16xi32>
      %mul3A_72 = arith.constant 2 : i32
      %mul3A_73 = vector.broadcast %mul3A_72 : i32 to vector<16xi32>
      %mul3A_74 = arith.muli %get3A_71, %mul3A_73 : vector<16xi32>
      %add3A_75 = vector.broadcast %arg0 : i32 to vector<16xi32>
      %add3A_76 = arith.addi %mul3A_74, %add3A_75 : vector<16xi32>
      %swap3A_77 = arith.index_cast %scan3A_56 : i32 to index
      %swap3A_78 = arith.constant 16 : index
      %swap3A_79 = tpu.vector_load %arg7[%swap3A_77, %swap3A_78] {strides = array<i32>} : memref<40x128xi32, #tpu.memory_space<vmem>>, vector<1x16xi32>,
      %swap3A_80 = vector.shape_cast %swap3A_79 : vector<1x16xi32> to vector<16xi32>
      %swap3A_81 = vector.shape_cast %add3A_76 : vector<16xi32> to vector<1x16xi32>
      tpu.vector_store %arg7[%swap3A_77, %swap3A_78], %swap3A_81 {strides = array<i32>} : memref<40x128xi32, #tpu.memory_space<vmem>>, vector<1x16xi32>,
      %get3A_82 = arith.index_cast %scan3A_56 : i32 to index
      %get3A_83 = arith.constant 32 : index
      %get3A_84 = tpu.vector_load %arg7[%get3A_82, %get3A_83] {strides = array<i32>} : memref<40x128xi32, #tpu.memory_space<vmem>>, vector<1x16xi32>,
      %get3A_85 = vector.shape_cast %get3A_84 : vector<1x16xi32> to vector<16xi32>
      %mul3A_86 = arith.constant 2 : i32
      %mul3A_87 = vector.broadcast %mul3A_86 : i32 to vector<16xi32>
      %mul3A_88 = arith.muli %get3A_85, %mul3A_87 : vector<16xi32>
      %add3A_89 = vector.broadcast %arg0 : i32 to vector<16xi32>
      %add3A_90 = arith.addi %mul3A_88, %add3A_89 : vector<16xi32>
      %swap3A_91 = arith.index_cast %scan3A_56 : i32 to index
      %swap3A_92 = arith.constant 32 : index
      %swap3A_93 = tpu.vector_load %arg7[%swap3A_91, %swap3A_92] {strides = array<i32>} : memref<40x128xi32, #tpu.memory_space<vmem>>, vector<1x16xi32>,
      %swap3A_94 = vector.shape_cast %swap3A_93 : vector<1x16xi32> to vector<16xi32>
      %swap3A_95 = vector.shape_cast %add3A_90 : vector<16xi32> to vector<1x16xi32>
      tpu.vector_store %arg7[%swap3A_91, %swap3A_92], %swap3A_95 {strides = array<i32>} : memref<40x128xi32, #tpu.memory_space<vmem>>, vector<1x16xi32>,
      %get3A_96 = arith.index_cast %scan3A_56 : i32 to index
      %get3A_97 = arith.constant 48 : index
      %get3A_98 = tpu.vector_load %arg7[%get3A_96, %get3A_97] {strides = array<i32>} : memref<40x128xi32, #tpu.memory_space<vmem>>, vector<1x16xi32>,
      %get3A_99 = vector.shape_cast %get3A_98 : vector<1x16xi32> to vector<16xi32>
      %mul3A_100 = arith.constant 2 : i32
      %mul3A_101 = vector.broadcast %mul3A_100 : i32 to vector<16xi32>
      %mul3A_102 = arith.muli %get3A_99, %mul3A_101 : vector<16xi32>
      %add3A_103 = vector.broadcast %arg0 : i32 to vector<16xi32>
      %add3A_104 = arith.addi %mul3A_102, %add3A_103 : vector<16xi32>
      %swap3A_105 = arith.index_cast %scan3A_56 : i32 to index
      %swap3A_106 = arith.constant 48 : index
      %swap3A_107 = tpu.vector_load %arg7[%swap3A_105, %swap3A_106] {strides = array<i32>} : memref<40x128xi32, #tpu.memory_space<vmem>>, vector<1x16xi32>,
      %swap3A_108 = vector.shape_cast %swap3A_107 : vector<1x16xi32> to vector<16xi32>
      %swap3A_109 = vector.shape_cast %add3A_104 : vector<16xi32> to vector<1x16xi32>
      tpu.vector_store %arg7[%swap3A_105, %swap3A_106], %swap3A_109 {strides = array<i32>} : memref<40x128xi32, #tpu.memory_space<vmem>>, vector<1x16xi32>,
      %get3A_110 = arith.index_cast %scan3A_56 : i32 to index
      %get3A_111 = arith.constant 64 : index
      %get3A_112 = tpu.vector_load %arg7[%get3A_110, %get3A_111] {strides = array<i32>} : memref<40x128xi32, #tpu.memory_space<vmem>>, vector<1x16xi32>,
      %get3A_113 = vector.shape_cast %get3A_112 : vector<1x16xi32> to vector<16xi32>
      %mul3A_114 = arith.constant 2 : i32
      %mul3A_115 = vector.broadcast %mul3A_114 : i32 to vector<16xi32>
      %mul3A_116 = arith.muli %get3A_113, %mul3A_115 : vector<16xi32>
      %add3A_117 = vector.broadcast %arg0 : i32 to vector<16xi32>
      %add3A_118 = arith.addi %mul3A_116, %add3A_117 : vector<16xi32>
      %swap3A_119 = arith.index_cast %scan3A_56 : i32 to index
      %swap3A_120 = arith.constant 64 : index
      %swap3A_121 = tpu.vector_load %arg7[%swap3A_119, %swap3A_120] {strides = array<i32>} : memref<40x128xi32, #tpu.memory_space<vmem>>, vector<1x16xi32>,
      %swap3A_122 = vector.shape_cast %swap3A_121 : vector<1x16xi32> to vector<16xi32>
      %swap3A_123 = vector.shape_cast %add3A_118 : vector<16xi32> to vector<1x16xi32>
      tpu.vector_store %arg7[%swap3A_119, %swap3A_120], %swap3A_123 {strides = array<i32>} : memref<40x128xi32, #tpu.memory_space<vmem>>, vector<1x16xi32>,
      %get3A_124 = arith.index_cast %scan3A_56 : i32 to index
      %get3A_125 = arith.constant 80 : index
      %get3A_126 = tpu.vector_load %arg7[%get3A_124, %get3A_125] {strides = array<i32>} : memref<40x128xi32, #tpu.memory_space<vmem>>, vector<1x16xi32>,
      %get3A_127 = vector.shape_cast %get3A_126 : vector<1x16xi32> to vector<16xi32>
      %mul3A_128 = arith.constant 2 : i32
      %mul3A_129 = vector.broadcast %mul3A_128 : i32 to vector<16xi32>
      %mul3A_130 = arith.muli %get3A_127, %mul3A_129 : vector<16xi32>
      %add3A_131 = vector.broadcast %arg0 : i32 to vector<16xi32>
      %add3A_132 = arith.addi %mul3A_130, %add3A_131 : vector<16xi32>
      %swap3A_133 = arith.index_cast %scan3A_56 : i32 to index
      %swap3A_134 = arith.constant 80 : index
      %swap3A_135 = tpu.vector_load %arg7[%swap3A_133, %swap3A_134] {strides = array<i32>} : memref<40x128xi32, #tpu.memory_space<vmem>>, vector<1x16xi32>,
      %swap3A_136 = vector.shape_cast %swap3A_135 : vector<1x16xi32> to vector<16xi32>
      %swap3A_137 = vector.shape_cast %add3A_132 : vector<16xi32> to vector<1x16xi32>
      tpu.vector_store %arg7[%swap3A_133, %swap3A_134], %swap3A_137 {strides = array<i32>} : memref<40x128xi32, #tpu.memory_space<vmem>>, vector<1x16xi32>,
      %get3A_138 = arith.index_cast %scan3A_56 : i32 to index
      %get3A_139 = arith.constant 96 : index
      %get3A_140 = tpu.vector_load %arg7[%get3A_138, %get3A_139] {strides = array<i32>} : memref<40x128xi32, #tpu.memory_space<vmem>>, vector<1x16xi32>,
      %get3A_141 = vector.shape_cast %get3A_140 : vector<1x16xi32> to vector<16xi32>
      %mul3A_142 = arith.constant 2 : i32
      %mul3A_143 = vector.broadcast %mul3A_142 : i32 to vector<16xi32>
      %mul3A_144 = arith.muli %get3A_141, %mul3A_143 : vector<16xi32>
      %add3A_145 = vector.broadcast %arg0 : i32 to vector<16xi32>
      %add3A_146 = arith.addi %mul3A_144, %add3A_145 : vector<16xi32>
      %swap3A_147 = arith.index_cast %scan3A_56 : i32 to index
      %swap3A_148 = arith.constant 96 : index
      %swap3A_149 = tpu.vector_load %arg7[%swap3A_147, %swap3A_148] {strides = array<i32>} : memref<40x128xi32, #tpu.memory_space<vmem>>, vector<1x16xi32>,
      %swap3A_150 = vector.shape_cast %swap3A_149 : vector<1x16xi32> to vector<16xi32>
      %swap3A_151 = vector.shape_cast %add3A_146 : vector<16xi32> to vector<1x16xi32>
      tpu.vector_store %arg7[%swap3A_147, %swap3A_148], %swap3A_151 {strides = array<i32>} : memref<40x128xi32, #tpu.memory_space<vmem>>, vector<1x16xi32>,
      %get3A_152 = arith.index_cast %scan3A_56 : i32 to index
      %get3A_153 = arith.constant 112 : index
      %get3A_154 = tpu.vector_load %arg7[%get3A_152, %get3A_153] {strides = array<i32>} : memref<40x128xi32, #tpu.memory_space<vmem>>, vector<1x16xi32>,
      %get3A_155 = vector.shape_cast %get3A_154 : vector<1x16xi32> to vector<16xi32>
      %mul3A_156 = arith.constant 2 : i32
      %mul3A_157 = vector.broadcast %mul3A_156 : i32 to vector<16xi32>
      %mul3A_158 = arith.muli %get3A_155, %mul3A_157 : vector<16xi32>
      %add3A_159 = vector.broadcast %arg0 : i32 to vector<16xi32>
      %add3A_160 = arith.addi %mul3A_158, %add3A_159 : vector<16xi32>
      %swap3A_161 = arith.index_cast %scan3A_56 : i32 to index
      %swap3A_162 = arith.constant 112 : index
      %swap3A_163 = tpu.vector_load %arg7[%swap3A_161, %swap3A_162] {strides = array<i32>} : memref<40x128xi32, #tpu.memory_space<vmem>>, vector<1x16xi32>,
      %swap3A_164 = vector.shape_cast %swap3A_163 : vector<1x16xi32> to vector<16xi32>
      %swap3A_165 = vector.shape_cast %add3A_160 : vector<16xi32> to vector<1x16xi32>
      tpu.vector_store %arg7[%swap3A_161, %swap3A_162], %swap3A_165 {strides = array<i32>} : memref<40x128xi32, #tpu.memory_space<vmem>>, vector<1x16xi32>,
    }
    %scan3A_30 = arith.constant 40 : i32
    %dma_start3A_31 = arith.constant 0 : i32
    %dma_start3A_32 = arith.constant 0 : i32
    %dma_start3A_33 = tpu.memref_slice %arg7[%dma_start3A_31, %dma_start3A_32] : memref<40x128xi32, #tpu.memory_space<vmem>> -> memref<1x128xi32, #tpu.memory_space<vmem>>
    %dma_start3A_34 = tpu.memref_squeeze %dma_start3A_33 : memref<1x128xi32, #tpu.memory_space<vmem>> -> memref<128xi32, #tpu.memory_space<vmem>>
    %dma_start3A_35 = arith.constant 0 : i32
    %dma_start3A_36 = arith.constant 0 : i32
    %dma_start3A_37 = tpu.memref_slice %arg2[%dma_start3A_35, %dma_start3A_36] : memref<20016x128xf32, #tpu.memory_space<hbm>> -> memref<20016x128xf32, #tpu.memory_space<hbm>>
    tpu.enqueue_indirect_dma source(%dma_start3A_37 : memref<20016x128xf32, #tpu.memory_space<hbm>>) target(%arg9 : memref<128x128xf32, #tpu.memory_space<vmem>>) offsets(%dma_start3A_34 : memref<128xi32, #tpu.memory_space<vmem>>) semaphore(%arg12 : memref<!tpu.dma_semaphore, #tpu.memory_space<semaphore_mem>>)
    %dma_start3A_38 = arith.constant 1 : i32
    %dma_start3A_39 = arith.constant 0 : i32
    %dma_start3A_40 = tpu.memref_slice %arg7[%dma_start3A_38, %dma_start3A_39] : memref<40x128xi32, #tpu.memory_space<vmem>> -> memref<1x128xi32, #tpu.memory_space<vmem>>
    %dma_start3A_41 = tpu.memref_squeeze %dma_start3A_40 : memref<1x128xi32, #tpu.memory_space<vmem>> -> memref<128xi32, #tpu.memory_space<vmem>>
    %dma_start3A_42 = arith.constant 0 : i32
    %dma_start3A_43 = arith.constant 0 : i32
    %dma_start3A_44 = tpu.memref_slice %arg2[%dma_start3A_42, %dma_start3A_43] : memref<20016x128xf32, #tpu.memory_space<hbm>> -> memref<20016x128xf32, #tpu.memory_space<hbm>>
    tpu.enqueue_indirect_dma source(%dma_start3A_44 : memref<20016x128xf32, #tpu.memory_space<hbm>>) target(%arg10 : memref<128x128xf32, #tpu.memory_space<vmem>>) offsets(%dma_start3A_41 : memref<128xi32, #tpu.memory_space<vmem>>) semaphore(%arg13 : memref<!tpu.dma_semaphore, #tpu.memory_space<semaphore_mem>>)
    %scan3A_45 = arith.constant 0 : i32
    %scan3A_46 = arith.constant 0 : i32
    %scan3A_47 = arith.constant 20 : i32
    %scan3A_48 = arith.addi %scan3A_46, %scan3A_47 : i32
    %scan3A_49 = arith.constant 1 : i32
    scf.for %scan3A_56 = %scan3A_46 to %scan3A_48 step %scan3A_49  : i32 {
      %mul3A_57 = arith.constant 2 : i32
      %mul3A_58 = arith.muli %mul3A_57, %scan3A_56 : i32
      %add3A = arith.constant 0 : i32
      %add3A_59 = arith.addi %mul3A_58, %add3A : i32
      %dma_wait3A = arith.constant 0 : i32
      %dma_wait3A_60 = arith.constant 0 : i32
      %dma_wait3A_61 = tpu.memref_slice %arg7[%dma_wait3A, %dma_wait3A_60] : memref<40x128xi32, #tpu.memory_space<vmem>> -> memref<1x128xi32, #tpu.memory_space<vmem>>
      %dma_wait3A_62 = tpu.memref_squeeze %dma_wait3A_61 : memref<1x128xi32, #tpu.memory_space<vmem>> -> memref<128xi32, #tpu.memory_space<vmem>>
      %dma_wait3A_63 = arith.constant 0 : i32
      %dma_wait3A_64 = arith.constant 0 : i32
      %dma_wait3A_65 = tpu.memref_slice %arg2[%dma_wait3A_63, %dma_wait3A_64] : memref<20016x128xf32, #tpu.memory_space<hbm>> -> memref<20016x128xf32, #tpu.memory_space<hbm>>
      tpu.wait_indirect_dma semaphore(%arg12 : memref<!tpu.dma_semaphore, #tpu.memory_space<semaphore_mem>>) src(%dma_wait3A_65 : memref<20016x128xf32, #tpu.memory_space<hbm>>) dst(%arg9 : memref<128x128xf32, #tpu.memory_space<vmem>>)
      "tpu.region"() ({
        %run_scoped3A = tpu.sem_alloc : memref<!tpu.dma_semaphore, #tpu.memory_space<semaphore_mem>>
        %dma_start3A_88 = arith.constant 0 : i32
        %dma_start3A_89 = tpu.memref_slice %arg8[%add3A_59, %dma_start3A_88] : memref<40x128xi32, #tpu.memory_space<vmem>> -> memref<1x128xi32, #tpu.memory_space<vmem>>
        %dma_start3A_90 = tpu.memref_squeeze %dma_start3A_89 : memref<1x128xi32, #tpu.memory_space<vmem>> -> memref<128xi32, #tpu.memory_space<vmem>>
        %dma_start3A_91 = arith.constant 0 : i32
        %dma_start3A_92 = arith.constant 0 : i32
        %dma_start3A_93 = tpu.memref_slice %arg11[%dma_start3A_91, %dma_start3A_92] : memref<10112x128xf32, #tpu.memory_space<vmem_shared>> -> memref<10112x128xf32, #tpu.memory_space<vmem_shared>>
        tpu.enqueue_indirect_dma source(%arg9 : memref<128x128xf32, #tpu.memory_space<vmem>>) target(%dma_start3A_93 : memref<10112x128xf32, #tpu.memory_space<vmem_shared>>) offsets(%dma_start3A_90 : memref<128xi32, #tpu.memory_space<vmem>>) semaphore(%run_scoped3A : memref<!tpu.dma_semaphore, #tpu.memory_space<semaphore_mem>>) {add = true}
        %dma_wait3A_94 = arith.constant 0 : i32
        %dma_wait3A_95 = tpu.memref_slice %arg8[%add3A_59, %dma_wait3A_94] : memref<40x128xi32, #tpu.memory_space<vmem>> -> memref<1x128xi32, #tpu.memory_space<vmem>>
        %dma_wait3A_96 = tpu.memref_squeeze %dma_wait3A_95 : memref<1x128xi32, #tpu.memory_space<vmem>> -> memref<128xi32, #tpu.memory_space<vmem>>
        %dma_wait3A_97 = arith.constant 0 : i32
        %dma_wait3A_98 = arith.constant 0 : i32
        %dma_wait3A_99 = tpu.memref_slice %arg11[%dma_wait3A_97, %dma_wait3A_98] : memref<10112x128xf32, #tpu.memory_space<vmem_shared>> -> memref<10112x128xf32, #tpu.memory_space<vmem_shared>>
        tpu.wait_indirect_dma semaphore(%run_scoped3A : memref<!tpu.dma_semaphore, #tpu.memory_space<semaphore_mem>>) src(%arg9 : memref<128x128xf32, #tpu.memory_space<vmem>>) dst(%dma_wait3A_99 : memref<10112x128xf32, #tpu.memory_space<vmem_shared>>)
        tpu.yield
      }) : () -> ()
      %add3A_66 = arith.constant 2 : i32
      %add3A_67 = arith.addi %add3A_59, %add3A_66 : i32
      %lt3A = arith.constant 40 : i32
      %lt3A_68 = arith.cmpi slt, %add3A_67, %lt3A : i32
      %convert_element_type3A = arith.extui %lt3A_68 : i1 to i32
      %cond3A = arith.constant 0 : i32
      %cond3A_69 = arith.cmpi ne, %convert_element_type3A, %cond3A : i32
      scf.if %cond3A_69 {
        %add3A_88 = arith.constant 2 : i32
        %add3A_89 = arith.addi %add3A_59, %add3A_88 : i32
        %dma_start3A_90 = arith.constant 0 : i32
        %dma_start3A_91 = tpu.memref_slice %arg7[%add3A_89, %dma_start3A_90] : memref<40x128xi32, #tpu.memory_space<vmem>> -> memref<1x128xi32, #tpu.memory_space<vmem>>
        %dma_start3A_92 = tpu.memref_squeeze %dma_start3A_91 : memref<1x128xi32, #tpu.memory_space<vmem>> -> memref<128xi32, #tpu.memory_space<vmem>>
        %dma_start3A_93 = arith.constant 0 : i32
        %dma_start3A_94 = arith.constant 0 : i32
        %dma_start3A_95 = tpu.memref_slice %arg2[%dma_start3A_93, %dma_start3A_94] : memref<20016x128xf32, #tpu.memory_space<hbm>> -> memref<20016x128xf32, #tpu.memory_space<hbm>>
        tpu.enqueue_indirect_dma source(%dma_start3A_95 : memref<20016x128xf32, #tpu.memory_space<hbm>>) target(%arg9 : memref<128x128xf32, #tpu.memory_space<vmem>>) offsets(%dma_start3A_92 : memref<128xi32, #tpu.memory_space<vmem>>) semaphore(%arg12 : memref<!tpu.dma_semaphore, #tpu.memory_space<semaphore_mem>>)
      } else {
      }
      %mul3A_70 = arith.constant 2 : i32
      %mul3A_71 = arith.muli %mul3A_70, %scan3A_56 : i32
      %add3A_72 = arith.constant 1 : i32
      %add3A_73 = arith.addi %mul3A_71, %add3A_72 : i32
      %dma_wait3A_74 = arith.constant 0 : i32
      %dma_wait3A_75 = arith.constant 0 : i32
      %dma_wait3A_76 = tpu.memref_slice %arg7[%dma_wait3A_74, %dma_wait3A_75] : memref<40x128xi32, #tpu.memory_space<vmem>> -> memref<1x128xi32, #tpu.memory_space<vmem>>
      %dma_wait3A_77 = tpu.memref_squeeze %dma_wait3A_76 : memref<1x128xi32, #tpu.memory_space<vmem>> -> memref<128xi32, #tpu.memory_space<vmem>>
      %dma_wait3A_78 = arith.constant 0 : i32
      %dma_wait3A_79 = arith.constant 0 : i32
      %dma_wait3A_80 = tpu.memref_slice %arg2[%dma_wait3A_78, %dma_wait3A_79] : memref<20016x128xf32, #tpu.memory_space<hbm>> -> memref<20016x128xf32, #tpu.memory_space<hbm>>
      tpu.wait_indirect_dma semaphore(%arg13 : memref<!tpu.dma_semaphore, #tpu.memory_space<semaphore_mem>>) src(%dma_wait3A_80 : memref<20016x128xf32, #tpu.memory_space<hbm>>) dst(%arg10 : memref<128x128xf32, #tpu.memory_space<vmem>>)
      "tpu.region"() ({
        %run_scoped3A = tpu.sem_alloc : memref<!tpu.dma_semaphore, #tpu.memory_space<semaphore_mem>>
        %dma_start3A_88 = arith.constant 0 : i32
        %dma_start3A_89 = tpu.memref_slice %arg8[%add3A_73, %dma_start3A_88] : memref<40x128xi32, #tpu.memory_space<vmem>> -> memref<1x128xi32, #tpu.memory_space<vmem>>
        %dma_start3A_90 = tpu.memref_squeeze %dma_start3A_89 : memref<1x128xi32, #tpu.memory_space<vmem>> -> memref<128xi32, #tpu.memory_space<vmem>>
        %dma_start3A_91 = arith.constant 0 : i32
        %dma_start3A_92 = arith.constant 0 : i32
        %dma_start3A_93 = tpu.memref_slice %arg11[%dma_start3A_91, %dma_start3A_92] : memref<10112x128xf32, #tpu.memory_space<vmem_shared>> -> memref<10112x128xf32, #tpu.memory_space<vmem_shared>>
        tpu.enqueue_indirect_dma source(%arg10 : memref<128x128xf32, #tpu.memory_space<vmem>>) target(%dma_start3A_93 : memref<10112x128xf32, #tpu.memory_space<vmem_shared>>) offsets(%dma_start3A_90 : memref<128xi32, #tpu.memory_space<vmem>>) semaphore(%run_scoped3A : memref<!tpu.dma_semaphore, #tpu.memory_space<semaphore_mem>>) {add = true}
        %dma_wait3A_94 = arith.constant 0 : i32
        %dma_wait3A_95 = tpu.memref_slice %arg8[%add3A_73, %dma_wait3A_94] : memref<40x128xi32, #tpu.memory_space<vmem>> -> memref<1x128xi32, #tpu.memory_space<vmem>>
        %dma_wait3A_96 = tpu.memref_squeeze %dma_wait3A_95 : memref<1x128xi32, #tpu.memory_space<vmem>> -> memref<128xi32, #tpu.memory_space<vmem>>
        %dma_wait3A_97 = arith.constant 0 : i32
        %dma_wait3A_98 = arith.constant 0 : i32
        %dma_wait3A_99 = tpu.memref_slice %arg11[%dma_wait3A_97, %dma_wait3A_98] : memref<10112x128xf32, #tpu.memory_space<vmem_shared>> -> memref<10112x128xf32, #tpu.memory_space<vmem_shared>>
        tpu.wait_indirect_dma semaphore(%run_scoped3A : memref<!tpu.dma_semaphore, #tpu.memory_space<semaphore_mem>>) src(%arg10 : memref<128x128xf32, #tpu.memory_space<vmem>>) dst(%dma_wait3A_99 : memref<10112x128xf32, #tpu.memory_space<vmem_shared>>)
        tpu.yield
      }) : () -> ()
      %add3A_81 = arith.constant 2 : i32
      %add3A_82 = arith.addi %add3A_73, %add3A_81 : i32
      %lt3A_83 = arith.constant 40 : i32
      %lt3A_84 = arith.cmpi slt, %add3A_82, %lt3A_83 : i32
      %convert_element_type3A_85 = arith.extui %lt3A_84 : i1 to i32
      %cond3A_86 = arith.constant 0 : i32
      %cond3A_87 = arith.cmpi ne, %convert_element_type3A_85, %cond3A_86 : i32
      scf.if %cond3A_87 {
        %add3A_88 = arith.constant 2 : i32
        %add3A_89 = arith.addi %add3A_73, %add3A_88 : i32
        %dma_start3A_90 = arith.constant 0 : i32
        %dma_start3A_91 = tpu.memref_slice %arg7[%add3A_89, %dma_start3A_90] : memref<40x128xi32, #tpu.memory_space<vmem>> -> memref<1x128xi32, #tpu.memory_space<vmem>>
        %dma_start3A_92 = tpu.memref_squeeze %dma_start3A_91 : memref<1x128xi32, #tpu.memory_space<vmem>> -> memref<128xi32, #tpu.memory_space<vmem>>
        %dma_start3A_93 = arith.constant 0 : i32
        %dma_start3A_94 = arith.constant 0 : i32
        %dma_start3A_95 = tpu.memref_slice %arg2[%dma_start3A_93, %dma_start3A_94] : memref<20016x128xf32, #tpu.memory_space<hbm>> -> memref<20016x128xf32, #tpu.memory_space<hbm>>
        tpu.enqueue_indirect_dma source(%dma_start3A_95 : memref<20016x128xf32, #tpu.memory_space<hbm>>) target(%arg10 : memref<128x128xf32, #tpu.memory_space<vmem>>) offsets(%dma_start3A_92 : memref<128xi32, #tpu.memory_space<vmem>>) semaphore(%arg13 : memref<!tpu.dma_semaphore, #tpu.memory_space<semaphore_mem>>)
      } else {
      }
    }
    %scan3A_50 = arith.constant 20 : i32
    %barrier3A_51 = arith.constant 0 : index
    tpu.barrier barrier_id(%barrier3A_51)
    %mul3A_52 = arith.constant 632 : i32
    %mul3A_53 = arith.muli %arg1, %mul3A_52 : i32
    %mul3A_54 = arith.constant 632 : i32
    %mul3A_55 = arith.muli %arg1, %mul3A_54 : i32
    "tpu.region"() ({
      %run_scoped3A = tpu.sem_alloc : memref<!tpu.dma_semaphore, #tpu.memory_space<semaphore_mem>>
      %dma_start3A_56 = arith.constant 0 : i32
      %dma_start3A_57 = arith.constant 0 : i32
      %dma_start3A_58 = tpu.memref_slice %arg6[%arg0, %dma_start3A_56, %dma_start3A_57] : memref<2x10112x128xf32, #tpu.memory_space<hbm>> -> memref<1x10112x128xf32, #tpu.memory_space<hbm>>
      %dma_start3A_59 = tpu.memref_squeeze %dma_start3A_58 : memref<1x10112x128xf32, #tpu.memory_space<hbm>> -> memref<10112x128xf32, #tpu.memory_space<hbm>>
      %dma_start3A_60 = arith.constant 0 : i32
      %dma_start3A_61 = tpu.memref_slice %dma_start3A_59[%mul3A_55, %dma_start3A_60] : memref<10112x128xf32, #tpu.memory_space<hbm>> -> memref<632x128xf32, #tpu.memory_space<hbm>>
      %dma_start3A_62 = arith.constant 0 : i32
      %dma_start3A_63 = tpu.memref_slice %arg11[%mul3A_53, %dma_start3A_62] : memref<10112x128xf32, #tpu.memory_space<vmem_shared>> -> memref<632x128xf32, #tpu.memory_space<vmem_shared>>
      tpu.enqueue_dma source(%dma_start3A_63 : memref<632x128xf32, #tpu.memory_space<vmem_shared>>) target(%dma_start3A_61 : memref<632x128xf32, #tpu.memory_space<hbm>>) target_semaphore(%run_scoped3A : memref<!tpu.dma_semaphore, #tpu.memory_space<semaphore_mem>>)
      %dma_wait3A = arith.constant 0 : i32
      %dma_wait3A_64 = arith.constant 0 : i32
      %dma_wait3A_65 = tpu.memref_slice %arg6[%arg0, %dma_wait3A, %dma_wait3A_64] : memref<2x10112x128xf32, #tpu.memory_space<hbm>> -> memref<1x10112x128xf32, #tpu.memory_space<hbm>>
      %dma_wait3A_66 = tpu.memref_squeeze %dma_wait3A_65 : memref<1x10112x128xf32, #tpu.memory_space<hbm>> -> memref<10112x128xf32, #tpu.memory_space<hbm>>
      %dma_wait3A_67 = arith.constant 0 : i32
      %dma_wait3A_68 = tpu.memref_slice %dma_wait3A_66[%mul3A_55, %dma_wait3A_67] : memref<10112x128xf32, #tpu.memory_space<hbm>> -> memref<632x128xf32, #tpu.memory_space<hbm>>
      %dma_wait3A_69 = arith.constant 0 : i32
      %dma_wait3A_70 = tpu.memref_slice %arg11[%mul3A_53, %dma_wait3A_69] : memref<10112x128xf32, #tpu.memory_space<vmem_shared>> -> memref<632x128xf32, #tpu.memory_space<vmem_shared>>
      tpu.wait_dma2 semaphore(%run_scoped3A : memref<!tpu.dma_semaphore, #tpu.memory_space<semaphore_mem>>) src(%dma_wait3A_70 : memref<632x128xf32, #tpu.memory_space<vmem_shared>>) dst(%dma_wait3A_68 : memref<632x128xf32, #tpu.memory_space<hbm>>)
      tpu.yield
    }) : () -> ()
    return
  }
}

module attributes {stable_mosaic.version = 14 : i64} {
  func.func @_hn_body(%arg0: memref<10000x256xf32, #tpu.memory_space<vmem>>, %arg1: memref<10000x1xf32, #tpu.memory_space<vmem>>, %arg2: memref<10008x256xf32, #tpu.memory_space<vmem>>) attributes {dimension_semantics = [], scalar_prefetch = 0 : i64, scratch_operands = 0 : i64, tpu.core_type = #tpu.core_type<tc>} {
    %get3A = arith.constant 0 : index
    %get3A_0 = arith.constant 0 : index
    %get3A_1 = vector.load %arg1[%get3A, %get3A_0] : memref<10000x1xf32, #tpu.memory_space<vmem>>, vector<10000x1xf32>
    %max3A = arith.constant 1.000000e+00 : f32
    %max3A_2 = vector.broadcast %max3A : f32 to vector<10000x1xf32>
    %max3A_3 = arith.maximumf %get3A_1, %max3A_2 : vector<10000x1xf32>
    %rsqrt3A = math.rsqrt %max3A_3 : vector<10000x1xf32>
    %get3A_4 = arith.constant 0 : index
    %get3A_5 = arith.constant 0 : index
    %get3A_6 = vector.load %arg0[%get3A_4, %get3A_5] : memref<10000x256xf32, #tpu.memory_space<vmem>>, vector<10000x256xf32>
    %mul3A = vector.broadcast %rsqrt3A : vector<10000x1xf32> to vector<10000x256xf32>
    %mul3A_7 = arith.mulf %get3A_6, %mul3A : vector<10000x256xf32>
    %broadcast_in_dim3A = arith.constant 0.000000e+00 : f32
    %broadcast_in_dim3A_8 = vector.broadcast %broadcast_in_dim3A : f32 to vector<8x256xf32>
    %concatenate3A = tpu.concatenate %mul3A_7, %broadcast_in_dim3A_8 in 0 : vector<10000x256xf32>, vector<8x256xf32> -> vector<10008x256xf32>
    %swap3A = arith.constant 0 : index
    %swap3A_9 = arith.constant 0 : index
    %swap3A_10 = vector.load %arg2[%swap3A, %swap3A_9] : memref<10008x256xf32, #tpu.memory_space<vmem>>, vector<10008x256xf32>
    tpu.vector_store %arg2[%swap3A, %swap3A_9], %concatenate3A {strides = array<i32>} : memref<10008x256xf32, #tpu.memory_space<vmem>>, vector<10008x256xf32>,
    return
  }
}

module attributes {stable_mosaic.version = 14 : i64} {
  func.func @_base_body(%arg0: memref<2x10112x128xf32, #tpu.memory_space<vmem>>, %arg1: memref<10000x1xf32, #tpu.memory_space<vmem>>, %arg2: memref<10000x1xf32, #tpu.memory_space<vmem>>, %arg3: memref<256x256xf32, #tpu.memory_space<vmem>>, %arg4: memref<1x256xf32, #tpu.memory_space<vmem>>, %arg5: memref<10000x256xf32, #tpu.memory_space<vmem>>, %arg6: memref<10008x256xf32, #tpu.memory_space<vmem>>) attributes {dimension_semantics = [], scalar_prefetch = 0 : i64, scratch_operands = 0 : i64, tpu.core_type = #tpu.core_type<tc>} {
    %get3A = arith.constant 0 : index
    %get3A_0 = arith.constant 0 : index
    %get3A_1 = vector.load %arg1[%get3A, %get3A_0] : memref<10000x1xf32, #tpu.memory_space<vmem>>, vector<10000x1xf32>
    %max3A = arith.constant 1.000000e+00 : f32
    %max3A_2 = vector.broadcast %max3A : f32 to vector<10000x1xf32>
    %max3A_3 = arith.maximumf %get3A_1, %max3A_2 : vector<10000x1xf32>
    %rsqrt3A = math.rsqrt %max3A_3 : vector<10000x1xf32>
    %get3A_4 = arith.constant 0 : index
    %get3A_5 = arith.constant 0 : index
    %get3A_6 = arith.constant 0 : index
    %get3A_7 = vector.load %arg0[%get3A_4, %get3A_5, %get3A_6] : memref<2x10112x128xf32, #tpu.memory_space<vmem>>, vector<1x10000x128xf32>
    %get3A_8 = vector.shape_cast %get3A_7 : vector<1x10000x128xf32> to vector<10000x128xf32>
    %get3A_9 = arith.constant 1 : index
    %get3A_10 = arith.constant 0 : index
    %get3A_11 = arith.constant 0 : index
    %get3A_12 = vector.load %arg0[%get3A_9, %get3A_10, %get3A_11] : memref<2x10112x128xf32, #tpu.memory_space<vmem>>, vector<1x10000x128xf32>
    %get3A_13 = vector.shape_cast %get3A_12 : vector<1x10000x128xf32> to vector<10000x128xf32>
    %concatenate3A = tpu.concatenate %get3A_8, %get3A_13 in 1 : vector<10000x128xf32>, vector<10000x128xf32> -> vector<10000x256xf32>
    %mul3A = vector.broadcast %rsqrt3A : vector<10000x1xf32> to vector<10000x256xf32>
    %mul3A_14 = arith.mulf %concatenate3A, %mul3A : vector<10000x256xf32>
    %get3A_15 = arith.constant 0 : index
    %get3A_16 = arith.constant 0 : index
    %get3A_17 = vector.load %arg3[%get3A_15, %get3A_16] : memref<256x256xf32, #tpu.memory_space<vmem>>, vector<256x256xf32>
    %dot_general3A = arith.constant dense<0.000000e+00> : vector<10000x256xf32>
    %dot_general3A_18 = tpu.matmul %mul3A_14, %get3A_17, %dot_general3A {dimension_numbers = #tpu.dot_dimension_numbers<[1], [0], [0], [1], [0, 0, 1, 1], [], []>, transpose_lhs_hint = false} : vector<10000x256xf32>, vector<256x256xf32>, vector<10000x256xf32> -> vector<10000x256xf32>
    %get3A_19 = arith.constant 0 : index
    %get3A_20 = arith.constant 0 : index
    %get3A_21 = vector.load %arg4[%get3A_19, %get3A_20] : memref<1x256xf32, #tpu.memory_space<vmem>>, vector<1x256xf32>
    %add3A = vector.broadcast %get3A_21 : vector<1x256xf32> to vector<10000x256xf32>
    %add3A_22 = arith.addf %dot_general3A_18, %add3A : vector<10000x256xf32>
    %swap3A = arith.constant 0 : index
    %swap3A_23 = arith.constant 0 : index
    %swap3A_24 = vector.load %arg5[%swap3A, %swap3A_23] : memref<10000x256xf32, #tpu.memory_space<vmem>>, vector<10000x256xf32>
    tpu.vector_store %arg5[%swap3A, %swap3A_23], %add3A_22 {strides = array<i32>} : memref<10000x256xf32, #tpu.memory_space<vmem>>, vector<10000x256xf32>,
    %get3A_25 = arith.constant 0 : index
    %get3A_26 = arith.constant 0 : index
    %get3A_27 = vector.load %arg2[%get3A_25, %get3A_26] : memref<10000x1xf32, #tpu.memory_space<vmem>>, vector<10000x1xf32>
    %add3A_28 = arith.constant 1.000000e+00 : f32
    %add3A_29 = vector.broadcast %add3A_28 : f32 to vector<10000x1xf32>
    %add3A_30 = arith.addf %get3A_27, %add3A_29 : vector<10000x1xf32>
    %rsqrt3A_31 = math.rsqrt %add3A_30 : vector<10000x1xf32>
    %mul3A_32 = vector.broadcast %rsqrt3A_31 : vector<10000x1xf32> to vector<10000x256xf32>
    %mul3A_33 = arith.mulf %add3A_22, %mul3A_32 : vector<10000x256xf32>
    %broadcast_in_dim3A = arith.constant 0.000000e+00 : f32
    %broadcast_in_dim3A_34 = vector.broadcast %broadcast_in_dim3A : f32 to vector<8x256xf32>
    %concatenate3A_35 = tpu.concatenate %mul3A_33, %broadcast_in_dim3A_34 in 0 : vector<10000x256xf32>, vector<8x256xf32> -> vector<10008x256xf32>
    %swap3A_36 = arith.constant 0 : index
    %swap3A_37 = arith.constant 0 : index
    %swap3A_38 = vector.load %arg6[%swap3A_36, %swap3A_37] : memref<10008x256xf32, #tpu.memory_space<vmem>>, vector<10008x256xf32>
    tpu.vector_store %arg6[%swap3A_36, %swap3A_37], %concatenate3A_35 {strides = array<i32>} : memref<10008x256xf32, #tpu.memory_space<vmem>>, vector<10008x256xf32>,
    return
  }
}

module attributes {stable_mosaic.version = 14 : i64} {
  func.func @_final_body(%arg0: i32, %arg1: memref<2000x256xf32, #tpu.memory_space<vmem>>, %arg2: memref<2x2000x128xf32, #tpu.memory_space<vmem>>, %arg3: memref<2000x256xf32, #tpu.memory_space<vmem>>, %arg4: memref<2000x1xf32, #tpu.memory_space<vmem>>, %arg5: memref<1x1xf32, #tpu.memory_space<smem>>, %arg6: memref<1x256xf32, #tpu.memory_space<vmem>>, %arg7: memref<256x256xf32, #tpu.memory_space<vmem>>, %arg8: memref<1x256xf32, #tpu.memory_space<vmem>>, %arg9: memref<256x128xf32, #tpu.memory_space<vmem>>, %arg10: memref<1x128xf32, #tpu.memory_space<vmem>>, %arg11: memref<256x256xf32, #tpu.memory_space<vmem>>, %arg12: memref<1x256xf32, #tpu.memory_space<vmem>>, %arg13: memref<256x128xf32, #tpu.memory_space<vmem>>, %arg14: memref<1x128xf32, #tpu.memory_space<vmem>>, %arg15: memref<2000x256xf32, #tpu.memory_space<vmem>>, %arg16: memref<2000x128xbf16, #tpu.memory_space<vmem>>, %arg17: memref<2000x128xbf16, #tpu.memory_space<vmem>>, %arg18: memref<1x1xf32, #tpu.memory_space<smem>>) attributes {dimension_semantics = [#tpu.dimension_semantics<arbitrary>], iteration_bounds = array<i64: 5>, scalar_prefetch = 0 : i64, scratch_operands = 0 : i64, tpu.core_type = #tpu.core_type<tc>, window_params = [{transform_indices = @transform_0, window_bounds = array<i64: 2000, 256>}, {transform_indices = @transform_1, window_bounds = array<i64: 2, 2000, 128>}, {transform_indices = @transform_2, window_bounds = array<i64: 2000, 256>}, {transform_indices = @transform_3, window_bounds = array<i64: 2000, 1>}, {transform_indices = @transform_4, window_bounds = array<i64: 1, 1>}, {pipeline_mode = #tpu.pipeline_mode<synchronous>, transform_indices = @transform_5, window_bounds = array<i64: 1, 256>}, {pipeline_mode = #tpu.pipeline_mode<synchronous>, transform_indices = @transform_6, window_bounds = array<i64: 256, 256>}, {pipeline_mode = #tpu.pipeline_mode<synchronous>, transform_indices = @transform_7, window_bounds = array<i64: 1, 256>}, {pipeline_mode = #tpu.pipeline_mode<synchronous>, transform_indices = @transform_8, window_bounds = array<i64: 256, 128>}, {pipeline_mode = #tpu.pipeline_mode<synchronous>, transform_indices = @transform_9, window_bounds = array<i64: 1, 128>}, {pipeline_mode = #tpu.pipeline_mode<synchronous>, transform_indices = @transform_10, window_bounds = array<i64: 256, 256>}, {pipeline_mode = #tpu.pipeline_mode<synchronous>, transform_indices = @transform_11, window_bounds = array<i64: 1, 256>}, {pipeline_mode = #tpu.pipeline_mode<synchronous>, transform_indices = @transform_12, window_bounds = array<i64: 256, 128>}, {pipeline_mode = #tpu.pipeline_mode<synchronous>, transform_indices = @transform_13, window_bounds = array<i64: 1, 128>}, {transform_indices = @transform_14, window_bounds = array<i64: 2000, 256>}, {transform_indices = @transform_15, window_bounds = array<i64: 2000, 128>}, {transform_indices = @transform_16, window_bounds = array<i64: 2000, 128>}, {transform_indices = @transform_17, window_bounds = array<i64: 1, 1>}]} {
    %get3A = arith.constant 0 : index
    %get3A_0 = arith.constant 0 : index
    %get3A_1 = vector.load %arg1[%get3A, %get3A_0] : memref<2000x256xf32, #tpu.memory_space<vmem>>, vector<2000x256xf32>
    %get3A_2 = arith.constant 0 : index
    %get3A_3 = arith.constant 0 : index
    %get3A_4 = arith.constant 0 : index
    %get3A_5 = vector.load %arg2[%get3A_2, %get3A_3, %get3A_4] : memref<2x2000x128xf32, #tpu.memory_space<vmem>>, vector<1x2000x128xf32>
    %get3A_6 = vector.shape_cast %get3A_5 : vector<1x2000x128xf32> to vector<2000x128xf32>
    %get3A_7 = arith.constant 1 : index
    %get3A_8 = arith.constant 0 : index
    %get3A_9 = arith.constant 0 : index
    %get3A_10 = vector.load %arg2[%get3A_7, %get3A_8, %get3A_9] : memref<2x2000x128xf32, #tpu.memory_space<vmem>>, vector<1x2000x128xf32>
    %get3A_11 = vector.shape_cast %get3A_10 : vector<1x2000x128xf32> to vector<2000x128xf32>
    %concatenate3A = tpu.concatenate %get3A_6, %get3A_11 in 1 : vector<2000x128xf32>, vector<2000x128xf32> -> vector<2000x256xf32>
    %get3A_12 = arith.constant 0 : index
    %get3A_13 = arith.constant 0 : index
    %get3A_14 = vector.load %arg3[%get3A_12, %get3A_13] : memref<2000x256xf32, #tpu.memory_space<vmem>>, vector<2000x256xf32>
    %add3A = arith.addf %concatenate3A, %get3A_14 : vector<2000x256xf32>
    %get3A_15 = arith.constant 0 : index
    %get3A_16 = arith.constant 0 : index
    %get3A_17 = vector.load %arg4[%get3A_15, %get3A_16] : memref<2000x1xf32, #tpu.memory_space<vmem>>, vector<2000x1xf32>
    %add3A_18 = arith.constant 1.000000e+00 : f32
    %add3A_19 = vector.broadcast %add3A_18 : f32 to vector<2000x1xf32>
    %add3A_20 = arith.addf %get3A_17, %add3A_19 : vector<2000x1xf32>
    %rsqrt3A = math.rsqrt %add3A_20 : vector<2000x1xf32>
    %mul3A = vector.broadcast %rsqrt3A : vector<2000x1xf32> to vector<2000x256xf32>
    %mul3A_21 = arith.mulf %add3A, %mul3A : vector<2000x256xf32>
    %sub3A = arith.subf %get3A_1, %mul3A_21 : vector<2000x256xf32>
    %get3A_22 = arith.constant 0 : index
    %get3A_23 = arith.constant 0 : index
    %get3A_24 = memref.load %arg5[%get3A_22, %get3A_23] : memref<1x1xf32, #tpu.memory_space<smem>>
    %get3A_25 = arith.constant 0 : index
    %get3A_26 = arith.constant 0 : index
    %get3A_27 = vector.load %arg6[%get3A_25, %get3A_26] : memref<1x256xf32, #tpu.memory_space<vmem>>, vector<1x256xf32>
    %add3A_28 = vector.broadcast %get3A_24 : f32 to vector<1x256xf32>
    %add3A_29 = arith.addf %add3A_28, %get3A_27 : vector<1x256xf32>
    %mul3A_30 = arith.constant 5.000000e-01 : f32
    %mul3A_31 = vector.broadcast %mul3A_30 : f32 to vector<1x256xf32>
    %mul3A_32 = arith.mulf %mul3A_31, %add3A_29 : vector<1x256xf32>
    %mul3A_33 = vector.broadcast %mul3A_32 : vector<1x256xf32> to vector<2000x256xf32>
    %mul3A_34 = arith.mulf %mul3A_33, %sub3A : vector<2000x256xf32>
    %sub3A_35 = arith.subf %get3A_1, %mul3A_34 : vector<2000x256xf32>
    %swap3A = arith.constant 0 : index
    %swap3A_36 = arith.constant 0 : index
    %swap3A_37 = vector.load %arg15[%swap3A, %swap3A_36] : memref<2000x256xf32, #tpu.memory_space<vmem>>, vector<2000x256xf32>
    tpu.vector_store %arg15[%swap3A, %swap3A_36], %sub3A_35 {strides = array<i32>} : memref<2000x256xf32, #tpu.memory_space<vmem>>, vector<2000x256xf32>,
    %mul3A_38 = vector.broadcast %get3A_24 : f32 to vector<2000x256xf32>
    %mul3A_39 = arith.mulf %mul3A_38, %sub3A : vector<2000x256xf32>
    %sub3A_40 = arith.subf %get3A_1, %mul3A_39 : vector<2000x256xf32>
    %mul3A_41 = vector.broadcast %get3A_27 : vector<1x256xf32> to vector<2000x256xf32>
    %mul3A_42 = arith.mulf %mul3A_41, %sub3A : vector<2000x256xf32>
    %sub3A_43 = arith.subf %get3A_1, %mul3A_42 : vector<2000x256xf32>
    %get3A_44 = arith.constant 0 : index
    %get3A_45 = arith.constant 0 : index
    %get3A_46 = vector.load %arg7[%get3A_44, %get3A_45] : memref<256x256xf32, #tpu.memory_space<vmem>>, vector<256x256xf32>
    %dot_general3A = arith.constant dense<0.000000e+00> : vector<2000x256xf32>
    %dot_general3A_47 = tpu.matmul %sub3A_40, %get3A_46, %dot_general3A {dimension_numbers = #tpu.dot_dimension_numbers<[1], [0], [0], [1], [0, 0, 1, 1], [], []>, transpose_lhs_hint = false} : vector<2000x256xf32>, vector<256x256xf32>, vector<2000x256xf32> -> vector<2000x256xf32>
    %get3A_48 = arith.constant 0 : index
    %get3A_49 = arith.constant 0 : index
    %get3A_50 = vector.load %arg8[%get3A_48, %get3A_49] : memref<1x256xf32, #tpu.memory_space<vmem>>, vector<1x256xf32>
    %add3A_51 = vector.broadcast %get3A_50 : vector<1x256xf32> to vector<2000x256xf32>
    %add3A_52 = arith.addf %dot_general3A_47, %add3A_51 : vector<2000x256xf32>
    %max3A = arith.constant 0.000000e+00 : f32
    %max3A_53 = vector.broadcast %max3A : f32 to vector<2000x256xf32>
    %max3A_54 = arith.maximumf %add3A_52, %max3A_53 : vector<2000x256xf32>
    %get3A_55 = arith.constant 0 : index
    %get3A_56 = arith.constant 0 : index
    %get3A_57 = vector.load %arg9[%get3A_55, %get3A_56] : memref<256x128xf32, #tpu.memory_space<vmem>>, vector<256x128xf32>
    %dot_general3A_58 = arith.constant dense<0.000000e+00> : vector<2000x128xf32>
    %dot_general3A_59 = tpu.matmul %max3A_54, %get3A_57, %dot_general3A_58 {dimension_numbers = #tpu.dot_dimension_numbers<[1], [0], [0], [1], [0, 0, 1, 1], [], []>, transpose_lhs_hint = false} : vector<2000x256xf32>, vector<256x128xf32>, vector<2000x128xf32> -> vector<2000x128xf32>
    %get3A_60 = arith.constant 0 : index
    %get3A_61 = arith.constant 0 : index
    %get3A_62 = vector.load %arg10[%get3A_60, %get3A_61] : memref<1x128xf32, #tpu.memory_space<vmem>>, vector<1x128xf32>
    %add3A_63 = vector.broadcast %get3A_62 : vector<1x128xf32> to vector<2000x128xf32>
    %add3A_64 = arith.addf %dot_general3A_59, %add3A_63 : vector<2000x128xf32>
    %get3A_65 = arith.constant 0 : index
    %get3A_66 = arith.constant 0 : index
    %get3A_67 = vector.load %arg11[%get3A_65, %get3A_66] : memref<256x256xf32, #tpu.memory_space<vmem>>, vector<256x256xf32>
    %dot_general3A_68 = arith.constant dense<0.000000e+00> : vector<2000x256xf32>
    %dot_general3A_69 = tpu.matmul %sub3A_43, %get3A_67, %dot_general3A_68 {dimension_numbers = #tpu.dot_dimension_numbers<[1], [0], [0], [1], [0, 0, 1, 1], [], []>, transpose_lhs_hint = false} : vector<2000x256xf32>, vector<256x256xf32>, vector<2000x256xf32> -> vector<2000x256xf32>
    %get3A_70 = arith.constant 0 : index
    %get3A_71 = arith.constant 0 : index
    %get3A_72 = vector.load %arg12[%get3A_70, %get3A_71] : memref<1x256xf32, #tpu.memory_space<vmem>>, vector<1x256xf32>
    %add3A_73 = vector.broadcast %get3A_72 : vector<1x256xf32> to vector<2000x256xf32>
    %add3A_74 = arith.addf %dot_general3A_69, %add3A_73 : vector<2000x256xf32>
    %max3A_75 = arith.constant 0.000000e+00 : f32
    %max3A_76 = vector.broadcast %max3A_75 : f32 to vector<2000x256xf32>
    %max3A_77 = arith.maximumf %add3A_74, %max3A_76 : vector<2000x256xf32>
    %get3A_78 = arith.constant 0 : index
    %get3A_79 = arith.constant 0 : index
    %get3A_80 = vector.load %arg13[%get3A_78, %get3A_79] : memref<256x128xf32, #tpu.memory_space<vmem>>, vector<256x128xf32>
    %dot_general3A_81 = arith.constant dense<0.000000e+00> : vector<2000x128xf32>
    %dot_general3A_82 = tpu.matmul %max3A_77, %get3A_80, %dot_general3A_81 {dimension_numbers = #tpu.dot_dimension_numbers<[1], [0], [0], [1], [0, 0, 1, 1], [], []>, transpose_lhs_hint = false} : vector<2000x256xf32>, vector<256x128xf32>, vector<2000x128xf32> -> vector<2000x128xf32>
    %get3A_83 = arith.constant 0 : index
    %get3A_84 = arith.constant 0 : index
    %get3A_85 = vector.load %arg14[%get3A_83, %get3A_84] : memref<1x128xf32, #tpu.memory_space<vmem>>, vector<1x128xf32>
    %add3A_86 = vector.broadcast %get3A_85 : vector<1x128xf32> to vector<2000x128xf32>
    %add3A_87 = arith.addf %dot_general3A_82, %add3A_86 : vector<2000x128xf32>
    %mul3A_88 = arith.mulf %add3A_64, %add3A_64 : vector<2000x128xf32>
    %reduce_sum3A = arith.constant dense<0.000000e+00> : vector<2000xf32>
    %reduce_sum3A_89 = vector.multi_reduction <add>, %mul3A_88, %reduce_sum3A [1] : vector<2000x128xf32> to vector<2000xf32>
    %broadcast_in_dim3A = vector.shape_cast %reduce_sum3A_89 : vector<2000xf32> to vector<2000x1xf32>
    %sqrt3A = math.sqrt %broadcast_in_dim3A : vector<2000x1xf32>
    %max3A_90 = arith.constant 9.99999996E-13 : f32
    %max3A_91 = vector.broadcast %max3A_90 : f32 to vector<2000x1xf32>
    %max3A_92 = arith.maximumf %sqrt3A, %max3A_91 : vector<2000x1xf32>
    %mul3A_93 = arith.mulf %add3A_87, %add3A_87 : vector<2000x128xf32>
    %reduce_sum3A_94 = arith.constant dense<0.000000e+00> : vector<2000xf32>
    %reduce_sum3A_95 = vector.multi_reduction <add>, %mul3A_93, %reduce_sum3A_94 [1] : vector<2000x128xf32> to vector<2000xf32>
    %broadcast_in_dim3A_96 = vector.shape_cast %reduce_sum3A_95 : vector<2000xf32> to vector<2000x1xf32>
    %sqrt3A_97 = math.sqrt %broadcast_in_dim3A_96 : vector<2000x1xf32>
    %max3A_98 = arith.constant 9.99999996E-13 : f32
    %max3A_99 = vector.broadcast %max3A_98 : f32 to vector<2000x1xf32>
    %max3A_100 = arith.maximumf %sqrt3A_97, %max3A_99 : vector<2000x1xf32>
    %div3A = vector.broadcast %max3A_92 : vector<2000x1xf32> to vector<2000x128xf32>
    %div3A_101 = arith.divf %add3A_64, %div3A : vector<2000x128xf32>
    %div3A_102 = vector.broadcast %max3A_100 : vector<2000x1xf32> to vector<2000x128xf32>
    %div3A_103 = arith.divf %add3A_87, %div3A_102 : vector<2000x128xf32>
    %convert_element_type3A = arith.truncf %div3A_101 : vector<2000x128xf32> to vector<2000x128xbf16>
    %swap3A_104 = arith.constant 0 : index
    %swap3A_105 = arith.constant 0 : index
    %swap3A_106 = vector.load %arg16[%swap3A_104, %swap3A_105] : memref<2000x128xbf16, #tpu.memory_space<vmem>>, vector<2000x128xbf16>
    tpu.vector_store %arg16[%swap3A_104, %swap3A_105], %convert_element_type3A {strides = array<i32>} : memref<2000x128xbf16, #tpu.memory_space<vmem>>, vector<2000x128xbf16>,
    %convert_element_type3A_107 = arith.truncf %div3A_103 : vector<2000x128xf32> to vector<2000x128xbf16>
    %swap3A_108 = arith.constant 0 : index
    %swap3A_109 = arith.constant 0 : index
    %swap3A_110 = vector.load %arg17[%swap3A_108, %swap3A_109] : memref<2000x128xbf16, #tpu.memory_space<vmem>>, vector<2000x128xbf16>
    tpu.vector_store %arg17[%swap3A_108, %swap3A_109], %convert_element_type3A_107 {strides = array<i32>} : memref<2000x128xbf16, #tpu.memory_space<vmem>>, vector<2000x128xbf16>,
    %eq3A = arith.constant 0 : i32
    %eq3A_111 = arith.cmpi eq, %arg0, %eq3A : i32
    %convert_element_type3A_112 = arith.extui %eq3A_111 : i1 to i32
    %cond3A = arith.constant 0 : i32
    %cond3A_113 = arith.cmpi ne, %convert_element_type3A_112, %cond3A : i32
    scf.if %cond3A_113 {
      %swap3A_127 = arith.constant 0.000000e+00 : f32
      %swap3A_128 = arith.constant 0 : index
      %swap3A_129 = arith.constant 0 : index
      %swap3A_130 = memref.load %arg18[%swap3A_128, %swap3A_129] : memref<1x1xf32, #tpu.memory_space<smem>>
      memref.store %swap3A_127, %arg18[%swap3A_128, %swap3A_129] : memref<1x1xf32, #tpu.memory_space<smem>>
    } else {
    }
    %get3A_114 = arith.constant 0 : index
    %get3A_115 = arith.constant 0 : index
    %get3A_116 = memref.load %arg18[%get3A_114, %get3A_115] : memref<1x1xf32, #tpu.memory_space<smem>>
    %mul3A_117 = arith.mulf %div3A_101, %div3A_103 : vector<2000x128xf32>
    %reduce_sum3A_118 = vector.shape_cast %mul3A_117 : vector<2000x128xf32> to vector<1x2000x128xf32>
    %reduce_sum3A_119 = arith.constant dense<0.000000e+00> : vector<1xf32>
    %reduce_sum3A_120 = vector.multi_reduction <add>, %reduce_sum3A_118, %reduce_sum3A_119 [1, 2] : vector<1x2000x128xf32> to vector<1xf32>
    %reduce_sum3A_121 = vector.shape_cast %reduce_sum3A_120 : vector<1xf32> to vector<1x1x1xf32>
    %reduce_sum3A_122 = vector.extract %reduce_sum3A_121[0, 0, 0] : f32 from vector<1x1x1xf32>
    %add3A_123 = arith.addf %get3A_116, %reduce_sum3A_122 : f32
    %swap3A_124 = arith.constant 0 : index
    %swap3A_125 = arith.constant 0 : index
    %swap3A_126 = memref.load %arg18[%swap3A_124, %swap3A_125] : memref<1x1xf32, #tpu.memory_space<smem>>
    memref.store %add3A_123, %arg18[%swap3A_124, %swap3A_125] : memref<1x1xf32, #tpu.memory_space<smem>>
    return
  }
  func.func @transform_0(%arg0: i32) -> (i32, i32) {
    %c0_i32 = arith.constant 0 : i32
    %c0_i32_0 = arith.constant 0 : i32
    return %arg0, %c0_i32 : i32, i32
  }
  func.func @transform_1(%arg0: i32) -> (i32, i32, i32) {
    %c0_i32 = arith.constant 0 : i32
    %c0_i32_0 = arith.constant 0 : i32
    %c0_i32_1 = arith.constant 0 : i32
    return %c0_i32, %arg0, %c0_i32_0 : i32, i32, i32
  }
  func.func @transform_2(%arg0: i32) -> (i32, i32) {
    %c0_i32 = arith.constant 0 : i32
    %c0_i32_0 = arith.constant 0 : i32
    return %arg0, %c0_i32 : i32, i32
  }
  func.func @transform_3(%arg0: i32) -> (i32, i32) {
    %c0_i32 = arith.constant 0 : i32
    %c0_i32_0 = arith.constant 0 : i32
    return %arg0, %c0_i32 : i32, i32
  }
  func.func @transform_4(%arg0: i32) -> (i32, i32) {
    %c0_i32 = arith.constant 0 : i32
    %c0_i32_0 = arith.constant 0 : i32
    %c0_i32_1 = arith.constant 0 : i32
    return %c0_i32, %c0_i32_0 : i32, i32
  }
  func.func @transform_5(%arg0: i32) -> (i32, i32) {
    %c0_i32 = arith.constant 0 : i32
    %c0_i32_0 = arith.constant 0 : i32
    %c0_i32_1 = arith.constant 0 : i32
    return %c0_i32, %c0_i32_0 : i32, i32
  }
  func.func @transform_6(%arg0: i32) -> (i32, i32) {
    %c0_i32 = arith.constant 0 : i32
    %c0_i32_0 = arith.constant 0 : i32
    %c0_i32_1 = arith.constant 0 : i32
    return %c0_i32, %c0_i32_0 : i32, i32
  }
  func.func @transform_7(%arg0: i32) -> (i32, i32) {
    %c0_i32 = arith.constant 0 : i32
    %c0_i32_0 = arith.constant 0 : i32
    %c0_i32_1 = arith.constant 0 : i32
    return %c0_i32, %c0_i32_0 : i32, i32
  }
  func.func @transform_8(%arg0: i32) -> (i32, i32) {
    %c0_i32 = arith.constant 0 : i32
    %c0_i32_0 = arith.constant 0 : i32
    %c0_i32_1 = arith.constant 0 : i32
    return %c0_i32, %c0_i32_0 : i32, i32
  }
  func.func @transform_9(%arg0: i32) -> (i32, i32) {
    %c0_i32 = arith.constant 0 : i32
    %c0_i32_0 = arith.constant 0 : i32
    %c0_i32_1 = arith.constant 0 : i32
    return %c0_i32, %c0_i32_0 : i32, i32
  }
  func.func @transform_10(%arg0: i32) -> (i32, i32) {
    %c0_i32 = arith.constant 0 : i32
    %c0_i32_0 = arith.constant 0 : i32
    %c0_i32_1 = arith.constant 0 : i32
    return %c0_i32, %c0_i32_0 : i32, i32
  }
  func.func @transform_11(%arg0: i32) -> (i32, i32) {
    %c0_i32 = arith.constant 0 : i32
    %c0_i32_0 = arith.constant 0 : i32
    %c0_i32_1 = arith.constant 0 : i32
    return %c0_i32, %c0_i32_0 : i32, i32
  }
  func.func @transform_12(%arg0: i32) -> (i32, i32) {
    %c0_i32 = arith.constant 0 : i32
    %c0_i32_0 = arith.constant 0 : i32
    %c0_i32_1 = arith.constant 0 : i32
    return %c0_i32, %c0_i32_0 : i32, i32
  }
  func.func @transform_13(%arg0: i32) -> (i32, i32) {
    %c0_i32 = arith.constant 0 : i32
    %c0_i32_0 = arith.constant 0 : i32
    %c0_i32_1 = arith.constant 0 : i32
    return %c0_i32, %c0_i32_0 : i32, i32
  }
  func.func @transform_14(%arg0: i32) -> (i32, i32) {
    %c0_i32 = arith.constant 0 : i32
    %c0_i32_0 = arith.constant 0 : i32
    return %arg0, %c0_i32 : i32, i32
  }
  func.func @transform_15(%arg0: i32) -> (i32, i32) {
    %c0_i32 = arith.constant 0 : i32
    %c0_i32_0 = arith.constant 0 : i32
    return %arg0, %c0_i32 : i32, i32
  }
  func.func @transform_16(%arg0: i32) -> (i32, i32) {
    %c0_i32 = arith.constant 0 : i32
    %c0_i32_0 = arith.constant 0 : i32
    return %arg0, %c0_i32 : i32, i32
  }
  func.func @transform_17(%arg0: i32) -> (i32, i32) {
    %c0_i32 = arith.constant 0 : i32
    %c0_i32_0 = arith.constant 0 : i32
    %c0_i32_1 = arith.constant 0 : i32
    return %c0_i32, %c0_i32_0 : i32, i32
  }
}

module attributes {stable_mosaic.version = 14 : i64} {
  func.func @_loss_body(%arg0: i32, %arg1: memref<400x128xbf16, #tpu.memory_space<vmem>>, %arg2: memref<10000x128xbf16, #tpu.memory_space<vmem>>, %arg3: memref<1x1xf32, #tpu.memory_space<smem>>, %arg4: memref<1x1xf32, #tpu.memory_space<smem>>, %arg5: memref<1x10000xf32, #tpu.memory_space<vmem>>, %arg6: memref<1xf32, #tpu.memory_space<smem>>) attributes {dimension_semantics = [#tpu.dimension_semantics<arbitrary>], iteration_bounds = array<i64: 25>, scalar_prefetch = 0 : i64, scratch_operands = 2 : i64, tpu.core_type = #tpu.core_type<tc>, window_params = [{transform_indices = @transform_0, window_bounds = array<i64: 400, 128>}, {pipeline_mode = #tpu.pipeline_mode<synchronous>, transform_indices = @transform_1, window_bounds = array<i64: 10000, 128>}, {transform_indices = @transform_2, window_bounds = array<i64: 1, 1>}, {transform_indices = @transform_3, window_bounds = array<i64: 1, 1>}]} {
    %get3A = arith.constant 0 : index
    %get3A_0 = arith.constant 0 : index
    %get3A_1 = vector.load %arg1[%get3A, %get3A_0] : memref<400x128xbf16, #tpu.memory_space<vmem>>, vector<400x128xbf16>
    %get3A_2 = arith.constant 0 : index
    %get3A_3 = arith.constant 0 : index
    %get3A_4 = vector.load %arg2[%get3A_2, %get3A_3] : memref<10000x128xbf16, #tpu.memory_space<vmem>>, vector<10000x128xbf16>
    %dot_general3A = arith.constant dense<0.000000e+00> : vector<400x10000xf32>
    %dot_general3A_5 = tpu.matmul %get3A_1, %get3A_4, %dot_general3A {dimension_numbers = #tpu.dot_dimension_numbers<[1], [1], [0], [0], [0, 0, 1, 0], [], []>, transpose_lhs_hint = false} : vector<400x128xbf16>, vector<10000x128xbf16>, vector<400x10000xf32> -> vector<400x10000xf32>
    %mul3A = arith.constant 1.000000e+01 : f32
    %mul3A_6 = vector.broadcast %mul3A : f32 to vector<400x10000xf32>
    %mul3A_7 = arith.mulf %dot_general3A_5, %mul3A_6 : vector<400x10000xf32>
    %exp3A = math.exp %mul3A_7 : vector<400x10000xf32>
    %eq3A = arith.constant 0 : i32
    %eq3A_8 = arith.cmpi eq, %arg0, %eq3A : i32
    %convert_element_type3A = arith.extui %eq3A_8 : i1 to i32
    %cond3A = arith.constant 0 : i32
    %cond3A_9 = arith.cmpi ne, %convert_element_type3A, %cond3A : i32
    scf.if %cond3A_9 {
      %broadcast_in_dim3A_33 = arith.constant 0.000000e+00 : f32
      %broadcast_in_dim3A_34 = vector.broadcast %broadcast_in_dim3A_33 : f32 to vector<1x10000xf32>
      %swap3A_35 = arith.constant 0 : index
      %swap3A_36 = arith.constant 0 : index
      %swap3A_37 = vector.load %arg5[%swap3A_35, %swap3A_36] : memref<1x10000xf32, #tpu.memory_space<vmem>>, vector<1x10000xf32>
      tpu.vector_store %arg5[%swap3A_35, %swap3A_36], %broadcast_in_dim3A_34 {strides = array<i32>} : memref<1x10000xf32, #tpu.memory_space<vmem>>, vector<1x10000xf32>,
      %swap3A_38 = arith.constant 0.000000e+00 : f32
      %swap3A_39 = arith.constant 0 : index
      %swap3A_40 = memref.load %arg6[%swap3A_39] : memref<1xf32, #tpu.memory_space<smem>>
      memref.store %swap3A_38, %arg6[%swap3A_39] : memref<1xf32, #tpu.memory_space<smem>>
    } else {
    }
    %get3A_10 = arith.constant 0 : index
    %get3A_11 = arith.constant 0 : index
    %get3A_12 = vector.load %arg5[%get3A_10, %get3A_11] : memref<1x10000xf32, #tpu.memory_space<vmem>>, vector<1x10000xf32>
    %reduce_sum3A = arith.constant dense<0.000000e+00> : vector<10000xf32>
    %reduce_sum3A_13 = vector.multi_reduction <add>, %exp3A, %reduce_sum3A [0] : vector<400x10000xf32> to vector<10000xf32>
    %broadcast_in_dim3A = vector.shape_cast %reduce_sum3A_13 : vector<10000xf32> to vector<1x10000xf32>
    %add3A = arith.addf %get3A_12, %broadcast_in_dim3A : vector<1x10000xf32>
    %swap3A = arith.constant 0 : index
    %swap3A_14 = arith.constant 0 : index
    %swap3A_15 = vector.load %arg5[%swap3A, %swap3A_14] : memref<1x10000xf32, #tpu.memory_space<vmem>>, vector<1x10000xf32>
    tpu.vector_store %arg5[%swap3A, %swap3A_14], %add3A {strides = array<i32>} : memref<1x10000xf32, #tpu.memory_space<vmem>>, vector<1x10000xf32>,
    %reduce_sum3A_16 = arith.constant dense<0.000000e+00> : vector<400xf32>
    %reduce_sum3A_17 = vector.multi_reduction <add>, %exp3A, %reduce_sum3A_16 [1] : vector<400x10000xf32> to vector<400xf32>
    %get3A_18 = arith.constant 0 : index
    %get3A_19 = memref.load %arg6[%get3A_18] : memref<1xf32, #tpu.memory_space<smem>>
    %log3A = math.log %reduce_sum3A_17 : vector<400xf32>
    %reduce_sum3A_20 = vector.shape_cast %log3A : vector<400xf32> to vector<1x400xf32>
    %reduce_sum3A_21 = arith.constant dense<0.000000e+00> : vector<1xf32>
    %reduce_sum3A_22 = vector.multi_reduction <add>, %reduce_sum3A_20, %reduce_sum3A_21 [1] : vector<1x400xf32> to vector<1xf32>
    %reduce_sum3A_23 = vector.shape_cast %reduce_sum3A_22 : vector<1xf32> to vector<1x1xf32>
    %reduce_sum3A_24 = vector.extract %reduce_sum3A_23[0, 0] : f32 from vector<1x1xf32>
    %add3A_25 = arith.addf %get3A_19, %reduce_sum3A_24 : f32
    %swap3A_26 = arith.constant 0 : index
    %swap3A_27 = memref.load %arg6[%swap3A_26] : memref<1xf32, #tpu.memory_space<smem>>
    memref.store %add3A_25, %arg6[%swap3A_26] : memref<1xf32, #tpu.memory_space<smem>>
    %eq3A_28 = arith.constant 24 : i32
    %eq3A_29 = arith.cmpi eq, %arg0, %eq3A_28 : i32
    %convert_element_type3A_30 = arith.extui %eq3A_29 : i1 to i32
    %cond3A_31 = arith.constant 0 : i32
    %cond3A_32 = arith.cmpi ne, %convert_element_type3A_30, %cond3A_31 : i32
    scf.if %cond3A_32 {
      %get3A_33 = arith.constant 0 : index
      %get3A_34 = arith.constant 0 : index
      %get3A_35 = vector.load %arg5[%get3A_33, %get3A_34] : memref<1x10000xf32, #tpu.memory_space<vmem>>, vector<1x10000xf32>
      %log3A_36 = math.log %get3A_35 : vector<1x10000xf32>
      %reduce_sum3A_37 = vector.shape_cast %log3A_36 : vector<1x10000xf32> to vector<1x1x10000xf32>
      %reduce_sum3A_38 = arith.constant dense<0.000000e+00> : vector<1xf32>
      %reduce_sum3A_39 = vector.multi_reduction <add>, %reduce_sum3A_37, %reduce_sum3A_38 [1, 2] : vector<1x1x10000xf32> to vector<1xf32>
      %reduce_sum3A_40 = vector.shape_cast %reduce_sum3A_39 : vector<1xf32> to vector<1x1x1xf32>
      %reduce_sum3A_41 = vector.extract %reduce_sum3A_40[0, 0, 0] : f32 from vector<1x1x1xf32>
      %get3A_42 = arith.constant 0 : index
      %get3A_43 = memref.load %arg6[%get3A_42] : memref<1xf32, #tpu.memory_space<smem>>
      %add3A_44 = arith.addf %get3A_43, %reduce_sum3A_41 : f32
      %mul3A_45 = arith.constant 5.000000e-01 : f32
      %mul3A_46 = arith.mulf %mul3A_45, %add3A_44 : f32
      %div3A = arith.constant 1.000000e+04 : f32
      %div3A_47 = arith.divf %mul3A_46, %div3A : f32
      %get3A_48 = arith.constant 0 : index
      %get3A_49 = arith.constant 0 : index
      %get3A_50 = memref.load %arg3[%get3A_48, %get3A_49] : memref<1x1xf32, #tpu.memory_space<smem>>
      %mul3A_51 = arith.constant 1.000000e+01 : f32
      %mul3A_52 = arith.mulf %get3A_50, %mul3A_51 : f32
      %div3A_53 = arith.constant 1.000000e+04 : f32
      %div3A_54 = arith.divf %mul3A_52, %div3A_53 : f32
      %sub3A = arith.subf %div3A_47, %div3A_54 : f32
      %swap3A_55 = arith.constant 0 : index
      %swap3A_56 = arith.constant 0 : index
      %swap3A_57 = memref.load %arg4[%swap3A_55, %swap3A_56] : memref<1x1xf32, #tpu.memory_space<smem>>
      memref.store %sub3A, %arg4[%swap3A_55, %swap3A_56] : memref<1x1xf32, #tpu.memory_space<smem>>
    } else {
    }
    return
  }
  func.func @transform_0(%arg0: i32) -> (i32, i32) {
    %c0_i32 = arith.constant 0 : i32
    %c0_i32_0 = arith.constant 0 : i32
    return %arg0, %c0_i32 : i32, i32
  }
  func.func @transform_1(%arg0: i32) -> (i32, i32) {
    %c0_i32 = arith.constant 0 : i32
    %c0_i32_0 = arith.constant 0 : i32
    %c0_i32_1 = arith.constant 0 : i32
    return %c0_i32, %c0_i32_0 : i32, i32
  }
  func.func @transform_2(%arg0: i32) -> (i32, i32) {
    %c0_i32 = arith.constant 0 : i32
    %c0_i32_0 = arith.constant 0 : i32
    %c0_i32_1 = arith.constant 0 : i32
    return %c0_i32, %c0_i32_0 : i32, i32
  }
  func.func @transform_3(%arg0: i32) -> (i32, i32) {
    %c0_i32 = arith.constant 0 : i32
    %c0_i32_0 = arith.constant 0 : i32
    %c0_i32_1 = arith.constant 0 : i32
    return %c0_i32, %c0_i32_0 : i32, i32
  }
}

</mosaic_0001>

<sc_bundles>
// kernel: kernel.12.cloned.1.call-start
scs
__scs_entry_jumppad:
0x0: {  	(pc) =	sbr.rel $0x88, $3  }
0x1: {  	(tag) =	ssettag $0x0;
	lr =	simm.s32 $0x1  }
0x2: {  	[smem:$0x3F93] =	sst lr;
	_ =	strace $0xD0000000  }
0x3: {  	_ = 	snop  }
0x4: {  	_ = 	snop  }
0x5: {  	_ = 	snop  }
0x6: {  	_ = 	snop  }
0x7: {  	_ = 	snop  }
__scs_overlays_trampoline_lowered:
0x8: {  	[smem:$0x3FA2] =	sst s0  }
0x9: {  	[smem:$0x3FA3] =	sst s1  }
0xa: {  	[smem:$0x3FA4] =	sst s2  }
0xb: {  	[smem:$0x3FA5] =	sst s3  }
0xc: {  	[smem:$0x3FA6] =	sst s4  }
0xd: {  	[smem:$0x3FA7] =	sst s5  }
0xe: {  	[smem:$0x3FA8] =	sst s6  }
0xf: {  	[smem:$0x3FA9] =	sst s7  }
0x10: {  	[smem:$0x3FAA] =	sst s8  }
0x11: {  	[smem:$0x3FAB] =	sst s9;
	s0 =	simm.s32 @!p0 $0x0  }
0x12: {  	s1 =	sld [smem:$0x3F91];
	s0 =	simm.s32 @p0 $0x1  }
0x13: {  	[smem:$0x3FAC] =	sst s0;
	s0 =	simm.s32 @!p1 $0x0  }
0x14: {  	s2 =	sld [smem:$0x3F90];
	s0 =	simm.s32 @p1 $0x1  }
0x15: {  	[smem:$0x3FAD] =	sst s0;
	s0 =	simm.s32 @!p2 $0x0  }
0x16: {  	s3 =	sld [smem:$0x3FDB];
	s0 =	simm.s32 @p2 $0x1  }
0x17: {  	s4 =	simm.s32 $0x1BF5;
	[smem:$0x3FAF] =	sst s0  }
0x18: {  	s0 =	sld [smem:$0x3F92];
	_ =	swait.ge [sflag:s4], $0x0  }
0x19: {  	s7 =	sld [smem:$0x3F93]  }
0x1a: {  	s8 =	sadd.s32 $0xFFFFE003, lr  }
0x1b: {  	s9 =	sadd.s32 $0xFFFFFEF7, lr;
	s5 =	simm.s32 $0xFFFFFFFF;
	p2 =	slt.u32 s8, $0xFFFFF086  }
0x1c: {  	p1 =	slt.u32 s9, $0xF7A;
	s5 =	simm.s32 @!p2 $0x0  }
0x1d: {  	s5 =	simm.s32 @p1 $0x1;
	p0 =	seq.s32 s7, s2  }
0x1e: {  	s7 =	smul.u32 @!p0 $0xF7A, s2;
	p2 =	seq.s32 @!p0 s5, $0x0  }
0x1f: {  	s9 =	smul.u32 $0xF7A, s1;
	s8 =	simm.s32 @!p0 $0x1BF5;
	p2 =	por !p2, p0  }
0x20: {  	[sflag:s8] =	ssyncset.s32 @!p0 $0xFFFFF086;
	s6 =	sadd.s32 @!p0 s3, s7;
	s7 =	simm.s32 @!p0 $0x108  }
0x21: {  	s3 =	sadd.s32 s3, s9;
	s6 =	sadd.s32 @!p0 $0x88, s6;
	s7 =	simm.s32 @p2 $0x1082  }
0x22: {  	[simem:s7], [sflag:s8] =	dma.local @!p0 [hbm:s6], $0xF7A  }
0x23: {  	s9 =	sor.u32 $0xD0000000, s2;
	s6 =	simm.s32 $0x108;
	_ =	swait.ge @!p0 [sflag:s8], $0x0  }
0x24: {  	s3 =	sadd.s32 $0x88, s3;
	s6 =	simm.s32 @!p1 $0x1082;
	[sflag:s4] =	ssyncset.s32 $0xFFFFF086  }
0x25: {  	[simem:s6], [sflag:s4] =	dma.local [hbm:s3], $0xF7A  }
0x26: {  	[smem:$0x3F93] =	sst s1;
	(tag) =	ssettag s2;
	_ =	strace s9  }
0x27: {  	s1 =	sld [smem:$0x3FA3]  }
0x28: {  	s2 =	sld [smem:$0x3FA4]  }
0x29: {  	s4 =	sld [smem:$0x3FA6]  }
0x2a: {  	p0 =	seq.s32 s5, $0x0;
	s5 =	sld [smem:$0x3FA7]  }
0x2b: {  	s6 =	sld [smem:$0x3FA8]  }
0x2c: {  	s7 =	sld [smem:$0x3FA9]  }
0x2d: {  	s3 =	simm.s32 $0x108;
	s8 =	sld [smem:$0x3FAA]  }
0x2e: {  	s3 =	simm.s32 @!p0 $0x1082;
	s9 =	sld [smem:$0x3FAB]  }
0x2f: {  	lr =	sadd.s32 s0, s3;
	s0 =	sld [smem:$0x3FA2]  }
0x30: {  	s3 =	sld [smem:$0x3FA5]  }
0x31: {  	[smem:$0x3FAE] =	sst s10  }
0x32: {  	s10 =	sld [smem:$0x3FAC];
	_ =	sdelay $0x3  }
0x33: {  	p0 =	seq.s32 s10, $0x1;
	s10 =	sld [smem:$0x3FAE];
	_ =	sdelay $0x3  }
0x34: {  	[smem:$0x3FAE] =	sst s10  }
0x35: {  	s10 =	sld [smem:$0x3FAD];
	_ =	sdelay $0x3  }
0x36: {  	p1 =	seq.s32 s10, $0x1;
	s10 =	sld [smem:$0x3FAE];
	_ =	sdelay $0x3  }
0x37: {  	[smem:$0x3FAE] =	sst s10  }
0x38: {  	s10 =	sld [smem:$0x3FAF]  }
0x39: {  	_ = 	snop;
	(pc) =	sbr.ind lr, $3  }
0x3a: {  	_ = 	snop  }
0x3b: {  	_ = 	snop  }
0x3c: {  	p2 =	seq.s32 s10, $0x1;
	s10 =	sld [smem:$0x3FAE]  }
0x3d: {  	_ =	shalt  }
0x3e: {  	_ =	shalt  }
0x3f: {  	_ =	shalt  }
0x40: {  	_ =	shalt  }
0x41: {  	_ =	shalt  }
0x42: {  	_ =	shalt  }
0x43: {  	_ =	shalt  }
0x44: {  	_ =	shalt  }
0x45: {  	_ =	shalt  }
0x46: {  	_ =	shalt  }
0x47: {  	_ =	shalt  }
0x48: {  	_ =	shalt  }
0x49: {  	_ =	shalt  }
0x4a: {  	_ =	shalt  }
0x4b: {  	_ =	shalt  }
0x4c: {  	_ =	shalt  }
0x4d: {  	_ =	shalt  }
0x4e: {  	_ =	shalt  }
0x4f: {  	_ =	shalt  }
0x50: {  	_ =	shalt  }
0x51: {  	_ =	shalt  }
0x52: {  	_ =	shalt  }
0x53: {  	_ =	shalt  }
0x54: {  	_ =	shalt  }
0x55: {  	_ =	shalt  }
0x56: {  	_ =	shalt  }
0x57: {  	_ =	shalt  }
0x58: {  	_ =	shalt  }
0x59: {  	_ =	shalt  }
0x5a: {  	_ =	shalt  }
0x5b: {  	_ =	shalt  }
0x5c: {  	_ =	shalt  }
0x5d: {  	_ =	shalt  }
0x5e: {  	_ =	shalt  }
0x5f: {  	_ =	shalt  }
0x60: {  	_ =	shalt  }
0x61: {  	_ =	shalt  }
0x62: {  	_ =	shalt  }
0x63: {  	_ =	shalt  }
0x64: {  	_ =	shalt  }
0x65: {  	_ =	shalt  }
0x66: {  	_ =	shalt  }
0x67: {  	_ =	shalt  }
0x68: {  	_ =	shalt  }
0x69: {  	_ =	shalt  }
0x6a: {  	_ =	shalt  }
0x6b: {  	_ =	shalt  }
0x6c: {  	_ =	shalt  }
0x6d: {  	_ =	shalt  }
0x6e: {  	_ =	shalt  }
0x6f: {  	_ =	shalt  }
0x70: {  	_ =	shalt  }
0x71: {  	_ =	shalt  }
0x72: {  	_ =	shalt  }
0x73: {  	_ =	shalt  }
0x74: {  	_ =	shalt  }
0x75: {  	_ =	shalt  }
0x76: {  	_ =	shalt  }
0x77: {  	_ =	shalt  }
0x78: {  	_ =	shalt  }
0x79: {  	_ =	shalt  }
0x7a: {  	_ =	shalt  }
0x7b: {  	_ =	shalt  }
0x7c: {  	_ =	shalt  }
0x7d: {  	_ =	shalt  }
0x7e: {  	_ =	shalt  }
0x7f: {  	_ =	shalt  }
0x80: {  	_ =	shalt  }
0x81: {  	_ =	shalt  }
0x82: {  	_ =	shalt  }
0x83: {  	_ =	shalt  }
0x84: {  	_ =	shalt  }
0x85: {  	_ =	shalt  }
0x86: {  	_ =	shalt  }
0x87: {  	_ =	shalt  }
.Lfunc_end0:
.L_simem_size_0:
called_computation.1_lowered:
.L_overlay_start_0:
0x88: {  	s2 =	sld [smem:$0x3FD9]  }
0x89: {  	s3 =	sld [smem:$0x3FFE];
	_ =	sdelay $0x1  }
0x8a: {  	s1 =	srdreg.scid  }
0x8b: {  	s0 =	sand.u32 $0x1, s1  }
0x8c: {  	s16 =	sshll.u32 s0, $0xA;
	s2 =	sadd.s32 s3, s2  }
0x8d: {  	s2 =	sadd.s32 s2, s16  }
0x8e: {  	[smem:$0x3FBA] =	sst s2  }
0x8f: {  	_ = 	snop  }
0x90: {  	(tm) =	ssettm $0x1  }
0x91: {  	s17 =	sld [smem:$0x3FFB];
	_ =	sdelay $0x3  }
0x92: {  	_ =	strace s17  }
0x93: {  	s2 =	sld [smem:$0x3FFC];
	_ =	sdelay $0x3  }
0x94: {  	_ =	strace s2  }
0x95: {  	s2 =	sld [smem:$0x3FFD];
	_ =	sdelay $0x3  }
0x96: {  	_ =	strace s2  }
0x97: {  	_ =	strace $0x8FFFFFFF  }
0x98: {  	s18 =	sld [smem:$0x3FDB];
	_ =	sdelay $0x1  }
0x99: {  	s19 =	simm.s32 $_scs_section_size  }
0x9a: {  	s4 =	simm.s32 $_size__tile_overlayer_lowered;
	s5 =	simm.s32 $_tile_overlayer_lowered  }
0x9b: {  	s22 =	simm.s32 $0x1BFF;
	s21 =	sshll.u32 s5, $0x1;
	s2 =	sadd.s32 s19, s18  }
0x9c: {  	s6 =	simm.s32 $0x0;
	s20 =	sshll.u32 s4, $0x1;
	s4 =	sadd.s32 s21, s2  }
0x9d: {  	[timem:s6], [sflag:s22] =	dma.local [hbm:s4], s20  }
0x9e: {  	_ =	swait.ge [sflag:s22], s20  }
0x9f: {  	s3 =	ssub.s32 $0x0, s20;
	[sflag:s22] =	ssyncset.done $0x0  }
0xa0: {  	[sflag:s22] =	ssyncadd.s32 s3;
	_ =	sdelay $0x1  }
0xa1: {  	s23 =	simm.s32 $0x1B8B  }
0xa2: {  	_ =	swait.ge [sflag:s23], $0x1  }
0xa3: {  	[sflag:s23] =	ssyncset.done $0x0  }
0xa4: {  	s25 =	simm.s32 $0x1B8E;
	s24 =	sld [smem:$0x3FFE];
	[sflag:s23] =	ssyncadd.s32 $0xFFFFFFFF  }
0xa5: {  	s26 =	simm.s32 $execute0_lowered;
	[smem:$0x3FD2] =	sst s25  }
0xa6: {  	s4 =	sshll.u32 s26, $0x1;
	_ =	strace $0x80000049;
	[dreg:$0x1] =	wrdreg $0xFFFFFFFF  }
0xa7: {  	s28 =	simm.s32 $_size_execute0_lowered;
	s2 =	sadd.s32 s2, s4;
	[dreg:$0x0] =	wrdreg $0x0  }
0xa8: {  	s4 =	sshll.u32 s28, $0x1;
	[dreg:$0x2] =	wrdreg s2  }
0xa9: {  	[dreg:$0x3] =	wrdreg s4  }
0xaa: {  	[dreg:$0x4] =	wrdreg $0xC0  }
0xab: {  	_ =	task [dreg:s6], $0x5FFFF  }
0xac: {  	[dreg:$0x1] =	wrdreg $0xFFFFFFFF  }
0xad: {  	[dreg:$0x0] =	wrdreg $0x60  }
0xae: {  	[dreg:$0x2] =	wrdreg s24  }
0xaf: {  	[dreg:$0x3] =	wrdreg $0xA8000  }
0xb0: {  	[dreg:$0x4] =	wrdreg $0x9  }
0xb1: {  	_ =	task.clear_ibuf [dreg:s6], $0x5FFFF;
	_ =	strace $0x90000049  }
0xb2: {  	s29 =	simm.s32 $0x9;
	_ =	strace $0x8000004B  }
0xb3: {  	_ =	swait.ge [sflag:s29], $0x1  }
0xb4: {  	[sflag:s29] =	ssyncadd.s32 $0xFFFFFFFF  }
0xb5: {  	_ =	strace $0x9000004B  }
0xb6: {  	_ =	sfence  }
0xb7: {  	s30 =	sld [smem:$0x0];
	_ =	sdelay $0x2  }
0xb8: {  	s31 =	sshll.u32 s1, $0xD;
	s1 =	sshrl.u32 s1, $0x2  }
0xb9: {  	s3 =	sand.u32 $0x4000, s31;
	s1 =	sadd.s32 s1, s30  }
0xba: {  	s0 =	sor.u32 s3, s0;
	s1 =	sshll.u32 s1, $0x11  }
0xbb: {  	s0 =	sor.u32 s1, s0  }
0xbc: {  	s0 =	sadd.s32 $0x8F2B, s0  }
0xbd: {  	[sflag:s0] =	ssyncadd.remote.s32 $0x1  }
0xbe: {  	_ =	sfence.sel $0xFFFF  }
0xbf: {  	[dreg:$0x0] =	wrdreg $0xFFFFFFFF;
	(pc) =	sbr.abs _section_cstart, $3  }
0xc0: {  	[dreg:$0x1] =	wrdreg $0xFFFFFFFF  }
0xc1: {  	_ =	task.clear_ibuf [dreg:s6], $0x2FFFF;
	_ =	strace $0x9FFFFFFF  }
0xc2: {  	(tm) =	ssettm $0x7FFFFFFF  }
0xc3: {  	_ =	shalt  }
tec
execute0_lowered:
.L_overlay_start_1:
0x0: {  	(tag) =	ssettag $0x1  }
0x1: {  	s6 =	rddreg [dreg:$0x0]  }
0x2: {  	s2 =	rddreg [dreg:$0x1]  }
0x3: {  	s0 =	rddreg [dreg:$0x2];
	s1 =	stileid.u32  }
0x4: {  	s4 =	srdreg.scid;
	s3 =	simm.s32 $0x0;
	s13 =	simm.s32 $0x80  }
0x5: {  	s14 =	simm.s32 $0x2800;
	s15 =	simm.s32 $0x6800;
	s16 =	simm.s32 $0x1  }
0x6: {  	s17 =	simm.s32 $0x2;
	s18 =	simm.s32 $0x2700;
	s5 =	smul.u32 $0x500, s1  }
0x7: {  	s19 =	sand.u32 $0x1, s4;
	[smem:$0x7FF] =	sst s3;
	s8 =	smul.u32 $0x4F000, s1  }
0x8: {  	s4 =	sadd.s32 $0x5F000, s6;
	s31 =	sshll.u32 s1, $0x6;
	s21 =	smul.u32 $0x2780, s1  }
0x9: {  	s7 =	smul.u32 $0x27800, s19;
	_ =	strace $0x8000004A;
	s10 =	ssub.s32 $0x2, s19  }
0xa: {  	v0 =	vmov s19;
	s19 =	simm.s32 $0x2780;
	s9 =	sadd.s32 s5, s6;
	s5 =	sadd.s32 $0xE400, s6  }
0xb: {  	s29 =	sshrl.u32 s10, $0x1;
	s30 =	sshrl.u32 s8, $0x2;
	s11 =	sadd.s32 s7, s6  }
0xc: {  	s10 =	ssub.s32 s10, s29;
	s12 =	sadd.s32 s30, s2;
	s6 =	sor.u32 $0x1C03, s31  }
0xd: {  	s7 =	sadd.s32 $0x3C00, s9;
	s8 =	sadd.s32 $0x8C00, s9;
	s20 =	sadd.s32 $0xAD400, s11  }
0xe: {  	s9 =	smax.u32 s10, $0x1;
	s10 =	sshrl.u32 s12, $0x3;
	s11 =	simm.s32 $0x3  }
0xf: {  	s12 =	simm.s32 $0x1400;
	s20 =	sadd.s32 s21, s20;
	s21 =	simm.s32 $0x0  }
.LBB2_1:
0x10: {  	[spmem:s10], [sflag:s6] =	dma.local [hbm:s5], $0x2780  }
0x11: {  	_ =	swait.ge [sflag:s11], $0x2780  }
0x12: {  	[sflag:s11] =	ssyncset.done $0x0  }
0x13: {  	[sflag:s11] =	ssyncadd.s32 $0xFFFFD880  }
0x14: {  	[tilespmem:s3], [sflag:$0x3] =	stream.linear.gather [hbm4b:s7+s3], $0x1400, $0x38;
	[tilespmem:$0x1E400] =	vst v63  }
0x15: {  	_ =	swait.ge [sflag:s11], $0x1400  }
0x16: {  	[sflag:s11] =	ssyncset.done $0x0  }
0x17: {  	[sflag:s11] =	ssyncadd.s32 $0xFFFFEC00  }
0x18: {  	[tilespmem:s12], [sflag:$0x3] =	stream.linear.gather [hbm4b:s8+s3], $0x1400, $0x38;
	[tilespmem:$0x1E400] =	vst v63  }
0x19: {  	_ =	swait.ge [sflag:s11], $0x1400  }
0x1a: {  	[sflag:s11] =	ssyncset.done $0x0  }
0x1b: {  	s22 =	simm.s32 $0x0;
	[sflag:s11] =	ssyncadd.s32 $0xFFFFEC00  }
0x1c: {  	v2 =	vld [tilespmem:s22+$0x0]  }
0x1d: {  	v3 =	vld [tilespmem:s22+$0x10]  }
0x1e: {  	v5 =	vld [tilespmem:s22+$0x20]  }
0x1f: {  	v4 =	vld [tilespmem:s22+$0x30]  }
0x20: {  	v1 =	vld [tilespmem:s22+$0x40]  }
0x21: {  	v6 =	vshll.u32 v2, $0x1;
	v2 =	vld [tilespmem:s22+$0x50]  }
0x22: {  	s23 =	simm.s32 $0x200;
	v7 =	vshll.u32 v3, $0x1;
	v3 =	vld [tilespmem:s22+$0x60];
	v6 =	vor.u32 v0, v6  }
.LBB2_2:
0x23: {  	s24 =	sshra.s32 s23, $0x2;
	p0 =	sne.s32 s23, $0x4E00;
	[tilespmem:s22+$0x0] =	vst v6;
	v6 =	vor.u32 v0, v7;
	v5 =	vshll.u32 v5, $0x1;
	v7 =	vld [tilespmem:s22+$0x70]  }
0x24: {  	v8 =	vld [tilespmem:s24+$0x0];
	[tilespmem:s22+$0x10] =	vst v6;
	v5 =	vor.u32 v0, v5;
	v4 =	vshll.u32 v4, $0x1  }
0x25: {  	v9 =	vld [tilespmem:s24+$0x10];
	[tilespmem:s22+$0x20] =	vst v5;
	v4 =	vor.u32 v0, v4;
	v1 =	vshll.u32 v1, $0x1  }
.Ltmp0:
0x26: {  	v5 =	vld [tilespmem:s24+$0x20];
	[tilespmem:s22+$0x30] =	vst v4;
	v1 =	vor.u32 v0, v1;
	v2 =	vshll.u32 v2, $0x1;
	(pc) =	sbr.rel @p0 .LBB2_2-.Ltmp0, $4  }
0x27: {  	v4 =	vld [tilespmem:s24+$0x30];
	[tilespmem:s22+$0x40] =	vst v1;
	v2 =	vor.u32 v0, v2;
	v3 =	vshll.u32 v3, $0x1  }
0x28: {  	v1 =	vld [tilespmem:s24+$0x40];
	[tilespmem:s22+$0x50] =	vst v2;
	v3 =	vor.u32 v0, v3;
	v6 =	vshll.u32 v7, $0x1  }
0x29: {  	v7 =	vshll.u32 v8, $0x1;
	v2 =	vld [tilespmem:s24+$0x50];
	[tilespmem:s22+$0x60] =	vst v3;
	v8 =	vor.u32 v0, v6  }
0x2a: {  	s23 =	sadd.s32 $0x200, s23;
	v6 =	vor.u32 v0, v7;
	v7 =	vshll.u32 v9, $0x1;
	v3 =	vld [tilespmem:s24+$0x60];
	[tilespmem:s22+$0x70] =	vst v8;
	s22 =	smov.u32 s24  }
0x2b: {  	[tilespmem:s22+$0x0] =	vst v6;
	v62 =	vor.u32 v0, v7;
	v5 =	vshll.u32 v5, $0x1;
	v63 =	vld [tilespmem:s22+$0x70]  }
0x2c: {  	[tilespmem:s22+$0x10] =	vst v62;
	v5 =	vor.u32 v0, v5;
	v4 =	vshll.u32 v4, $0x1  }
0x2d: {  	[tilespmem:s22+$0x20] =	vst v5;
	v4 =	vor.u32 v0, v4;
	v1 =	vshll.u32 v1, $0x1  }
0x2e: {  	[tilespmem:s22+$0x30] =	vst v4;
	v1 =	vor.u32 v0, v1;
	v2 =	vshll.u32 v2, $0x1  }
0x2f: {  	[tilespmem:s22+$0x40] =	vst v1;
	v1 =	vor.u32 v0, v2;
	v2 =	vshll.u32 v3, $0x1  }
0x30: {  	[tilespmem:s22+$0x50] =	vst v1;
	v1 =	vor.u32 v0, v2;
	v2 =	vshll.u32 v63, $0x1  }
0x31: {  	[tilespmem:s22+$0x60] =	vst v1;
	v1 =	vor.u32 v0, v2  }
0x32: {  	s28 =	simm.s32 $0x0;
	[tilespmem:s22+$0x70] =	vst v1  }
0x33: {  	[tilespmem:s14], [sflag:$0x1] =	stream.indirect.gather [hbm4b:s4+s13], $0x80, s28, s13, $0xb8;
	[tilespmem:$0x1E400] =	vst v63  }
0x34: {  	_ = 	snop  }
0x35: {  	[tilespmem:s15], [sflag:$0x2] =	stream.indirect.gather [hbm4b:s4+s13], $0x80, s13, s13, $0xb8;
	[tilespmem:$0x1E400] =	vst v63  }
0x36: {  	[bflag:$0x0] =	sbarrier.arrive $0xFFFF  }
0x37: {  	_ =	swait.ge [sflag:s16], $0x4000  }
0x38: {  	[sflag:s16] =	ssyncset.done $0x0  }
0x39: {  	s29 =	simm.s32 $0x1400;
	[sflag:s16] =	ssyncadd.s32 $0xFFFFC000  }
0x3a: {  	[spmem:s2] =	stream.indirect.scatter.add.f32 [tilespmem:s14], [sflag:$0x3], $0x80, s29, s13, $0xb8;
	[tilespmem:$0x1E400] =	vst v63  }
0x3b: {  	_ =	swait.ge [sflag:s11], $0x4000  }
0x3c: {  	[sflag:s11] =	ssyncset.done $0x0  }
0x3d: {  	s30 =	simm.s32 $0x100;
	[sflag:s11] =	ssyncadd.s32 $0xFFFFC000  }
0x3e: {  	[tilespmem:s14], [sflag:$0x1] =	stream.indirect.gather [hbm4b:s4+s13], $0x80, s30, s13, $0xb8;
	[tilespmem:$0x1E400] =	vst v63  }
0x3f: {  	_ =	swait.ge [sflag:s17], $0x4000  }
0x40: {  	[sflag:s17] =	ssyncset.done $0x0  }
0x41: {  	s31 =	simm.s32 $0x1480;
	[sflag:s17] =	ssyncadd.s32 $0xFFFFC000  }
0x42: {  	[spmem:s2] =	stream.indirect.scatter.add.f32 [tilespmem:s15], [sflag:$0x3], $0x80, s31, s13, $0xb8;
	[tilespmem:$0x1E400] =	vst v63  }
0x43: {  	_ =	swait.ge [sflag:s11], $0x4000  }
0x44: {  	[sflag:s11] =	ssyncset.done $0x0  }
0x45: {  	s23 =	simm.s32 $0x180;
	s22 =	simm.s32 $0x400;
	[sflag:s11] =	ssyncadd.s32 $0xFFFFC000  }
.LBB2_4:
0x46: {  	[tilespmem:s15], [sflag:$0x2] =	stream.indirect.gather [hbm4b:s4+s13], $0x80, s23, s13, $0xb8;
	[tilespmem:$0x1E400] =	vst v63  }
0x47: {  	s23 =	smov.u32 s22  }
0x48: {  	p0 =	sne.s32 s22, $0x4800;
	s22 =	sadd.s32 $0x400, s22;
	_ =	swait.ge [sflag:s16], $0x4000  }
0x49: {  	s23 =	sshra.s32 s23, $0x2;
	[sflag:s16] =	ssyncset.done $0x0  }
0x4a: {  	s24 =	sadd.s32 $0x1400, s23;
	[sflag:s16] =	ssyncadd.s32 $0xFFFFC000  }
0x4b: {  	[spmem:s2] =	stream.indirect.scatter.add.f32 [tilespmem:s14], [sflag:$0x3], $0x80, s24, s13, $0xb8;
	[tilespmem:$0x1E400] =	vst v63  }
0x4c: {  	_ =	swait.ge [sflag:s11], $0x4000  }
0x4d: {  	[sflag:s11] =	ssyncset.done $0x0  }
0x4e: {  	s24 =	sadd.s32 $0x100, s23;
	[sflag:s11] =	ssyncadd.s32 $0xFFFFC000  }
0x4f: {  	[tilespmem:s14], [sflag:$0x1] =	stream.indirect.gather [hbm4b:s4+s13], $0x80, s24, s13, $0xb8;
	[tilespmem:$0x1E400] =	vst v63  }
0x50: {  	_ =	swait.ge [sflag:s17], $0x4000  }
0x51: {  	[sflag:s17] =	ssyncset.done $0x0  }
.Ltmp1:
0x52: {  	s24 =	sadd.s32 $0x1480, s23;
	[sflag:s17] =	ssyncadd.s32 $0xFFFFC000;
	(pc) =	sbr.rel @p0 .LBB2_4-.Ltmp1, $4  }
0x53: {  	[spmem:s2] =	stream.indirect.scatter.add.f32 [tilespmem:s15], [sflag:$0x3], $0x80, s24, s13, $0xb8;
	[tilespmem:$0x1E400] =	vst v63  }
0x54: {  	_ =	swait.ge [sflag:s11], $0x4000  }
0x55: {  	[sflag:s11] =	ssyncset.done $0x0  }
0x56: {  	s23 =	sadd.s32 $0x180, s23;
	[sflag:s11] =	ssyncadd.s32 $0xFFFFC000  }
0x57: {  	[tilespmem:s15], [sflag:$0x2] =	stream.indirect.gather [hbm4b:s4+s13], $0x80, s23, s13, $0xb8;
	[tilespmem:$0x1E400] =	vst v63  }
0x58: {  	_ =	swait.ge [sflag:s16], $0x4000  }
0x59: {  	[sflag:s16] =	ssyncset.done $0x0  }
0x5a: {  	[sflag:s16] =	ssyncadd.s32 $0xFFFFC000  }
0x5b: {  	[spmem:s2] =	stream.indirect.scatter.add.f32 [tilespmem:s14], [sflag:$0x3], $0x80, s18, s13, $0xb8;
	[tilespmem:$0x1E400] =	vst v63  }
0x5c: {  	_ =	swait.ge [sflag:s11], $0x4000  }
0x5d: {  	[sflag:s11] =	ssyncset.done $0x0  }
0x5e: {  	[sflag:s11] =	ssyncadd.s32 $0xFFFFC000  }
0x5f: {  	_ =	swait.ge [sflag:s17], $0x4000  }
0x60: {  	[sflag:s17] =	ssyncset.done $0x0  }
0x61: {  	[sflag:s17] =	ssyncadd.s32 $0xFFFFC000  }
0x62: {  	[spmem:s2] =	stream.indirect.scatter.add.f32 [tilespmem:s15], [sflag:$0x3], $0x80, s19, s13, $0xb8;
	[tilespmem:$0x1E400] =	vst v63  }
0x63: {  	_ =	swait.ge [sflag:s11], $0x4000  }
0x64: {  	[sflag:s11] =	ssyncset.done $0x0  }
0x65: {  	s22 =	sadd.s32 $0x280, s7;
	s30 =	simm.s32 $0x0;
	[sflag:s11] =	ssyncadd.s32 $0xFFFFC000  }
0x66: {  	[tilespmem:s30], [sflag:$0x3] =	stream.linear.gather [hbm4b:s22+s30], $0x1400, $0x38;
	[tilespmem:$0x1E400] =	vst v63  }
0x67: {  	_ =	swait.ge [sflag:s11], $0x1400  }
0x68: {  	[sflag:s11] =	ssyncset.done $0x0  }
0x69: {  	s31 =	sadd.s32 $0x280, s8;
	[sflag:s11] =	ssyncadd.s32 $0xFFFFEC00  }
0x6a: {  	[tilespmem:s12], [sflag:$0x3] =	stream.linear.gather [hbm4b:s31+s30], $0x1400, $0x38;
	[tilespmem:$0x1E400] =	vst v63  }
0x6b: {  	_ =	swait.ge [sflag:s11], $0x1400  }
0x6c: {  	[sflag:s11] =	ssyncset.done $0x0  }
0x6d: {  	s22 =	simm.s32 $0x0;
	[sflag:s11] =	ssyncadd.s32 $0xFFFFEC00  }
0x6e: {  	v2 =	vld [tilespmem:s22+$0x0]  }
0x6f: {  	v3 =	vld [tilespmem:s22+$0x10]  }
0x70: {  	v5 =	vld [tilespmem:s22+$0x20]  }
0x71: {  	v4 =	vld [tilespmem:s22+$0x30]  }
0x72: {  	v1 =	vld [tilespmem:s22+$0x40]  }
0x73: {  	v6 =	vshll.u32 v2, $0x1;
	v2 =	vld [tilespmem:s22+$0x50]  }
0x74: {  	s23 =	simm.s32 $0x200;
	v7 =	vshll.u32 v3, $0x1;
	v3 =	vld [tilespmem:s22+$0x60];
	v6 =	vor.u32 v0, v6  }
.LBB2_6:
0x75: {  	s24 =	sshra.s32 s23, $0x2;
	p0 =	sne.s32 s23, $0x4E00;
	[tilespmem:s22+$0x0] =	vst v6;
	v6 =	vor.u32 v0, v7;
	v5 =	vshll.u32 v5, $0x1;
	v7 =	vld [tilespmem:s22+$0x70]  }
0x76: {  	v8 =	vld [tilespmem:s24+$0x0];
	[tilespmem:s22+$0x10] =	vst v6;
	v5 =	vor.u32 v0, v5;
	v4 =	vshll.u32 v4, $0x1  }
0x77: {  	v9 =	vld [tilespmem:s24+$0x10];
	[tilespmem:s22+$0x20] =	vst v5;
	v4 =	vor.u32 v0, v4;
	v1 =	vshll.u32 v1, $0x1  }
.Ltmp2:
0x78: {  	v5 =	vld [tilespmem:s24+$0x20];
	[tilespmem:s22+$0x30] =	vst v4;
	v1 =	vor.u32 v0, v1;
	v2 =	vshll.u32 v2, $0x1;
	(pc) =	sbr.rel @p0 .LBB2_6-.Ltmp2, $4  }
0x79: {  	v4 =	vld [tilespmem:s24+$0x30];
	[tilespmem:s22+$0x40] =	vst v1;
	v2 =	vor.u32 v0, v2;
	v3 =	vshll.u32 v3, $0x1  }
0x7a: {  	v1 =	vld [tilespmem:s24+$0x40];
	[tilespmem:s22+$0x50] =	vst v2;
	v3 =	vor.u32 v0, v3;
	v6 =	vshll.u32 v7, $0x1  }
0x7b: {  	v7 =	vshll.u32 v8, $0x1;
	v2 =	vld [tilespmem:s24+$0x50];
	[tilespmem:s22+$0x60] =	vst v3;
	v8 =	vor.u32 v0, v6  }
0x7c: {  	s23 =	sadd.s32 $0x200, s23;
	v6 =	vor.u32 v0, v7;
	v7 =	vshll.u32 v9, $0x1;
	v3 =	vld [tilespmem:s24+$0x60];
	[tilespmem:s22+$0x70] =	vst v8;
	s22 =	smov.u32 s24  }
0x7d: {  	[tilespmem:s22+$0x0] =	vst v6;
	v62 =	vor.u32 v0, v7;
	v5 =	vshll.u32 v5, $0x1;
	v63 =	vld [tilespmem:s22+$0x70]  }
0x7e: {  	[tilespmem:s22+$0x10] =	vst v62;
	v5 =	vor.u32 v0, v5;
	v4 =	vshll.u32 v4, $0x1  }
0x7f: {  	[tilespmem:s22+$0x20] =	vst v5;
	v4 =	vor.u32 v0, v4;
	v1 =	vshll.u32 v1, $0x1  }
0x80: {  	[tilespmem:s22+$0x30] =	vst v4;
	v1 =	vor.u32 v0, v1;
	v2 =	vshll.u32 v2, $0x1  }
0x81: {  	[tilespmem:s22+$0x40] =	vst v1;
	v1 =	vor.u32 v0, v2;
	v2 =	vshll.u32 v3, $0x1  }
0x82: {  	[tilespmem:s22+$0x50] =	vst v1;
	v1 =	vor.u32 v0, v2;
	v2 =	vshll.u32 v63, $0x1  }
0x83: {  	[tilespmem:s22+$0x60] =	vst v1;
	v1 =	vor.u32 v0, v2  }
0x84: {  	s28 =	simm.s32 $0x0;
	[tilespmem:s22+$0x70] =	vst v1  }
0x85: {  	[tilespmem:s14], [sflag:$0x1] =	stream.indirect.gather [hbm4b:s4+s13], $0x80, s28, s13, $0xb8;
	[tilespmem:$0x1E400] =	vst v63  }
0x86: {  	_ = 	snop  }
0x87: {  	[tilespmem:s15], [sflag:$0x2] =	stream.indirect.gather [hbm4b:s4+s13], $0x80, s13, s13, $0xb8;
	[tilespmem:$0x1E400] =	vst v63  }
0x88: {  	_ =	swait.ge [sflag:s16], $0x4000  }
0x89: {  	[sflag:s16] =	ssyncset.done $0x0  }
0x8a: {  	s29 =	simm.s32 $0x1400;
	[sflag:s16] =	ssyncadd.s32 $0xFFFFC000  }
0x8b: {  	[spmem:s2] =	stream.indirect.scatter.add.f32 [tilespmem:s14], [sflag:$0x3], $0x80, s29, s13, $0xb8;
	[tilespmem:$0x1E400] =	vst v63  }
0x8c: {  	_ =	swait.ge [sflag:s11], $0x4000  }
0x8d: {  	[sflag:s11] =	ssyncset.done $0x0  }
0x8e: {  	s30 =	simm.s32 $0x100;
	[sflag:s11] =	ssyncadd.s32 $0xFFFFC000  }
0x8f: {  	[tilespmem:s14], [sflag:$0x1] =	stream.indirect.gather [hbm4b:s4+s13], $0x80, s30, s13, $0xb8;
	[tilespmem:$0x1E400] =	vst v63  }
0x90: {  	_ =	swait.ge [sflag:s17], $0x4000  }
0x91: {  	[sflag:s17] =	ssyncset.done $0x0  }
0x92: {  	s31 =	simm.s32 $0x1480;
	[sflag:s17] =	ssyncadd.s32 $0xFFFFC000  }
0x93: {  	[spmem:s2] =	stream.indirect.scatter.add.f32 [tilespmem:s15], [sflag:$0x3], $0x80, s31, s13, $0xb8;
	[tilespmem:$0x1E400] =	vst v63  }
0x94: {  	_ =	swait.ge [sflag:s11], $0x4000  }
0x95: {  	[sflag:s11] =	ssyncset.done $0x0  }
0x96: {  	s23 =	simm.s32 $0x180;
	s22 =	simm.s32 $0x400;
	[sflag:s11] =	ssyncadd.s32 $0xFFFFC000  }
.LBB2_8:
0x97: {  	[tilespmem:s15], [sflag:$0x2] =	stream.indirect.gather [hbm4b:s4+s13], $0x80, s23, s13, $0xb8;
	[tilespmem:$0x1E400] =	vst v63  }
0x98: {  	s23 =	smov.u32 s22  }
0x99: {  	p0 =	sne.s32 s22, $0x4800;
	s22 =	sadd.s32 $0x400, s22;
	_ =	swait.ge [sflag:s16], $0x4000  }
0x9a: {  	s23 =	sshra.s32 s23, $0x2;
	[sflag:s16] =	ssyncset.done $0x0  }
0x9b: {  	s24 =	sadd.s32 $0x1400, s23;
	[sflag:s16] =	ssyncadd.s32 $0xFFFFC000  }
0x9c: {  	[spmem:s2] =	stream.indirect.scatter.add.f32 [tilespmem:s14], [sflag:$0x3], $0x80, s24, s13, $0xb8;
	[tilespmem:$0x1E400] =	vst v63  }
0x9d: {  	_ =	swait.ge [sflag:s11], $0x4000  }
0x9e: {  	[sflag:s11] =	ssyncset.done $0x0  }
0x9f: {  	s24 =	sadd.s32 $0x100, s23;
	[sflag:s11] =	ssyncadd.s32 $0xFFFFC000  }
0xa0: {  	[tilespmem:s14], [sflag:$0x1] =	stream.indirect.gather [hbm4b:s4+s13], $0x80, s24, s13, $0xb8;
	[tilespmem:$0x1E400] =	vst v63  }
0xa1: {  	_ =	swait.ge [sflag:s17], $0x4000  }
0xa2: {  	[sflag:s17] =	ssyncset.done $0x0  }
.Ltmp3:
0xa3: {  	s24 =	sadd.s32 $0x1480, s23;
	[sflag:s17] =	ssyncadd.s32 $0xFFFFC000;
	(pc) =	sbr.rel @p0 .LBB2_8-.Ltmp3, $4  }
0xa4: {  	[spmem:s2] =	stream.indirect.scatter.add.f32 [tilespmem:s15], [sflag:$0x3], $0x80, s24, s13, $0xb8;
	[tilespmem:$0x1E400] =	vst v63  }
0xa5: {  	_ =	swait.ge [sflag:s11], $0x4000  }
0xa6: {  	[sflag:s11] =	ssyncset.done $0x0  }
0xa7: {  	s23 =	sadd.s32 $0x180, s23;
	[sflag:s11] =	ssyncadd.s32 $0xFFFFC000  }
0xa8: {  	[tilespmem:s15], [sflag:$0x2] =	stream.indirect.gather [hbm4b:s4+s13], $0x80, s23, s13, $0xb8;
	[tilespmem:$0x1E400] =	vst v63  }
0xa9: {  	_ =	swait.ge [sflag:s16], $0x4000  }
0xaa: {  	[sflag:s16] =	ssyncset.done $0x0  }
0xab: {  	[sflag:s16] =	ssyncadd.s32 $0xFFFFC000  }
0xac: {  	[spmem:s2] =	stream.indirect.scatter.add.f32 [tilespmem:s14], [sflag:$0x3], $0x80, s18, s13, $0xb8;
	[tilespmem:$0x1E400] =	vst v63  }
0xad: {  	_ =	swait.ge [sflag:s11], $0x4000  }
0xae: {  	[sflag:s11] =	ssyncset.done $0x0  }
0xaf: {  	[sflag:s11] =	ssyncadd.s32 $0xFFFFC000  }
0xb0: {  	_ =	swait.ge [sflag:s17], $0x4000  }
0xb1: {  	[sflag:s17] =	ssyncset.done $0x0  }
0xb2: {  	[sflag:s17] =	ssyncadd.s32 $0xFFFFC000  }
0xb3: {  	[spmem:s2] =	stream.indirect.scatter.add.f32 [tilespmem:s15], [sflag:$0x3], $0x80, s19, s13, $0xb8;
	[tilespmem:$0x1E400] =	vst v63  }
0xb4: {  	_ =	swait.ge [sflag:s11], $0x4000  }
0xb5: {  	s21 =	sadd.s32 $0x1, s21;
	[sflag:s11] =	ssyncset.done $0x0  }
0xb6: {  	p0 =	sne.s32 s21, s9;
	[sflag:s11] =	ssyncadd.s32 $0xFFFFC000  }
.Ltmp4:
0xb7: {  	[bflag:$0x0] =	sbarrier.arrive $0xFFFF;
	(pc) =	sbr.rel @p0 .LBB2_1-.Ltmp4, $4  }
0xb8: {  	[hbm:s20], [sflag:s6] =	dma.local [spmem:s10], $0x2780  }
0xb9: {  	_ =	swait.ge [sflag:s11], $0x2780  }
0xba: {  	[sflag:s11] =	ssyncset.done $0x0  }
0xbb: {  	[sflag:s11] =	ssyncadd.s32 $0xFFFFD880  }
0xbc: {  	_ =	sfence.sel $0x180000  }
0xbd: {  	[bflag:$0x0] =	sbarrier.arrive $0xFFFF  }
0xbe: {  	p0 =	sne.s32 s1, $0x0;
	_ =	strace $0x9000004A  }
0xbf: {  	s0 =	sadd.s32 @!p0 $0x100000, s0;
	[bflag:$0x2] =	sbarrier.arrive $0xFFFF  }
0xc0: {  	[sflag:s0] =	ssyncadd.tile.s32 @!p0 $0x1;
	_ =	shalt  }
.Lfunc_end2:
_tile_overlayer_lowered:
.L_overlay_start_2:
0xc1: {  	(tag) =	ssettag $0x2  }
0xc2: {  	s0 =	rddreg [dreg:$0x0];
	s2 =	stileid.u32  }
0xc3: {  	s1 =	rddreg [dreg:$0x1];
	p0 =	sne.s32 s2, $0x0  }
0xc4: {  	s3 =	rddreg [dreg:$0x2];
	[bflag:$0x3] =	sbarrier.arrive $0xFFFF;
	s2 =	simm.s32 @!p0 $0x1C03  }
0xc5: {  	[timem:s3], [sflag:s2] =	dma.local @!p0 [hbm:s0], s1  }
0xc6: {  	s0 =	simm.s32 @!p0 $0x3  }
0xc7: {  	_ =	swait.ge @!p0 [sflag:s0], s1  }
0xc8: {  	s1 =	ssub.s32 @!p0 $0x0, s1;
	[sflag:s0] =	ssyncset.done @!p0 $0x0  }
0xc9: {  	[sflag:s0] =	ssyncadd.s32 @!p0 s1  }
0xca: {  	[bflag:$0x3] =	sbarrier.arrive $0xFFFF  }
0xcb: {  	_ =	shalt  }

// kernel: kernel.15.cloned.1.call-start
scs
__scs_entry_jumppad:
0x0: {  	(pc) =	sbr.rel $0x88, $3  }
0x1: {  	(tag) =	ssettag $0x0;
	lr =	simm.s32 $0x1  }
0x2: {  	[smem:$0x3F93] =	sst lr;
	_ =	strace $0xD0000000  }
0x3: {  	_ = 	snop  }
0x4: {  	_ = 	snop  }
0x5: {  	_ = 	snop  }
0x6: {  	_ = 	snop  }
0x7: {  	_ = 	snop  }
__scs_overlays_trampoline_lowered:
0x8: {  	[smem:$0x3FA2] =	sst s0  }
0x9: {  	[smem:$0x3FA3] =	sst s1  }
0xa: {  	[smem:$0x3FA4] =	sst s2  }
0xb: {  	[smem:$0x3FA5] =	sst s3  }
0xc: {  	[smem:$0x3FA6] =	sst s4  }
0xd: {  	[smem:$0x3FA7] =	sst s5  }
0xe: {  	[smem:$0x3FA8] =	sst s6  }
0xf: {  	[smem:$0x3FA9] =	sst s7  }
0x10: {  	[smem:$0x3FAA] =	sst s8  }
0x11: {  	[smem:$0x3FAB] =	sst s9;
	s0 =	simm.s32 @!p0 $0x0  }
0x12: {  	s1 =	sld [smem:$0x3F91];
	s0 =	simm.s32 @p0 $0x1  }
0x13: {  	[smem:$0x3FAC] =	sst s0;
	s0 =	simm.s32 @!p1 $0x0  }
0x14: {  	s2 =	sld [smem:$0x3F90];
	s0 =	simm.s32 @p1 $0x1  }
0x15: {  	[smem:$0x3FAD] =	sst s0;
	s0 =	simm.s32 @!p2 $0x0  }
0x16: {  	s3 =	sld [smem:$0x3FDB];
	s0 =	simm.s32 @p2 $0x1  }
0x17: {  	s4 =	simm.s32 $0x1BF5;
	[smem:$0x3FAF] =	sst s0  }
0x18: {  	s0 =	sld [smem:$0x3F92];
	_ =	swait.ge [sflag:s4], $0x0  }
0x19: {  	s7 =	sld [smem:$0x3F93]  }
0x1a: {  	s8 =	sadd.s32 $0xFFFFE003, lr  }
0x1b: {  	s9 =	sadd.s32 $0xFFFFFEF7, lr;
	s5 =	simm.s32 $0xFFFFFFFF;
	p2 =	slt.u32 s8, $0xFFFFF086  }
0x1c: {  	p1 =	slt.u32 s9, $0xF7A;
	s5 =	simm.s32 @!p2 $0x0  }
0x1d: {  	s5 =	simm.s32 @p1 $0x1;
	p0 =	seq.s32 s7, s2  }
0x1e: {  	s7 =	smul.u32 @!p0 $0xF7A, s2;
	p2 =	seq.s32 @!p0 s5, $0x0  }
0x1f: {  	s9 =	smul.u32 $0xF7A, s1;
	s8 =	simm.s32 @!p0 $0x1BF5;
	p2 =	por !p2, p0  }
0x20: {  	[sflag:s8] =	ssyncset.s32 @!p0 $0xFFFFF086;
	s6 =	sadd.s32 @!p0 s3, s7;
	s7 =	simm.s32 @!p0 $0x108  }
0x21: {  	s3 =	sadd.s32 s3, s9;
	s6 =	sadd.s32 @!p0 $0x88, s6;
	s7 =	simm.s32 @p2 $0x1082  }
0x22: {  	[simem:s7], [sflag:s8] =	dma.local @!p0 [hbm:s6], $0xF7A  }
0x23: {  	s9 =	sor.u32 $0xD0000000, s2;
	s6 =	simm.s32 $0x108;
	_ =	swait.ge @!p0 [sflag:s8], $0x0  }
0x24: {  	s3 =	sadd.s32 $0x88, s3;
	s6 =	simm.s32 @!p1 $0x1082;
	[sflag:s4] =	ssyncset.s32 $0xFFFFF086  }
0x25: {  	[simem:s6], [sflag:s4] =	dma.local [hbm:s3], $0xF7A  }
0x26: {  	[smem:$0x3F93] =	sst s1;
	(tag) =	ssettag s2;
	_ =	strace s9  }
0x27: {  	s1 =	sld [smem:$0x3FA3]  }
0x28: {  	s2 =	sld [smem:$0x3FA4]  }
0x29: {  	s4 =	sld [smem:$0x3FA6]  }
0x2a: {  	p0 =	seq.s32 s5, $0x0;
	s5 =	sld [smem:$0x3FA7]  }
0x2b: {  	s6 =	sld [smem:$0x3FA8]  }
0x2c: {  	s7 =	sld [smem:$0x3FA9]  }
0x2d: {  	s3 =	simm.s32 $0x108;
	s8 =	sld [smem:$0x3FAA]  }
0x2e: {  	s3 =	simm.s32 @!p0 $0x1082;
	s9 =	sld [smem:$0x3FAB]  }
0x2f: {  	lr =	sadd.s32 s0, s3;
	s0 =	sld [smem:$0x3FA2]  }
0x30: {  	s3 =	sld [smem:$0x3FA5]  }
0x31: {  	[smem:$0x3FAE] =	sst s10  }
0x32: {  	s10 =	sld [smem:$0x3FAC];
	_ =	sdelay $0x3  }
0x33: {  	p0 =	seq.s32 s10, $0x1;
	s10 =	sld [smem:$0x3FAE];
	_ =	sdelay $0x3  }
0x34: {  	[smem:$0x3FAE] =	sst s10  }
0x35: {  	s10 =	sld [smem:$0x3FAD];
	_ =	sdelay $0x3  }
0x36: {  	p1 =	seq.s32 s10, $0x1;
	s10 =	sld [smem:$0x3FAE];
	_ =	sdelay $0x3  }
0x37: {  	[smem:$0x3FAE] =	sst s10  }
0x38: {  	s10 =	sld [smem:$0x3FAF]  }
0x39: {  	_ = 	snop;
	(pc) =	sbr.ind lr, $3  }
0x3a: {  	_ = 	snop  }
0x3b: {  	_ = 	snop  }
0x3c: {  	p2 =	seq.s32 s10, $0x1;
	s10 =	sld [smem:$0x3FAE]  }
0x3d: {  	_ =	shalt  }
0x3e: {  	_ =	shalt  }
0x3f: {  	_ =	shalt  }
0x40: {  	_ =	shalt  }
0x41: {  	_ =	shalt  }
0x42: {  	_ =	shalt  }
0x43: {  	_ =	shalt  }
0x44: {  	_ =	shalt  }
0x45: {  	_ =	shalt  }
0x46: {  	_ =	shalt  }
0x47: {  	_ =	shalt  }
0x48: {  	_ =	shalt  }
0x49: {  	_ =	shalt  }
0x4a: {  	_ =	shalt  }
0x4b: {  	_ =	shalt  }
0x4c: {  	_ =	shalt  }
0x4d: {  	_ =	shalt  }
0x4e: {  	_ =	shalt  }
0x4f: {  	_ =	shalt  }
0x50: {  	_ =	shalt  }
0x51: {  	_ =	shalt  }
0x52: {  	_ =	shalt  }
0x53: {  	_ =	shalt  }
0x54: {  	_ =	shalt  }
0x55: {  	_ =	shalt  }
0x56: {  	_ =	shalt  }
0x57: {  	_ =	shalt  }
0x58: {  	_ =	shalt  }
0x59: {  	_ =	shalt  }
0x5a: {  	_ =	shalt  }
0x5b: {  	_ =	shalt  }
0x5c: {  	_ =	shalt  }
0x5d: {  	_ =	shalt  }
0x5e: {  	_ =	shalt  }
0x5f: {  	_ =	shalt  }
0x60: {  	_ =	shalt  }
0x61: {  	_ =	shalt  }
0x62: {  	_ =	shalt  }
0x63: {  	_ =	shalt  }
0x64: {  	_ =	shalt  }
0x65: {  	_ =	shalt  }
0x66: {  	_ =	shalt  }
0x67: {  	_ =	shalt  }
0x68: {  	_ =	shalt  }
0x69: {  	_ =	shalt  }
0x6a: {  	_ =	shalt  }
0x6b: {  	_ =	shalt  }
0x6c: {  	_ =	shalt  }
0x6d: {  	_ =	shalt  }
0x6e: {  	_ =	shalt  }
0x6f: {  	_ =	shalt  }
0x70: {  	_ =	shalt  }
0x71: {  	_ =	shalt  }
0x72: {  	_ =	shalt  }
0x73: {  	_ =	shalt  }
0x74: {  	_ =	shalt  }
0x75: {  	_ =	shalt  }
0x76: {  	_ =	shalt  }
0x77: {  	_ =	shalt  }
0x78: {  	_ =	shalt  }
0x79: {  	_ =	shalt  }
0x7a: {  	_ =	shalt  }
0x7b: {  	_ =	shalt  }
0x7c: {  	_ =	shalt  }
0x7d: {  	_ =	shalt  }
0x7e: {  	_ =	shalt  }
0x7f: {  	_ =	shalt  }
0x80: {  	_ =	shalt  }
0x81: {  	_ =	shalt  }
0x82: {  	_ =	shalt  }
0x83: {  	_ =	shalt  }
0x84: {  	_ =	shalt  }
0x85: {  	_ =	shalt  }
0x86: {  	_ =	shalt  }
0x87: {  	_ =	shalt  }
.Lfunc_end0:
.L_simem_size_0:
called_computation.2_lowered:
.L_overlay_start_0:
0x88: {  	s2 =	sld [smem:$0x3FD9]  }
0x89: {  	s3 =	sld [smem:$0x3FFE];
	_ =	sdelay $0x1  }
0x8a: {  	s1 =	srdreg.scid  }
0x8b: {  	s0 =	sand.u32 $0x1, s1  }
0x8c: {  	s16 =	sshll.u32 s0, $0xA;
	s2 =	sadd.s32 s3, s2  }
0x8d: {  	s2 =	sadd.s32 s2, s16  }
0x8e: {  	[smem:$0x3FBA] =	sst s2  }
0x8f: {  	_ = 	snop  }
0x90: {  	(tm) =	ssettm $0x1  }
0x91: {  	s17 =	sld [smem:$0x3FFB];
	_ =	sdelay $0x3  }
0x92: {  	_ =	strace s17  }
0x93: {  	s2 =	sld [smem:$0x3FFC];
	_ =	sdelay $0x3  }
0x94: {  	_ =	strace s2  }
0x95: {  	s2 =	sld [smem:$0x3FFD];
	_ =	sdelay $0x3  }
0x96: {  	_ =	strace s2  }
0x97: {  	_ =	strace $0x8FFFFFFF  }
0x98: {  	s18 =	sld [smem:$0x3FDB];
	_ =	sdelay $0x1  }
0x99: {  	s19 =	simm.s32 $_scs_section_size  }
0x9a: {  	s4 =	simm.s32 $_size__tile_overlayer_lowered;
	s5 =	simm.s32 $_tile_overlayer_lowered  }
0x9b: {  	s22 =	simm.s32 $0x1BFF;
	s21 =	sshll.u32 s5, $0x1;
	s2 =	sadd.s32 s19, s18  }
0x9c: {  	s6 =	simm.s32 $0x0;
	s20 =	sshll.u32 s4, $0x1;
	s4 =	sadd.s32 s21, s2  }
0x9d: {  	[timem:s6], [sflag:s22] =	dma.local [hbm:s4], s20  }
0x9e: {  	_ =	swait.ge [sflag:s22], s20  }
0x9f: {  	s3 =	ssub.s32 $0x0, s20;
	[sflag:s22] =	ssyncset.done $0x0  }
0xa0: {  	[sflag:s22] =	ssyncadd.s32 s3;
	_ =	sdelay $0x1  }
0xa1: {  	s23 =	simm.s32 $0x1B8B  }
0xa2: {  	_ =	swait.ge [sflag:s23], $0x1  }
0xa3: {  	[sflag:s23] =	ssyncset.done $0x0  }
0xa4: {  	s25 =	simm.s32 $0x1B8E;
	s24 =	sld [smem:$0x3FFE];
	[sflag:s23] =	ssyncadd.s32 $0xFFFFFFFF  }
0xa5: {  	s26 =	simm.s32 $execute0_lowered;
	[smem:$0x3FD2] =	sst s25  }
0xa6: {  	s4 =	sshll.u32 s26, $0x1;
	_ =	strace $0x8000004C;
	[dreg:$0x1] =	wrdreg $0xFFFFFFFF  }
0xa7: {  	s28 =	simm.s32 $_size_execute0_lowered;
	s2 =	sadd.s32 s2, s4;
	[dreg:$0x0] =	wrdreg $0x0  }
0xa8: {  	s4 =	sshll.u32 s28, $0x1;
	[dreg:$0x2] =	wrdreg s2  }
0xa9: {  	[dreg:$0x3] =	wrdreg s4  }
0xaa: {  	[dreg:$0x4] =	wrdreg $0xC0  }
0xab: {  	_ =	task [dreg:s6], $0x5FFFF  }
0xac: {  	[dreg:$0x1] =	wrdreg $0xFFFFFFFF  }
0xad: {  	[dreg:$0x0] =	wrdreg $0x60  }
0xae: {  	[dreg:$0x2] =	wrdreg s24  }
0xaf: {  	[dreg:$0x3] =	wrdreg $0xA8000  }
0xb0: {  	[dreg:$0x4] =	wrdreg $0x9  }
0xb1: {  	_ =	task.clear_ibuf [dreg:s6], $0x5FFFF;
	_ =	strace $0x9000004C  }
0xb2: {  	s29 =	simm.s32 $0x9;
	_ =	strace $0x8000004E  }
0xb3: {  	_ =	swait.ge [sflag:s29], $0x1  }
0xb4: {  	[sflag:s29] =	ssyncadd.s32 $0xFFFFFFFF  }
0xb5: {  	_ =	strace $0x9000004E  }
0xb6: {  	_ =	sfence  }
0xb7: {  	s30 =	sld [smem:$0x0];
	_ =	sdelay $0x2  }
0xb8: {  	s31 =	sshll.u32 s1, $0xD;
	s1 =	sshrl.u32 s1, $0x2  }
0xb9: {  	s3 =	sand.u32 $0x4000, s31;
	s1 =	sadd.s32 s1, s30  }
0xba: {  	s0 =	sor.u32 s3, s0;
	s1 =	sshll.u32 s1, $0x11  }
0xbb: {  	s0 =	sor.u32 s1, s0  }
0xbc: {  	s0 =	sadd.s32 $0x8F2B, s0  }
0xbd: {  	[sflag:s0] =	ssyncadd.remote.s32 $0x1  }
0xbe: {  	_ =	sfence.sel $0xFFFF  }
0xbf: {  	[dreg:$0x0] =	wrdreg $0xFFFFFFFF;
	(pc) =	sbr.abs _section_cstart, $3  }
0xc0: {  	[dreg:$0x1] =	wrdreg $0xFFFFFFFF  }
0xc1: {  	_ =	task.clear_ibuf [dreg:s6], $0x2FFFF;
	_ =	strace $0x9FFFFFFF  }
0xc2: {  	(tm) =	ssettm $0x7FFFFFFF  }
0xc3: {  	_ =	shalt  }
tec
execute0_lowered:
.L_overlay_start_1:
0x0: {  	(tag) =	ssettag $0x1  }
0x1: {  	s6 =	rddreg [dreg:$0x0]  }
0x2: {  	s2 =	rddreg [dreg:$0x1]  }
0x3: {  	s0 =	rddreg [dreg:$0x2];
	s1 =	stileid.u32  }
0x4: {  	s4 =	srdreg.scid;
	s3 =	simm.s32 $0x0;
	s13 =	simm.s32 $0x80  }
0x5: {  	s14 =	simm.s32 $0x2800;
	s15 =	simm.s32 $0x6800;
	s16 =	simm.s32 $0x1  }
0x6: {  	s17 =	simm.s32 $0x2;
	s18 =	simm.s32 $0x2700;
	s5 =	smul.u32 $0x500, s1  }
0x7: {  	s19 =	sand.u32 $0x1, s4;
	[smem:$0x7FF] =	sst s3;
	s8 =	smul.u32 $0x4F000, s1  }
0x8: {  	s4 =	sadd.s32 $0x5F000, s6;
	s31 =	sshll.u32 s1, $0x6;
	s21 =	smul.u32 $0x2780, s1  }
0x9: {  	s7 =	smul.u32 $0x27800, s19;
	_ =	strace $0x8000004D;
	s10 =	ssub.s32 $0x2, s19  }
0xa: {  	v0 =	vmov s19;
	s19 =	simm.s32 $0x2780;
	s9 =	sadd.s32 s5, s6;
	s5 =	sadd.s32 $0xE400, s6  }
0xb: {  	s29 =	sshrl.u32 s10, $0x1;
	s30 =	sshrl.u32 s8, $0x2;
	s11 =	sadd.s32 s7, s6  }
0xc: {  	s10 =	ssub.s32 s10, s29;
	s12 =	sadd.s32 s30, s2;
	s6 =	sor.u32 $0x1C03, s31  }
0xd: {  	s7 =	sadd.s32 $0x3C00, s9;
	s8 =	sadd.s32 $0x8C00, s9;
	s20 =	sadd.s32 $0xAD400, s11  }
0xe: {  	s9 =	smax.u32 s10, $0x1;
	s10 =	sshrl.u32 s12, $0x3;
	s11 =	simm.s32 $0x3  }
0xf: {  	s12 =	simm.s32 $0x1400;
	s20 =	sadd.s32 s21, s20;
	s21 =	simm.s32 $0x0  }
.LBB2_1:
0x10: {  	[spmem:s10], [sflag:s6] =	dma.local [hbm:s5], $0x2780  }
0x11: {  	_ =	swait.ge [sflag:s11], $0x2780  }
0x12: {  	[sflag:s11] =	ssyncset.done $0x0  }
0x13: {  	[sflag:s11] =	ssyncadd.s32 $0xFFFFD880  }
0x14: {  	[tilespmem:s3], [sflag:$0x3] =	stream.linear.gather [hbm4b:s7+s3], $0x1400, $0x38;
	[tilespmem:$0x1E400] =	vst v63  }
0x15: {  	_ =	swait.ge [sflag:s11], $0x1400  }
0x16: {  	[sflag:s11] =	ssyncset.done $0x0  }
0x17: {  	[sflag:s11] =	ssyncadd.s32 $0xFFFFEC00  }
0x18: {  	[tilespmem:s12], [sflag:$0x3] =	stream.linear.gather [hbm4b:s8+s3], $0x1400, $0x38;
	[tilespmem:$0x1E400] =	vst v63  }
0x19: {  	_ =	swait.ge [sflag:s11], $0x1400  }
0x1a: {  	[sflag:s11] =	ssyncset.done $0x0  }
0x1b: {  	s22 =	simm.s32 $0x0;
	[sflag:s11] =	ssyncadd.s32 $0xFFFFEC00  }
0x1c: {  	v2 =	vld [tilespmem:s22+$0x0]  }
0x1d: {  	v3 =	vld [tilespmem:s22+$0x10]  }
0x1e: {  	v5 =	vld [tilespmem:s22+$0x20]  }
0x1f: {  	v4 =	vld [tilespmem:s22+$0x30]  }
0x20: {  	v1 =	vld [tilespmem:s22+$0x40]  }
0x21: {  	v6 =	vshll.u32 v2, $0x1;
	v2 =	vld [tilespmem:s22+$0x50]  }
0x22: {  	s23 =	simm.s32 $0x200;
	v7 =	vshll.u32 v3, $0x1;
	v3 =	vld [tilespmem:s22+$0x60];
	v6 =	vor.u32 v0, v6  }
.LBB2_2:
0x23: {  	s24 =	sshra.s32 s23, $0x2;
	p0 =	sne.s32 s23, $0x4E00;
	[tilespmem:s22+$0x0] =	vst v6;
	v6 =	vor.u32 v0, v7;
	v5 =	vshll.u32 v5, $0x1;
	v7 =	vld [tilespmem:s22+$0x70]  }
0x24: {  	v8 =	vld [tilespmem:s24+$0x0];
	[tilespmem:s22+$0x10] =	vst v6;
	v5 =	vor.u32 v0, v5;
	v4 =	vshll.u32 v4, $0x1  }
0x25: {  	v9 =	vld [tilespmem:s24+$0x10];
	[tilespmem:s22+$0x20] =	vst v5;
	v4 =	vor.u32 v0, v4;
	v1 =	vshll.u32 v1, $0x1  }
.Ltmp0:
0x26: {  	v5 =	vld [tilespmem:s24+$0x20];
	[tilespmem:s22+$0x30] =	vst v4;
	v1 =	vor.u32 v0, v1;
	v2 =	vshll.u32 v2, $0x1;
	(pc) =	sbr.rel @p0 .LBB2_2-.Ltmp0, $4  }
0x27: {  	v4 =	vld [tilespmem:s24+$0x30];
	[tilespmem:s22+$0x40] =	vst v1;
	v2 =	vor.u32 v0, v2;
	v3 =	vshll.u32 v3, $0x1  }
0x28: {  	v1 =	vld [tilespmem:s24+$0x40];
	[tilespmem:s22+$0x50] =	vst v2;
	v3 =	vor.u32 v0, v3;
	v6 =	vshll.u32 v7, $0x1  }
0x29: {  	v7 =	vshll.u32 v8, $0x1;
	v2 =	vld [tilespmem:s24+$0x50];
	[tilespmem:s22+$0x60] =	vst v3;
	v8 =	vor.u32 v0, v6  }
0x2a: {  	s23 =	sadd.s32 $0x200, s23;
	v6 =	vor.u32 v0, v7;
	v7 =	vshll.u32 v9, $0x1;
	v3 =	vld [tilespmem:s24+$0x60];
	[tilespmem:s22+$0x70] =	vst v8;
	s22 =	smov.u32 s24  }
0x2b: {  	[tilespmem:s22+$0x0] =	vst v6;
	v62 =	vor.u32 v0, v7;
	v5 =	vshll.u32 v5, $0x1;
	v63 =	vld [tilespmem:s22+$0x70]  }
0x2c: {  	[tilespmem:s22+$0x10] =	vst v62;
	v5 =	vor.u32 v0, v5;
	v4 =	vshll.u32 v4, $0x1  }
0x2d: {  	[tilespmem:s22+$0x20] =	vst v5;
	v4 =	vor.u32 v0, v4;
	v1 =	vshll.u32 v1, $0x1  }
0x2e: {  	[tilespmem:s22+$0x30] =	vst v4;
	v1 =	vor.u32 v0, v1;
	v2 =	vshll.u32 v2, $0x1  }
0x2f: {  	[tilespmem:s22+$0x40] =	vst v1;
	v1 =	vor.u32 v0, v2;
	v2 =	vshll.u32 v3, $0x1  }
0x30: {  	[tilespmem:s22+$0x50] =	vst v1;
	v1 =	vor.u32 v0, v2;
	v2 =	vshll.u32 v63, $0x1  }
0x31: {  	[tilespmem:s22+$0x60] =	vst v1;
	v1 =	vor.u32 v0, v2  }
0x32: {  	s28 =	simm.s32 $0x0;
	[tilespmem:s22+$0x70] =	vst v1  }
0x33: {  	[tilespmem:s14], [sflag:$0x1] =	stream.indirect.gather [hbm4b:s4+s13], $0x80, s28, s13, $0xb8;
	[tilespmem:$0x1E400] =	vst v63  }
0x34: {  	_ = 	snop  }
0x35: {  	[tilespmem:s15], [sflag:$0x2] =	stream.indirect.gather [hbm4b:s4+s13], $0x80, s13, s13, $0xb8;
	[tilespmem:$0x1E400] =	vst v63  }
0x36: {  	[bflag:$0x0] =	sbarrier.arrive $0xFFFF  }
0x37: {  	_ =	swait.ge [sflag:s16], $0x4000  }
0x38: {  	[sflag:s16] =	ssyncset.done $0x0  }
0x39: {  	s29 =	simm.s32 $0x1400;
	[sflag:s16] =	ssyncadd.s32 $0xFFFFC000  }
0x3a: {  	[spmem:s2] =	stream.indirect.scatter.add.f32 [tilespmem:s14], [sflag:$0x3], $0x80, s29, s13, $0xb8;
	[tilespmem:$0x1E400] =	vst v63  }
0x3b: {  	_ =	swait.ge [sflag:s11], $0x4000  }
0x3c: {  	[sflag:s11] =	ssyncset.done $0x0  }
0x3d: {  	s30 =	simm.s32 $0x100;
	[sflag:s11] =	ssyncadd.s32 $0xFFFFC000  }
0x3e: {  	[tilespmem:s14], [sflag:$0x1] =	stream.indirect.gather [hbm4b:s4+s13], $0x80, s30, s13, $0xb8;
	[tilespmem:$0x1E400] =	vst v63  }
0x3f: {  	_ =	swait.ge [sflag:s17], $0x4000  }
0x40: {  	[sflag:s17] =	ssyncset.done $0x0  }
0x41: {  	s31 =	simm.s32 $0x1480;
	[sflag:s17] =	ssyncadd.s32 $0xFFFFC000  }
0x42: {  	[spmem:s2] =	stream.indirect.scatter.add.f32 [tilespmem:s15], [sflag:$0x3], $0x80, s31, s13, $0xb8;
	[tilespmem:$0x1E400] =	vst v63  }
0x43: {  	_ =	swait.ge [sflag:s11], $0x4000  }
0x44: {  	[sflag:s11] =	ssyncset.done $0x0  }
0x45: {  	s23 =	simm.s32 $0x180;
	s22 =	simm.s32 $0x400;
	[sflag:s11] =	ssyncadd.s32 $0xFFFFC000  }
.LBB2_4:
0x46: {  	[tilespmem:s15], [sflag:$0x2] =	stream.indirect.gather [hbm4b:s4+s13], $0x80, s23, s13, $0xb8;
	[tilespmem:$0x1E400] =	vst v63  }
0x47: {  	s23 =	smov.u32 s22  }
0x48: {  	p0 =	sne.s32 s22, $0x4800;
	s22 =	sadd.s32 $0x400, s22;
	_ =	swait.ge [sflag:s16], $0x4000  }
0x49: {  	s23 =	sshra.s32 s23, $0x2;
	[sflag:s16] =	ssyncset.done $0x0  }
0x4a: {  	s24 =	sadd.s32 $0x1400, s23;
	[sflag:s16] =	ssyncadd.s32 $0xFFFFC000  }
0x4b: {  	[spmem:s2] =	stream.indirect.scatter.add.f32 [tilespmem:s14], [sflag:$0x3], $0x80, s24, s13, $0xb8;
	[tilespmem:$0x1E400] =	vst v63  }
0x4c: {  	_ =	swait.ge [sflag:s11], $0x4000  }
0x4d: {  	[sflag:s11] =	ssyncset.done $0x0  }
0x4e: {  	s24 =	sadd.s32 $0x100, s23;
	[sflag:s11] =	ssyncadd.s32 $0xFFFFC000  }
0x4f: {  	[tilespmem:s14], [sflag:$0x1] =	stream.indirect.gather [hbm4b:s4+s13], $0x80, s24, s13, $0xb8;
	[tilespmem:$0x1E400] =	vst v63  }
0x50: {  	_ =	swait.ge [sflag:s17], $0x4000  }
0x51: {  	[sflag:s17] =	ssyncset.done $0x0  }
.Ltmp1:
0x52: {  	s24 =	sadd.s32 $0x1480, s23;
	[sflag:s17] =	ssyncadd.s32 $0xFFFFC000;
	(pc) =	sbr.rel @p0 .LBB2_4-.Ltmp1, $4  }
0x53: {  	[spmem:s2] =	stream.indirect.scatter.add.f32 [tilespmem:s15], [sflag:$0x3], $0x80, s24, s13, $0xb8;
	[tilespmem:$0x1E400] =	vst v63  }
0x54: {  	_ =	swait.ge [sflag:s11], $0x4000  }
0x55: {  	[sflag:s11] =	ssyncset.done $0x0  }
0x56: {  	s23 =	sadd.s32 $0x180, s23;
	[sflag:s11] =	ssyncadd.s32 $0xFFFFC000  }
0x57: {  	[tilespmem:s15], [sflag:$0x2] =	stream.indirect.gather [hbm4b:s4+s13], $0x80, s23, s13, $0xb8;
	[tilespmem:$0x1E400] =	vst v63  }
0x58: {  	_ =	swait.ge [sflag:s16], $0x4000  }
0x59: {  	[sflag:s16] =	ssyncset.done $0x0  }
0x5a: {  	[sflag:s16] =	ssyncadd.s32 $0xFFFFC000  }
0x5b: {  	[spmem:s2] =	stream.indirect.scatter.add.f32 [tilespmem:s14], [sflag:$0x3], $0x80, s18, s13, $0xb8;
	[tilespmem:$0x1E400] =	vst v63  }
0x5c: {  	_ =	swait.ge [sflag:s11], $0x4000  }
0x5d: {  	[sflag:s11] =	ssyncset.done $0x0  }
0x5e: {  	[sflag:s11] =	ssyncadd.s32 $0xFFFFC000  }
0x5f: {  	_ =	swait.ge [sflag:s17], $0x4000  }
0x60: {  	[sflag:s17] =	ssyncset.done $0x0  }
0x61: {  	[sflag:s17] =	ssyncadd.s32 $0xFFFFC000  }
0x62: {  	[spmem:s2] =	stream.indirect.scatter.add.f32 [tilespmem:s15], [sflag:$0x3], $0x80, s19, s13, $0xb8;
	[tilespmem:$0x1E400] =	vst v63  }
0x63: {  	_ =	swait.ge [sflag:s11], $0x4000  }
0x64: {  	[sflag:s11] =	ssyncset.done $0x0  }
0x65: {  	s22 =	sadd.s32 $0x280, s7;
	s30 =	simm.s32 $0x0;
	[sflag:s11] =	ssyncadd.s32 $0xFFFFC000  }
0x66: {  	[tilespmem:s30], [sflag:$0x3] =	stream.linear.gather [hbm4b:s22+s30], $0x1400, $0x38;
	[tilespmem:$0x1E400] =	vst v63  }
0x67: {  	_ =	swait.ge [sflag:s11], $0x1400  }
0x68: {  	[sflag:s11] =	ssyncset.done $0x0  }
0x69: {  	s31 =	sadd.s32 $0x280, s8;
	[sflag:s11] =	ssyncadd.s32 $0xFFFFEC00  }
0x6a: {  	[tilespmem:s12], [sflag:$0x3] =	stream.linear.gather [hbm4b:s31+s30], $0x1400, $0x38;
	[tilespmem:$0x1E400] =	vst v63  }
0x6b: {  	_ =	swait.ge [sflag:s11], $0x1400  }
0x6c: {  	[sflag:s11] =	ssyncset.done $0x0  }
0x6d: {  	s22 =	simm.s32 $0x0;
	[sflag:s11] =	ssyncadd.s32 $0xFFFFEC00  }
0x6e: {  	v2 =	vld [tilespmem:s22+$0x0]  }
0x6f: {  	v3 =	vld [tilespmem:s22+$0x10]  }
0x70: {  	v5 =	vld [tilespmem:s22+$0x20]  }
0x71: {  	v4 =	vld [tilespmem:s22+$0x30]  }
0x72: {  	v1 =	vld [tilespmem:s22+$0x40]  }
0x73: {  	v6 =	vshll.u32 v2, $0x1;
	v2 =	vld [tilespmem:s22+$0x50]  }
0x74: {  	s23 =	simm.s32 $0x200;
	v7 =	vshll.u32 v3, $0x1;
	v3 =	vld [tilespmem:s22+$0x60];
	v6 =	vor.u32 v0, v6  }
.LBB2_6:
0x75: {  	s24 =	sshra.s32 s23, $0x2;
	p0 =	sne.s32 s23, $0x4E00;
	[tilespmem:s22+$0x0] =	vst v6;
	v6 =	vor.u32 v0, v7;
	v5 =	vshll.u32 v5, $0x1;
	v7 =	vld [tilespmem:s22+$0x70]  }
0x76: {  	v8 =	vld [tilespmem:s24+$0x0];
	[tilespmem:s22+$0x10] =	vst v6;
	v5 =	vor.u32 v0, v5;
	v4 =	vshll.u32 v4, $0x1  }
0x77: {  	v9 =	vld [tilespmem:s24+$0x10];
	[tilespmem:s22+$0x20] =	vst v5;
	v4 =	vor.u32 v0, v4;
	v1 =	vshll.u32 v1, $0x1  }
.Ltmp2:
0x78: {  	v5 =	vld [tilespmem:s24+$0x20];
	[tilespmem:s22+$0x30] =	vst v4;
	v1 =	vor.u32 v0, v1;
	v2 =	vshll.u32 v2, $0x1;
	(pc) =	sbr.rel @p0 .LBB2_6-.Ltmp2, $4  }
0x79: {  	v4 =	vld [tilespmem:s24+$0x30];
	[tilespmem:s22+$0x40] =	vst v1;
	v2 =	vor.u32 v0, v2;
	v3 =	vshll.u32 v3, $0x1  }
0x7a: {  	v1 =	vld [tilespmem:s24+$0x40];
	[tilespmem:s22+$0x50] =	vst v2;
	v3 =	vor.u32 v0, v3;
	v6 =	vshll.u32 v7, $0x1  }
0x7b: {  	v7 =	vshll.u32 v8, $0x1;
	v2 =	vld [tilespmem:s24+$0x50];
	[tilespmem:s22+$0x60] =	vst v3;
	v8 =	vor.u32 v0, v6  }
0x7c: {  	s23 =	sadd.s32 $0x200, s23;
	v6 =	vor.u32 v0, v7;
	v7 =	vshll.u32 v9, $0x1;
	v3 =	vld [tilespmem:s24+$0x60];
	[tilespmem:s22+$0x70] =	vst v8;
	s22 =	smov.u32 s24  }
0x7d: {  	[tilespmem:s22+$0x0] =	vst v6;
	v62 =	vor.u32 v0, v7;
	v5 =	vshll.u32 v5, $0x1;
	v63 =	vld [tilespmem:s22+$0x70]  }
0x7e: {  	[tilespmem:s22+$0x10] =	vst v62;
	v5 =	vor.u32 v0, v5;
	v4 =	vshll.u32 v4, $0x1  }
0x7f: {  	[tilespmem:s22+$0x20] =	vst v5;
	v4 =	vor.u32 v0, v4;
	v1 =	vshll.u32 v1, $0x1  }
0x80: {  	[tilespmem:s22+$0x30] =	vst v4;
	v1 =	vor.u32 v0, v1;
	v2 =	vshll.u32 v2, $0x1  }
0x81: {  	[tilespmem:s22+$0x40] =	vst v1;
	v1 =	vor.u32 v0, v2;
	v2 =	vshll.u32 v3, $0x1  }
0x82: {  	[tilespmem:s22+$0x50] =	vst v1;
	v1 =	vor.u32 v0, v2;
	v2 =	vshll.u32 v63, $0x1  }
0x83: {  	[tilespmem:s22+$0x60] =	vst v1;
	v1 =	vor.u32 v0, v2  }
0x84: {  	s28 =	simm.s32 $0x0;
	[tilespmem:s22+$0x70] =	vst v1  }
0x85: {  	[tilespmem:s14], [sflag:$0x1] =	stream.indirect.gather [hbm4b:s4+s13], $0x80, s28, s13, $0xb8;
	[tilespmem:$0x1E400] =	vst v63  }
0x86: {  	_ = 	snop  }
0x87: {  	[tilespmem:s15], [sflag:$0x2] =	stream.indirect.gather [hbm4b:s4+s13], $0x80, s13, s13, $0xb8;
	[tilespmem:$0x1E400] =	vst v63  }
0x88: {  	_ =	swait.ge [sflag:s16], $0x4000  }
0x89: {  	[sflag:s16] =	ssyncset.done $0x0  }
0x8a: {  	s29 =	simm.s32 $0x1400;
	[sflag:s16] =	ssyncadd.s32 $0xFFFFC000  }
0x8b: {  	[spmem:s2] =	stream.indirect.scatter.add.f32 [tilespmem:s14], [sflag:$0x3], $0x80, s29, s13, $0xb8;
	[tilespmem:$0x1E400] =	vst v63  }
0x8c: {  	_ =	swait.ge [sflag:s11], $0x4000  }
0x8d: {  	[sflag:s11] =	ssyncset.done $0x0  }
0x8e: {  	s30 =	simm.s32 $0x100;
	[sflag:s11] =	ssyncadd.s32 $0xFFFFC000  }
0x8f: {  	[tilespmem:s14], [sflag:$0x1] =	stream.indirect.gather [hbm4b:s4+s13], $0x80, s30, s13, $0xb8;
	[tilespmem:$0x1E400] =	vst v63  }
0x90: {  	_ =	swait.ge [sflag:s17], $0x4000  }
0x91: {  	[sflag:s17] =	ssyncset.done $0x0  }
0x92: {  	s31 =	simm.s32 $0x1480;
	[sflag:s17] =	ssyncadd.s32 $0xFFFFC000  }
0x93: {  	[spmem:s2] =	stream.indirect.scatter.add.f32 [tilespmem:s15], [sflag:$0x3], $0x80, s31, s13, $0xb8;
	[tilespmem:$0x1E400] =	vst v63  }
0x94: {  	_ =	swait.ge [sflag:s11], $0x4000  }
0x95: {  	[sflag:s11] =	ssyncset.done $0x0  }
0x96: {  	s23 =	simm.s32 $0x180;
	s22 =	simm.s32 $0x400;
	[sflag:s11] =	ssyncadd.s32 $0xFFFFC000  }
.LBB2_8:
0x97: {  	[tilespmem:s15], [sflag:$0x2] =	stream.indirect.gather [hbm4b:s4+s13], $0x80, s23, s13, $0xb8;
	[tilespmem:$0x1E400] =	vst v63  }
0x98: {  	s23 =	smov.u32 s22  }
0x99: {  	p0 =	sne.s32 s22, $0x4800;
	s22 =	sadd.s32 $0x400, s22;
	_ =	swait.ge [sflag:s16], $0x4000  }
0x9a: {  	s23 =	sshra.s32 s23, $0x2;
	[sflag:s16] =	ssyncset.done $0x0  }
0x9b: {  	s24 =	sadd.s32 $0x1400, s23;
	[sflag:s16] =	ssyncadd.s32 $0xFFFFC000  }
0x9c: {  	[spmem:s2] =	stream.indirect.scatter.add.f32 [tilespmem:s14], [sflag:$0x3], $0x80, s24, s13, $0xb8;
	[tilespmem:$0x1E400] =	vst v63  }
0x9d: {  	_ =	swait.ge [sflag:s11], $0x4000  }
0x9e: {  	[sflag:s11] =	ssyncset.done $0x0  }
0x9f: {  	s24 =	sadd.s32 $0x100, s23;
	[sflag:s11] =	ssyncadd.s32 $0xFFFFC000  }
0xa0: {  	[tilespmem:s14], [sflag:$0x1] =	stream.indirect.gather [hbm4b:s4+s13], $0x80, s24, s13, $0xb8;
	[tilespmem:$0x1E400] =	vst v63  }
0xa1: {  	_ =	swait.ge [sflag:s17], $0x4000  }
0xa2: {  	[sflag:s17] =	ssyncset.done $0x0  }
.Ltmp3:
0xa3: {  	s24 =	sadd.s32 $0x1480, s23;
	[sflag:s17] =	ssyncadd.s32 $0xFFFFC000;
	(pc) =	sbr.rel @p0 .LBB2_8-.Ltmp3, $4  }
0xa4: {  	[spmem:s2] =	stream.indirect.scatter.add.f32 [tilespmem:s15], [sflag:$0x3], $0x80, s24, s13, $0xb8;
	[tilespmem:$0x1E400] =	vst v63  }
0xa5: {  	_ =	swait.ge [sflag:s11], $0x4000  }
0xa6: {  	[sflag:s11] =	ssyncset.done $0x0  }
0xa7: {  	s23 =	sadd.s32 $0x180, s23;
	[sflag:s11] =	ssyncadd.s32 $0xFFFFC000  }
0xa8: {  	[tilespmem:s15], [sflag:$0x2] =	stream.indirect.gather [hbm4b:s4+s13], $0x80, s23, s13, $0xb8;
	[tilespmem:$0x1E400] =	vst v63  }
0xa9: {  	_ =	swait.ge [sflag:s16], $0x4000  }
0xaa: {  	[sflag:s16] =	ssyncset.done $0x0  }
0xab: {  	[sflag:s16] =	ssyncadd.s32 $0xFFFFC000  }
0xac: {  	[spmem:s2] =	stream.indirect.scatter.add.f32 [tilespmem:s14], [sflag:$0x3], $0x80, s18, s13, $0xb8;
	[tilespmem:$0x1E400] =	vst v63  }
0xad: {  	_ =	swait.ge [sflag:s11], $0x4000  }
0xae: {  	[sflag:s11] =	ssyncset.done $0x0  }
0xaf: {  	[sflag:s11] =	ssyncadd.s32 $0xFFFFC000  }
0xb0: {  	_ =	swait.ge [sflag:s17], $0x4000  }
0xb1: {  	[sflag:s17] =	ssyncset.done $0x0  }
0xb2: {  	[sflag:s17] =	ssyncadd.s32 $0xFFFFC000  }
0xb3: {  	[spmem:s2] =	stream.indirect.scatter.add.f32 [tilespmem:s15], [sflag:$0x3], $0x80, s19, s13, $0xb8;
	[tilespmem:$0x1E400] =	vst v63  }
0xb4: {  	_ =	swait.ge [sflag:s11], $0x4000  }
0xb5: {  	s21 =	sadd.s32 $0x1, s21;
	[sflag:s11] =	ssyncset.done $0x0  }
0xb6: {  	p0 =	sne.s32 s21, s9;
	[sflag:s11] =	ssyncadd.s32 $0xFFFFC000  }
.Ltmp4:
0xb7: {  	[bflag:$0x0] =	sbarrier.arrive $0xFFFF;
	(pc) =	sbr.rel @p0 .LBB2_1-.Ltmp4, $4  }
0xb8: {  	[hbm:s20], [sflag:s6] =	dma.local [spmem:s10], $0x2780  }
0xb9: {  	_ =	swait.ge [sflag:s11], $0x2780  }
0xba: {  	[sflag:s11] =	ssyncset.done $0x0  }
0xbb: {  	[sflag:s11] =	ssyncadd.s32 $0xFFFFD880  }
0xbc: {  	_ =	sfence.sel $0x180000  }
0xbd: {  	[bflag:$0x0] =	sbarrier.arrive $0xFFFF  }
0xbe: {  	p0 =	sne.s32 s1, $0x0;
	_ =	strace $0x9000004D  }
0xbf: {  	s0 =	sadd.s32 @!p0 $0x100000, s0;
	[bflag:$0x2] =	sbarrier.arrive $0xFFFF  }
0xc0: {  	[sflag:s0] =	ssyncadd.tile.s32 @!p0 $0x1;
	_ =	shalt  }
.Lfunc_end2:
_tile_overlayer_lowered:
.L_overlay_start_2:
0xc1: {  	(tag) =	ssettag $0x2  }
0xc2: {  	s0 =	rddreg [dreg:$0x0];
	s2 =	stileid.u32  }
0xc3: {  	s1 =	rddreg [dreg:$0x1];
	p0 =	sne.s32 s2, $0x0  }
0xc4: {  	s3 =	rddreg [dreg:$0x2];
	[bflag:$0x3] =	sbarrier.arrive $0xFFFF;
	s2 =	simm.s32 @!p0 $0x1C03  }
0xc5: {  	[timem:s3], [sflag:s2] =	dma.local @!p0 [hbm:s0], s1  }
0xc6: {  	s0 =	simm.s32 @!p0 $0x3  }
0xc7: {  	_ =	swait.ge @!p0 [sflag:s0], s1  }
0xc8: {  	s1 =	ssub.s32 @!p0 $0x0, s1;
	[sflag:s0] =	ssyncset.done @!p0 $0x0  }
0xc9: {  	[sflag:s0] =	ssyncadd.s32 @!p0 s1  }
0xca: {  	[bflag:$0x3] =	sbarrier.arrive $0xFFFF  }
0xcb: {  	_ =	shalt  }

// kernel: kernel.9.cloned.1.call-start
scs
__scs_entry_jumppad:
0x0: {  	(pc) =	sbr.rel $0x88, $3  }
0x1: {  	(tag) =	ssettag $0x0;
	lr =	simm.s32 $0x1  }
0x2: {  	[smem:$0x3F93] =	sst lr;
	_ =	strace $0xD0000000  }
0x3: {  	_ = 	snop  }
0x4: {  	_ = 	snop  }
0x5: {  	_ = 	snop  }
0x6: {  	_ = 	snop  }
0x7: {  	_ = 	snop  }
__scs_overlays_trampoline_lowered:
0x8: {  	[smem:$0x3FA2] =	sst s0  }
0x9: {  	[smem:$0x3FA3] =	sst s1  }
0xa: {  	[smem:$0x3FA4] =	sst s2  }
0xb: {  	[smem:$0x3FA5] =	sst s3  }
0xc: {  	[smem:$0x3FA6] =	sst s4  }
0xd: {  	[smem:$0x3FA7] =	sst s5  }
0xe: {  	[smem:$0x3FA8] =	sst s6  }
0xf: {  	[smem:$0x3FA9] =	sst s7  }
0x10: {  	[smem:$0x3FAA] =	sst s8  }
0x11: {  	[smem:$0x3FAB] =	sst s9;
	s0 =	simm.s32 @!p0 $0x0  }
0x12: {  	s1 =	sld [smem:$0x3F91];
	s0 =	simm.s32 @p0 $0x1  }
0x13: {  	[smem:$0x3FAC] =	sst s0;
	s0 =	simm.s32 @!p1 $0x0  }
0x14: {  	s2 =	sld [smem:$0x3F90];
	s0 =	simm.s32 @p1 $0x1  }
0x15: {  	[smem:$0x3FAD] =	sst s0;
	s0 =	simm.s32 @!p2 $0x0  }
0x16: {  	s3 =	sld [smem:$0x3FDB];
	s0 =	simm.s32 @p2 $0x1  }
0x17: {  	s4 =	simm.s32 $0x1BF5;
	[smem:$0x3FAF] =	sst s0  }
0x18: {  	s0 =	sld [smem:$0x3F92];
	_ =	swait.ge [sflag:s4], $0x0  }
0x19: {  	s7 =	sld [smem:$0x3F93]  }
0x1a: {  	s8 =	sadd.s32 $0xFFFFE003, lr  }
0x1b: {  	s9 =	sadd.s32 $0xFFFFFEF7, lr;
	s5 =	simm.s32 $0xFFFFFFFF;
	p2 =	slt.u32 s8, $0xFFFFF086  }
0x1c: {  	p1 =	slt.u32 s9, $0xF7A;
	s5 =	simm.s32 @!p2 $0x0  }
0x1d: {  	s5 =	simm.s32 @p1 $0x1;
	p0 =	seq.s32 s7, s2  }
0x1e: {  	s7 =	smul.u32 @!p0 $0xF7A, s2;
	p2 =	seq.s32 @!p0 s5, $0x0  }
0x1f: {  	s9 =	smul.u32 $0xF7A, s1;
	s8 =	simm.s32 @!p0 $0x1BF5;
	p2 =	por !p2, p0  }
0x20: {  	[sflag:s8] =	ssyncset.s32 @!p0 $0xFFFFF086;
	s6 =	sadd.s32 @!p0 s3, s7;
	s7 =	simm.s32 @!p0 $0x108  }
0x21: {  	s3 =	sadd.s32 s3, s9;
	s6 =	sadd.s32 @!p0 $0x88, s6;
	s7 =	simm.s32 @p2 $0x1082  }
0x22: {  	[simem:s7], [sflag:s8] =	dma.local @!p0 [hbm:s6], $0xF7A  }
0x23: {  	s9 =	sor.u32 $0xD0000000, s2;
	s6 =	simm.s32 $0x108;
	_ =	swait.ge @!p0 [sflag:s8], $0x0  }
0x24: {  	s3 =	sadd.s32 $0x88, s3;
	s6 =	simm.s32 @!p1 $0x1082;
	[sflag:s4] =	ssyncset.s32 $0xFFFFF086  }
0x25: {  	[simem:s6], [sflag:s4] =	dma.local [hbm:s3], $0xF7A  }
0x26: {  	[smem:$0x3F93] =	sst s1;
	(tag) =	ssettag s2;
	_ =	strace s9  }
0x27: {  	s1 =	sld [smem:$0x3FA3]  }
0x28: {  	s2 =	sld [smem:$0x3FA4]  }
0x29: {  	s4 =	sld [smem:$0x3FA6]  }
0x2a: {  	p0 =	seq.s32 s5, $0x0;
	s5 =	sld [smem:$0x3FA7]  }
0x2b: {  	s6 =	sld [smem:$0x3FA8]  }
0x2c: {  	s7 =	sld [smem:$0x3FA9]  }
0x2d: {  	s3 =	simm.s32 $0x108;
	s8 =	sld [smem:$0x3FAA]  }
0x2e: {  	s3 =	simm.s32 @!p0 $0x1082;
	s9 =	sld [smem:$0x3FAB]  }
0x2f: {  	lr =	sadd.s32 s0, s3;
	s0 =	sld [smem:$0x3FA2]  }
0x30: {  	s3 =	sld [smem:$0x3FA5]  }
0x31: {  	[smem:$0x3FAE] =	sst s10  }
0x32: {  	s10 =	sld [smem:$0x3FAC];
	_ =	sdelay $0x3  }
0x33: {  	p0 =	seq.s32 s10, $0x1;
	s10 =	sld [smem:$0x3FAE];
	_ =	sdelay $0x3  }
0x34: {  	[smem:$0x3FAE] =	sst s10  }
0x35: {  	s10 =	sld [smem:$0x3FAD];
	_ =	sdelay $0x3  }
0x36: {  	p1 =	seq.s32 s10, $0x1;
	s10 =	sld [smem:$0x3FAE];
	_ =	sdelay $0x3  }
0x37: {  	[smem:$0x3FAE] =	sst s10  }
0x38: {  	s10 =	sld [smem:$0x3FAF]  }
0x39: {  	_ = 	snop;
	(pc) =	sbr.ind lr, $3  }
0x3a: {  	_ = 	snop  }
0x3b: {  	_ = 	snop  }
0x3c: {  	p2 =	seq.s32 s10, $0x1;
	s10 =	sld [smem:$0x3FAE]  }
0x3d: {  	_ =	shalt  }
0x3e: {  	_ =	shalt  }
0x3f: {  	_ =	shalt  }
0x40: {  	_ =	shalt  }
0x41: {  	_ =	shalt  }
0x42: {  	_ =	shalt  }
0x43: {  	_ =	shalt  }
0x44: {  	_ =	shalt  }
0x45: {  	_ =	shalt  }
0x46: {  	_ =	shalt  }
0x47: {  	_ =	shalt  }
0x48: {  	_ =	shalt  }
0x49: {  	_ =	shalt  }
0x4a: {  	_ =	shalt  }
0x4b: {  	_ =	shalt  }
0x4c: {  	_ =	shalt  }
0x4d: {  	_ =	shalt  }
0x4e: {  	_ =	shalt  }
0x4f: {  	_ =	shalt  }
0x50: {  	_ =	shalt  }
0x51: {  	_ =	shalt  }
0x52: {  	_ =	shalt  }
0x53: {  	_ =	shalt  }
0x54: {  	_ =	shalt  }
0x55: {  	_ =	shalt  }
0x56: {  	_ =	shalt  }
0x57: {  	_ =	shalt  }
0x58: {  	_ =	shalt  }
0x59: {  	_ =	shalt  }
0x5a: {  	_ =	shalt  }
0x5b: {  	_ =	shalt  }
0x5c: {  	_ =	shalt  }
0x5d: {  	_ =	shalt  }
0x5e: {  	_ =	shalt  }
0x5f: {  	_ =	shalt  }
0x60: {  	_ =	shalt  }
0x61: {  	_ =	shalt  }
0x62: {  	_ =	shalt  }
0x63: {  	_ =	shalt  }
0x64: {  	_ =	shalt  }
0x65: {  	_ =	shalt  }
0x66: {  	_ =	shalt  }
0x67: {  	_ =	shalt  }
0x68: {  	_ =	shalt  }
0x69: {  	_ =	shalt  }
0x6a: {  	_ =	shalt  }
0x6b: {  	_ =	shalt  }
0x6c: {  	_ =	shalt  }
0x6d: {  	_ =	shalt  }
0x6e: {  	_ =	shalt  }
0x6f: {  	_ =	shalt  }
0x70: {  	_ =	shalt  }
0x71: {  	_ =	shalt  }
0x72: {  	_ =	shalt  }
0x73: {  	_ =	shalt  }
0x74: {  	_ =	shalt  }
0x75: {  	_ =	shalt  }
0x76: {  	_ =	shalt  }
0x77: {  	_ =	shalt  }
0x78: {  	_ =	shalt  }
0x79: {  	_ =	shalt  }
0x7a: {  	_ =	shalt  }
0x7b: {  	_ =	shalt  }
0x7c: {  	_ =	shalt  }
0x7d: {  	_ =	shalt  }
0x7e: {  	_ =	shalt  }
0x7f: {  	_ =	shalt  }
0x80: {  	_ =	shalt  }
0x81: {  	_ =	shalt  }
0x82: {  	_ =	shalt  }
0x83: {  	_ =	shalt  }
0x84: {  	_ =	shalt  }
0x85: {  	_ =	shalt  }
0x86: {  	_ =	shalt  }
0x87: {  	_ =	shalt  }
.Lfunc_end0:
.L_simem_size_0:
called_computation_lowered:
.L_overlay_start_0:
0x88: {  	s2 =	sld [smem:$0x3FD9]  }
0x89: {  	s3 =	sld [smem:$0x3FFE];
	_ =	sdelay $0x1  }
0x8a: {  	s1 =	srdreg.scid  }
0x8b: {  	s0 =	sand.u32 $0x1, s1  }
0x8c: {  	s14 =	sshll.u32 s0, $0xA;
	s2 =	sadd.s32 s3, s2  }
0x8d: {  	s2 =	sadd.s32 s2, s14  }
0x8e: {  	[smem:$0x3FBA] =	sst s2  }
0x8f: {  	_ = 	snop  }
0x90: {  	s2 =	sld [smem:$0x3FD0];
	_ =	sdelay $0x2  }
0x91: {  	s15 =	simm.s32 $0xA;
	s4 =	simm.s32 $0x10  }
0x92: {  	[smem:s4], [sflag:s15] =	dma.local [hbm:s2], $0x1  }
0x93: {  	_ =	swait.eq [sflag:s15], $0x1  }
0x94: {  	[sflag:s15] =	ssyncset.done $0x0  }
0x95: {  	[sflag:s15] =	ssyncadd.s32 $0xFFFFFFFF  }
0x96: {  	s16 =	sld [smem:$0x10];
	(tm) =	ssettm $0x1  }
0x97: {  	s17 =	sld [smem:$0x3FFB];
	_ =	sdelay $0x3  }
0x98: {  	_ =	strace s17  }
0x99: {  	s3 =	sld [smem:$0x3FFC];
	_ =	sdelay $0x3  }
0x9a: {  	_ =	strace s3  }
0x9b: {  	s3 =	sld [smem:$0x3FFD];
	_ =	sdelay $0x3  }
0x9c: {  	_ =	strace s3  }
0x9d: {  	_ =	strace $0x8FFFFFFF  }
0x9e: {  	s18 =	sld [smem:$0x3FDB];
	_ =	sdelay $0x1  }
0x9f: {  	s19 =	simm.s32 $_scs_section_size  }
0xa0: {  	s5 =	simm.s32 $_size__tile_overlayer_lowered;
	s6 =	simm.s32 $_tile_overlayer_lowered  }
0xa1: {  	s22 =	simm.s32 $0x1BFF;
	s21 =	sshll.u32 s6, $0x1;
	s3 =	sadd.s32 s19, s18  }
0xa2: {  	s7 =	simm.s32 $0x0;
	s20 =	sshll.u32 s5, $0x1;
	s5 =	sadd.s32 s21, s3  }
0xa3: {  	[timem:s7], [sflag:s22] =	dma.local [hbm:s5], s20  }
0xa4: {  	_ =	swait.ge [sflag:s22], s20  }
0xa5: {  	s4 =	ssub.s32 $0x0, s20;
	[sflag:s22] =	ssyncset.done $0x0  }
0xa6: {  	[sflag:s22] =	ssyncadd.s32 s4;
	_ =	sdelay $0x1  }
0xa7: {  	s23 =	simm.s32 $0x1B8B  }
0xa8: {  	_ =	swait.ge [sflag:s23], $0x1  }
0xa9: {  	[sflag:s23] =	ssyncset.done $0x0  }
0xaa: {  	s25 =	simm.s32 $0x1B8E;
	s24 =	sld [smem:$0x3FFE];
	[sflag:s23] =	ssyncadd.s32 $0xFFFFFFFF  }
0xab: {  	s26 =	simm.s32 $execute0_lowered;
	[smem:$0x3FD2] =	sst s25  }
0xac: {  	s5 =	sshll.u32 s26, $0x1;
	_ =	strace $0x80000046;
	[dreg:$0x1] =	wrdreg $0xFFFFFFFF  }
0xad: {  	s28 =	simm.s32 $_size_execute0_lowered;
	s3 =	sadd.s32 s3, s5;
	[dreg:$0x0] =	wrdreg $0x0  }
0xae: {  	s5 =	sshll.u32 s28, $0x1;
	[dreg:$0x2] =	wrdreg s3  }
0xaf: {  	[dreg:$0x3] =	wrdreg s5  }
0xb0: {  	[dreg:$0x4] =	wrdreg $0xC0  }
0xb1: {  	_ =	task [dreg:s7], $0x5FFFF  }
0xb2: {  	[dreg:$0x1] =	wrdreg $0xFFFFFFFF  }
0xb3: {  	[dreg:$0x0] =	wrdreg $0x60  }
0xb4: {  	[dreg:$0x2] =	wrdreg s16  }
0xb5: {  	[dreg:$0x3] =	wrdreg s24  }
0xb6: {  	[dreg:$0x4] =	wrdreg $0x68000  }
0xb7: {  	[dreg:$0x5] =	wrdreg $0x9  }
0xb8: {  	_ =	task.clear_ibuf [dreg:s7], $0x6FFFF;
	_ =	strace $0x90000046  }
0xb9: {  	s29 =	simm.s32 $0x9;
	_ =	strace $0x80000048  }
0xba: {  	_ =	swait.ge [sflag:s29], $0x1  }
0xbb: {  	[sflag:s29] =	ssyncadd.s32 $0xFFFFFFFF  }
0xbc: {  	_ =	strace $0x90000048  }
0xbd: {  	_ =	sfence  }
0xbe: {  	s30 =	sld [smem:$0x0];
	_ =	sdelay $0x2  }
0xbf: {  	s31 =	sshll.u32 s1, $0xD;
	s1 =	sshrl.u32 s1, $0x2  }
0xc0: {  	s3 =	sand.u32 $0x4000, s31;
	s1 =	sadd.s32 s1, s30  }
0xc1: {  	s0 =	sor.u32 s3, s0;
	s1 =	sshll.u32 s1, $0x11  }
0xc2: {  	s0 =	sor.u32 s1, s0  }
0xc3: {  	s0 =	sadd.s32 $0x8F2B, s0  }
0xc4: {  	[sflag:s0] =	ssyncadd.remote.s32 $0x1  }
0xc5: {  	_ =	sfence.sel $0xFFFF  }
0xc6: {  	[dreg:$0x0] =	wrdreg $0xFFFFFFFF;
	(pc) =	sbr.abs _section_cstart, $3  }
0xc7: {  	[dreg:$0x1] =	wrdreg $0xFFFFFFFF  }
0xc8: {  	_ =	task.clear_ibuf [dreg:s7], $0x2FFFF;
	_ =	strace $0x9FFFFFFF  }
0xc9: {  	(tm) =	ssettm $0x7FFFFFFF  }
tec
execute0_lowered:
.L_overlay_start_1:
0x0: {  	(tag) =	ssettag $0x1  }
0x1: {  	s6 =	rddreg [dreg:$0x0]  }
0x2: {  	s7 =	rddreg [dreg:$0x1]  }
0x3: {  	s1 =	rddreg [dreg:$0x2];
	s3 =	srdreg.scid  }
0x4: {  	s0 =	rddreg [dreg:$0x3];
	s8 =	sand.u32 $0x1, s3  }
0x5: {  	s2 =	simm.s32 $0x0;
	s3 =	stileid.u32;
	s9 =	smul.u32 $0x27800, s8  }
0x6: {  	[smem:$0x7FF] =	sst s2;
	s11 =	smul.u32 $0x4F000, s3  }
0x7: {  	s4 =	sadd.s32 $0xDC00, s7;
	s10 =	ssub.s32 $0x2, s8;
	s8 =	smul.u32 $0x5000, s8  }
0x8: {  	s5 =	sadd.s32 $0xE400, s7;
	_ =	strace $0x80000047;
	s30 =	smul.u32 $0x500, s3  }
0x9: {  	s15 =	smul.u32 $0x2780, s3;
	s31 =	sshll.u32 s3, $0x6;
	s12 =	sshrl.u32 s10, $0x1  }
0xa: {  	s7 =	sadd.s32 s9, s7;
	s26 =	ssub.s32 s10, s12;
	s28 =	sshrl.u32 s11, $0x2  }
0xb: {  	s29 =	sadd.s32 s6, s8;
	s8 =	simm.s32 $0x1;
	s10 =	sor.u32 $0x1C01, s31  }
0xc: {  	s12 =	simm.s32 $0x80;
	s13 =	sadd.s32 s28, s1;
	s14 =	sadd.s32 $0x10C00, s7  }
0xd: {  	s6 =	smax.u32 s26, $0x1;
	s7 =	simm.s32 $0x2800;
	s9 =	sadd.s32 s30, s29  }
0xe: {  	s11 =	sshrl.u32 s13, $0x3;
	s13 =	sadd.s32 s15, s14;
	s14 =	simm.s32 $0x0  }
.LBB2_1:
0xf: {  	[tilespmem:s7], [sflag:$0x1] =	stream.linear.gather [hbm4b:s4+s2], $0x4000, $0x38;
	[tilespmem:$0x1A400] =	vst v63  }
0x10: {  	_ =	swait.ge [sflag:s8], $0x4000  }
0x11: {  	[sflag:s8] =	ssyncset.done $0x0  }
0x12: {  	[sflag:s8] =	ssyncadd.s32 $0xFFFFC000  }
0x13: {  	[tilespmem:s2], [sflag:$0x1] =	stream.linear.gather [hbm4b:s9+s2], $0x2800, $0x38;
	[tilespmem:$0x1A400] =	vst v63  }
0x14: {  	_ =	swait.ge [sflag:s8], $0x2800  }
0x15: {  	[sflag:s8] =	ssyncset.done $0x0  }
0x16: {  	[sflag:s8] =	ssyncadd.s32 $0xFFFFD800  }
0x17: {  	[spmem:s11], [sflag:s10] =	dma.local [hbm:s5], $0x2780  }
0x18: {  	_ =	swait.ge [sflag:s8], $0x2780  }
0x19: {  	[sflag:s8] =	ssyncset.done $0x0  }
0x1a: {  	[sflag:s8] =	ssyncadd.s32 $0xFFFFD880  }
0x1b: {  	s15 =	simm.s32 $0x0;
	[bflag:$0x0] =	sbarrier.arrive $0xFFFF  }
0x1c: {  	[spmem:s1] =	stream.indirect.scatter.add.f32 [tilespmem:s7], [sflag:$0x1], $0x80, s15, s12, $0xb8;
	[tilespmem:$0x1A400] =	vst v63  }
0x1d: {  	_ =	swait.ge [sflag:s8], $0x4000  }
0x1e: {  	s15 =	simm.s32 $0x200;
	[sflag:s8] =	ssyncset.done $0x0  }
.LBB2_2:
0x1f: {  	s16 =	sshra.s32 s15, $0x2;
	[sflag:s8] =	ssyncadd.s32 $0xFFFFC000;
	p0 =	sne.s32 s15, $0x9E00  }
0x20: {  	[spmem:s1] =	stream.indirect.scatter.add.f32 [tilespmem:s7], [sflag:$0x1], $0x80, s16, s12, $0xb8;
	[tilespmem:$0x1A400] =	vst v63  }
.Ltmp0:
0x21: {  	_ = 	snop;
	(pc) =	sbr.rel @p0 .LBB2_2-.Ltmp0, $4  }
0x22: {  	_ = 	snop  }
0x23: {  	s15 =	sadd.s32 $0x200, s15  }
0x24: {  	_ =	swait.ge [sflag:s8], $0x4000  }
0x25: {  	[sflag:s8] =	ssyncset.done $0x0  }
0x26: {  	s14 =	sadd.s32 $0x1, s14  }
0x27: {  	[sflag:s8] =	ssyncadd.s32 $0xFFFFC000;
	p0 =	sne.s32 s14, s6  }
.Ltmp1:
0x28: {  	[bflag:$0x0] =	sbarrier.arrive $0xFFFF;
	(pc) =	sbr.rel @p0 .LBB2_1-.Ltmp1, $4  }
0x29: {  	[hbm:s13], [sflag:s10] =	dma.local [spmem:s11], $0x2780  }
0x2a: {  	_ =	swait.ge [sflag:s8], $0x2780  }
0x2b: {  	[sflag:s8] =	ssyncset.done $0x0  }
0x2c: {  	[sflag:s8] =	ssyncadd.s32 $0xFFFFD880  }
0x2d: {  	_ =	sfence.sel $0x180000  }
0x2e: {  	[bflag:$0x0] =	sbarrier.arrive $0xFFFF  }
0x2f: {  	p0 =	sne.s32 s3, $0x0;
	_ =	strace $0x90000047  }
0x30: {  	s0 =	sadd.s32 @!p0 $0x100000, s0;
	[bflag:$0x2] =	sbarrier.arrive $0xFFFF  }
0x31: {  	[sflag:s0] =	ssyncadd.tile.s32 @!p0 $0x1;
	_ =	shalt  }
.Lfunc_end2:
_tile_overlayer_lowered:
.L_overlay_start_2:
0x32: {  	(tag) =	ssettag $0x2  }
0x33: {  	s0 =	rddreg [dreg:$0x0];
	s2 =	stileid.u32  }
0x34: {  	s1 =	rddreg [dreg:$0x1];
	p0 =	sne.s32 s2, $0x0  }
0x35: {  	s3 =	rddreg [dreg:$0x2];
	[bflag:$0x3] =	sbarrier.arrive $0xFFFF;
	s2 =	simm.s32 @!p0 $0x1C01  }
0x36: {  	[timem:s3], [sflag:s2] =	dma.local @!p0 [hbm:s0], s1  }
0x37: {  	s0 =	simm.s32 @!p0 $0x1  }
0x38: {  	_ =	swait.ge @!p0 [sflag:s0], s1  }
0x39: {  	s1 =	ssub.s32 @!p0 $0x0, s1;
	[sflag:s0] =	ssyncset.done @!p0 $0x0  }
0x3a: {  	[sflag:s0] =	ssyncadd.s32 @!p0 s1  }
0x3b: {  	[bflag:$0x3] =	sbarrier.arrive $0xFFFF  }
0x3c: {  	_ =	shalt  }

</sc_bundles>
